<compile_context>
chip_gen: v7x
topology: tpu7x:2x2x1
jax: 0.10.2.dev20260603
libtpu: 0.0.44.dev20260713+nightly
codegen_flags: <defaults>
</compile_context>

<pallas_src>
import functools

import jax
import jax.numpy as jnp
from jax import lax
from jax.experimental import pallas as pl
from jax.experimental.pallas import tpu as pltpu
from jax.experimental.pallas import tpu_sc as plsc

NC = 2
NS = 16
L = 16

B, CH, Q, D = 64, 2, 32, 2048
NB = 29
NBP = 32
HSZ = L * NBP
QC = 8
NQC = Q // QC
B_PER_W = B // (NC * NS)


NCHUNK = B_PER_W * NQC


def _vperm(x, idx):
    return lax.gather(
        x, idx[:, None],
        dimension_numbers=lax.GatherDimensionNumbers(
            offset_dims=(), collapsed_slice_dims=(0,), start_index_map=(0,)),
        slice_sizes=(1,),
        mode=lax.GatherScatterMode.PROMISE_IN_BOUNDS)


def _sc_body(sim_hbm, w_hbm, out_hbm, sim_buf, w_buf, hist, out_stage,
             sem0, sem1):
    wid = lax.axis_index("s") * NC + lax.axis_index("c")
    lane = lax.broadcasted_iota(jnp.int32, (L,), 0)
    lane_adj0 = lane * NBP - 0x4B000000
    lane_adj1 = lane_adj0 + HSZ
    lane_div4 = lane >> 2
    shamt = (lane & 3) * 8
    zeros16 = jnp.zeros((L,), jnp.float32)
    sems = (sem0, sem1)

    for v in range((CH * HSZ) // L):
        hist[pl.ds(v * L, L)] = zeros16

    def bq(t):
        b_off = t // NQC
        qc = t - b_off * NQC
        return wid * B_PER_W + b_off, qc

    def issue(t, p):
        b, qc = bq(t)
        pltpu.async_copy(w_hbm.at[b, pl.ds(qc * QC, QC)],
                         w_buf.at[p], sems[p])
        pltpu.async_copy(sim_hbm.at[b, 0, pl.ds(qc * QC, QC)],
                         sim_buf.at[p, 0], sems[p])
        pltpu.async_copy(sim_hbm.at[b, 1, pl.ds(qc * QC, QC)],
                         sim_buf.at[p, 1], sems[p])

    def wait(t, p):
        b, qc = bq(t)
        pltpu.make_async_copy(w_hbm.at[b, pl.ds(qc * QC, QC)],
                              w_buf.at[p], sems[p]).wait()
        pltpu.make_async_copy(sim_hbm.at[b, 0, pl.ds(qc * QC, QC)],
                              sim_buf.at[p, 0], sems[p]).wait()
        pltpu.make_async_copy(sim_hbm.at[b, 1, pl.ds(qc * QC, QC)],
                              sim_buf.at[p, 1], sems[p]).wait()

    def compute(t, p):
        b, qc = bq(t)

        def q_body(q, _, p=p, qc=qc):
            @plsc.parallel_loop(0, D // L, unroll=8)
            def _(i, q=q, p=p):
                off = i * L
                wv = w_buf[p, q, pl.ds(off, L)]
                s0 = sim_buf[p, 0, q, pl.ds(off, L)]
                s1 = sim_buf[p, 1, q, pl.ds(off, L)]
                u0 = (s0 * 14.0 + 13.50014) + 8388608.0
                u1 = (s1 * 14.0 + 13.50014) + 8388608.0
                plsc.addupdate_scatter(
                    hist, [plsc.bitcast(u0, jnp.int32) + lane_adj0], wv)
                plsc.addupdate_scatter(
                    hist, [plsc.bitcast(u1, jnp.int32) + lane_adj1], wv)

            qg = qc * QC + q
            for ch in range(CH):
                base = ch * HSZ
                lo = hist[pl.ds(base, L)]
                hi = hist[pl.ds(base + L, L)]
                hist[pl.ds(base, L)] = zeros16
                hist[pl.ds(base + L, L)] = zeros16
                for l in range(1, L):
                    o = base + l * NBP
                    lo = lo + hist[pl.ds(o, L)]
                    hi = hi + hist[pl.ds(o + L, L)]
                    hist[pl.ds(o, L)] = zeros16
                    hist[pl.ds(o + L, L)] = zeros16
                out_stage[ch, qg, pl.ds(0, L)] = lo
                out_stage[ch, qg, pl.ds(L, L)] = hi
            return 0

        lax.fori_loop(0, QC, q_body, 0)
        @pl.when(qc == NQC - 1)
        def _():
            pltpu.sync_copy(out_stage, out_hbm.at[b])

    issue(0, 0)
    def pair_body(tp, _):
        t0 = 2 * tp
        issue(t0 + 1, 1)
        wait(t0, 0)
        compute(t0, 0)

        @pl.when(tp < NCHUNK // 2 - 1)
        def _():
            issue(t0 + 2, 0)

        wait(t0 + 1, 1)
        compute(t0 + 1, 1)
        return 0

    lax.fori_loop(0, NCHUNK // 2, pair_body, 0)


_hist_kernel = functools.partial(
    pl.kernel,
    mesh=plsc.VectorSubcoreMesh(core_axis_name="c", subcore_axis_name="s",
                                num_cores=NC, num_subcores=NS),
    out_type=jax.ShapeDtypeStruct((B, CH, Q, NBP), jnp.float32),
    scratch_types=[
        pltpu.VMEM((2, CH, QC, D), jnp.float32),
        pltpu.VMEM((2, QC, D), jnp.float32),
        pltpu.VMEM((CH * HSZ,), jnp.float32),
        pltpu.VMEM((CH, Q, NBP), jnp.float32),
        pltpu.SemaphoreType.DMA,
        pltpu.SemaphoreType.DMA,
    ],
    compiler_params=pltpu.CompilerParams(needs_layout_passes=False),
)(_sc_body)


def kernel(simmat, dlens, mask):
    del dlens
    out_pad = _hist_kernel(simmat, mask.astype(jnp.float32))
    return out_pad[..., :NB]

# --- scband reference (transcript-rebuilt; emitter-appended) ---
"""Pipeline reference for scband-count-histogram-33809982554604 (READ-ONLY COPY).

The authoritative reference and input builder live on the scoring server;
editing this copy changes nothing except your own understanding.
"""

import jax, jax.numpy as jnp
import numpy as np

NBINS = 29

def setup_inputs(seed: int = 0) -> dict:
    key = jax.random.key(seed)
    k1, k2, k3 = jax.random.split(key, 3)
    simmat = jax.random.uniform(k1, (64, 2, 32, 2048), dtype=jnp.float32)
    dlens = jax.random.randint(k2, (64,), 0, 2048, dtype=jnp.int32)
    mask = jax.random.randint(k3, (64, 32, 2048), 0, 2, dtype=jnp.int32).astype(jnp.bool_)
    return {"simmat": simmat, "dlens": dlens, "mask": mask}

def reference(simmat, dlens, mask):
    nbins = NBINS
    # bins = ((simmat + 1.00001) / 2.0 * (nbins - 1)).int()
    bins = ((simmat + 1.00001) / 2.0 * (nbins - 1)).astype(jnp.int32)
    weights = mask.astype(jnp.float32)
    B, CH, Q, D = simmat.shape
    # weights[i] (shape [Q, D]) is shared across the CH channel dimension,
    # matching the torch loop: zip(b, w) pairs bins[i][j][q] with weights[i][q]
    w = jnp.broadcast_to(weights[:, None, :, :], (B, CH, Q, D))
    rows = B * CH * Q
    bins_flat = bins.reshape(rows, D)
    w_flat = w.reshape(rows, D)
    row_idx = jnp.broadcast_to(jnp.arange(rows)[:, None], (rows, D))
    # weighted bincount per row via scatter-add
    hist = jnp.zeros((rows, nbins), dtype=jnp.float32).at[row_idx, bins_flat].add(w_flat)
    return hist.reshape(B, CH, Q, nbins)

if __name__ == "__main__":
    import jax
    _d = setup_inputs()
    print(jax.jit(kernel)(*tuple(_d.values())))

</pallas_src>

<mosaic_0001>
#map = affine_map<(d0, d1) -> (0, 0, 0, 0)>
#map1 = affine_map<(d0, d1) -> (0, 0, 0)>
module attributes {stable_mosaic.version = 14 : i64} {
  func.func @_sc_body(%arg0: i32, %arg1: i32, %arg2: memref<64x2x32x2048xf32, #tpu.memory_space<hbm>>, %arg3: memref<64x32x2048xf32, #tpu.memory_space<hbm>>, %arg4: memref<64x2x32x32xf32, #tpu.memory_space<hbm>>, %arg5: memref<2x2x8x2048xf32, #tpu.memory_space<vmem>>, %arg6: memref<2x8x2048xf32, #tpu.memory_space<vmem>>, %arg7: memref<1024xf32, #tpu.memory_space<vmem>>, %arg8: memref<2x32x32xf32, #tpu.memory_space<vmem>>, %arg9: memref<!tpu.dma_semaphore, #tpu.memory_space<semaphore_mem>>, %arg10: memref<!tpu.dma_semaphore, #tpu.memory_space<semaphore_mem>>) attributes {dimension_semantics = [#tpu.dimension_semantics<core_parallel>, #tpu.dimension_semantics<subcore_parallel>], iteration_bounds = array<i64: 2, 16>, scalar_prefetch = 0 : i64, scratch_operands = 6 : i64, tpu.core_type = #tpu.core_type<sc_vector_subcore>, window_params = [{transform_indices = #map}, {transform_indices = #map1}, {transform_indices = #map}]} {
    %mul3A = arith.constant 2 : i32
    %mul3A_0 = arith.muli %arg1, %mul3A : i32
    %add3A = arith.addi %mul3A_0, %arg0 : i32
    %iota3A = tpu.iota {dimensions = array<i32: 0>} : vector<16xi32>
    %mul3A_1 = arith.constant 32 : i32
    %mul3A_2 = vector.broadcast %mul3A_1 : i32 to vector<16xi32>
    %mul3A_3 = arith.muli %iota3A, %mul3A_2 : vector<16xi32>
    %sub3A = arith.constant 1258291200 : i32
    %sub3A_4 = vector.broadcast %sub3A : i32 to vector<16xi32>
    %sub3A_5 = arith.subi %mul3A_3, %sub3A_4 : vector<16xi32>
    %add3A_6 = arith.constant 512 : i32
    %add3A_7 = vector.broadcast %add3A_6 : i32 to vector<16xi32>
    %add3A_8 = arith.addi %sub3A_5, %add3A_7 : vector<16xi32>
    %shift_right_arithmetic3A = arith.constant 2 : i32
    %shift_right_arithmetic3A_9 = vector.broadcast %shift_right_arithmetic3A : i32 to vector<16xi32>
    %shift_right_arithmetic3A_10 = arith.shrsi %iota3A, %shift_right_arithmetic3A_9 : vector<16xi32>
    %and3A = arith.constant 3 : i32
    %and3A_11 = vector.broadcast %and3A : i32 to vector<16xi32>
    %and3A_12 = arith.andi %iota3A, %and3A_11 : vector<16xi32>
    %mul3A_13 = arith.constant 8 : i32
    %mul3A_14 = vector.broadcast %mul3A_13 : i32 to vector<16xi32>
    %mul3A_15 = arith.muli %and3A_12, %mul3A_14 : vector<16xi32>
    %broadcast_in_dim3A = arith.constant 0.000000e+00 : f32
    %broadcast_in_dim3A_16 = vector.broadcast %broadcast_in_dim3A : f32 to vector<16xf32>
    %swap3A = arith.constant 0 : index
    %swap3A_17 = tpu.vector_load %arg7[%swap3A] {strides = array<i32>} : memref<1024xf32, #tpu.memory_space<vmem>>, vector<16xf32>,
    tpu.vector_store %arg7[%swap3A], %broadcast_in_dim3A_16 {strides = array<i32>} : memref<1024xf32, #tpu.memory_space<vmem>>, vector<16xf32>,
    %swap3A_18 = arith.constant 16 : index
    %swap3A_19 = tpu.vector_load %arg7[%swap3A_18] {strides = array<i32>} : memref<1024xf32, #tpu.memory_space<vmem>>, vector<16xf32>,
    tpu.vector_store %arg7[%swap3A_18], %broadcast_in_dim3A_16 {strides = array<i32>} : memref<1024xf32, #tpu.memory_space<vmem>>, vector<16xf32>,
    %swap3A_20 = arith.constant 32 : index
    %swap3A_21 = tpu.vector_load %arg7[%swap3A_20] {strides = array<i32>} : memref<1024xf32, #tpu.memory_space<vmem>>, vector<16xf32>,
    tpu.vector_store %arg7[%swap3A_20], %broadcast_in_dim3A_16 {strides = array<i32>} : memref<1024xf32, #tpu.memory_space<vmem>>, vector<16xf32>,
    %swap3A_22 = arith.constant 48 : index
    %swap3A_23 = tpu.vector_load %arg7[%swap3A_22] {strides = array<i32>} : memref<1024xf32, #tpu.memory_space<vmem>>, vector<16xf32>,
    tpu.vector_store %arg7[%swap3A_22], %broadcast_in_dim3A_16 {strides = array<i32>} : memref<1024xf32, #tpu.memory_space<vmem>>, vector<16xf32>,
    %swap3A_24 = arith.constant 64 : index
    %swap3A_25 = tpu.vector_load %arg7[%swap3A_24] {strides = array<i32>} : memref<1024xf32, #tpu.memory_space<vmem>>, vector<16xf32>,
    tpu.vector_store %arg7[%swap3A_24], %broadcast_in_dim3A_16 {strides = array<i32>} : memref<1024xf32, #tpu.memory_space<vmem>>, vector<16xf32>,
    %swap3A_26 = arith.constant 80 : index
    %swap3A_27 = tpu.vector_load %arg7[%swap3A_26] {strides = array<i32>} : memref<1024xf32, #tpu.memory_space<vmem>>, vector<16xf32>,
    tpu.vector_store %arg7[%swap3A_26], %broadcast_in_dim3A_16 {strides = array<i32>} : memref<1024xf32, #tpu.memory_space<vmem>>, vector<16xf32>,
    %swap3A_28 = arith.constant 96 : index
    %swap3A_29 = tpu.vector_load %arg7[%swap3A_28] {strides = array<i32>} : memref<1024xf32, #tpu.memory_space<vmem>>, vector<16xf32>,
    tpu.vector_store %arg7[%swap3A_28], %broadcast_in_dim3A_16 {strides = array<i32>} : memref<1024xf32, #tpu.memory_space<vmem>>, vector<16xf32>,
    %swap3A_30 = arith.constant 112 : index
    %swap3A_31 = tpu.vector_load %arg7[%swap3A_30] {strides = array<i32>} : memref<1024xf32, #tpu.memory_space<vmem>>, vector<16xf32>,
    tpu.vector_store %arg7[%swap3A_30], %broadcast_in_dim3A_16 {strides = array<i32>} : memref<1024xf32, #tpu.memory_space<vmem>>, vector<16xf32>,
    %swap3A_32 = arith.constant 128 : index
    %swap3A_33 = tpu.vector_load %arg7[%swap3A_32] {strides = array<i32>} : memref<1024xf32, #tpu.memory_space<vmem>>, vector<16xf32>,
    tpu.vector_store %arg7[%swap3A_32], %broadcast_in_dim3A_16 {strides = array<i32>} : memref<1024xf32, #tpu.memory_space<vmem>>, vector<16xf32>,
    %swap3A_34 = arith.constant 144 : index
    %swap3A_35 = tpu.vector_load %arg7[%swap3A_34] {strides = array<i32>} : memref<1024xf32, #tpu.memory_space<vmem>>, vector<16xf32>,
    tpu.vector_store %arg7[%swap3A_34], %broadcast_in_dim3A_16 {strides = array<i32>} : memref<1024xf32, #tpu.memory_space<vmem>>, vector<16xf32>,
    %swap3A_36 = arith.constant 160 : index
    %swap3A_37 = tpu.vector_load %arg7[%swap3A_36] {strides = array<i32>} : memref<1024xf32, #tpu.memory_space<vmem>>, vector<16xf32>,
    tpu.vector_store %arg7[%swap3A_36], %broadcast_in_dim3A_16 {strides = array<i32>} : memref<1024xf32, #tpu.memory_space<vmem>>, vector<16xf32>,
    %swap3A_38 = arith.constant 176 : index
    %swap3A_39 = tpu.vector_load %arg7[%swap3A_38] {strides = array<i32>} : memref<1024xf32, #tpu.memory_space<vmem>>, vector<16xf32>,
    tpu.vector_store %arg7[%swap3A_38], %broadcast_in_dim3A_16 {strides = array<i32>} : memref<1024xf32, #tpu.memory_space<vmem>>, vector<16xf32>,
    %swap3A_40 = arith.constant 192 : index
    %swap3A_41 = tpu.vector_load %arg7[%swap3A_40] {strides = array<i32>} : memref<1024xf32, #tpu.memory_space<vmem>>, vector<16xf32>,
    tpu.vector_store %arg7[%swap3A_40], %broadcast_in_dim3A_16 {strides = array<i32>} : memref<1024xf32, #tpu.memory_space<vmem>>, vector<16xf32>,
    %swap3A_42 = arith.constant 208 : index
    %swap3A_43 = tpu.vector_load %arg7[%swap3A_42] {strides = array<i32>} : memref<1024xf32, #tpu.memory_space<vmem>>, vector<16xf32>,
    tpu.vector_store %arg7[%swap3A_42], %broadcast_in_dim3A_16 {strides = array<i32>} : memref<1024xf32, #tpu.memory_space<vmem>>, vector<16xf32>,
    %swap3A_44 = arith.constant 224 : index
    %swap3A_45 = tpu.vector_load %arg7[%swap3A_44] {strides = array<i32>} : memref<1024xf32, #tpu.memory_space<vmem>>, vector<16xf32>,
    tpu.vector_store %arg7[%swap3A_44], %broadcast_in_dim3A_16 {strides = array<i32>} : memref<1024xf32, #tpu.memory_space<vmem>>, vector<16xf32>,
    %swap3A_46 = arith.constant 240 : index
    %swap3A_47 = tpu.vector_load %arg7[%swap3A_46] {strides = array<i32>} : memref<1024xf32, #tpu.memory_space<vmem>>, vector<16xf32>,
    tpu.vector_store %arg7[%swap3A_46], %broadcast_in_dim3A_16 {strides = array<i32>} : memref<1024xf32, #tpu.memory_space<vmem>>, vector<16xf32>,
    %swap3A_48 = arith.constant 256 : index
    %swap3A_49 = tpu.vector_load %arg7[%swap3A_48] {strides = array<i32>} : memref<1024xf32, #tpu.memory_space<vmem>>, vector<16xf32>,
    tpu.vector_store %arg7[%swap3A_48], %broadcast_in_dim3A_16 {strides = array<i32>} : memref<1024xf32, #tpu.memory_space<vmem>>, vector<16xf32>,
    %swap3A_50 = arith.constant 272 : index
    %swap3A_51 = tpu.vector_load %arg7[%swap3A_50] {strides = array<i32>} : memref<1024xf32, #tpu.memory_space<vmem>>, vector<16xf32>,
    tpu.vector_store %arg7[%swap3A_50], %broadcast_in_dim3A_16 {strides = array<i32>} : memref<1024xf32, #tpu.memory_space<vmem>>, vector<16xf32>,
    %swap3A_52 = arith.constant 288 : index
    %swap3A_53 = tpu.vector_load %arg7[%swap3A_52] {strides = array<i32>} : memref<1024xf32, #tpu.memory_space<vmem>>, vector<16xf32>,
    tpu.vector_store %arg7[%swap3A_52], %broadcast_in_dim3A_16 {strides = array<i32>} : memref<1024xf32, #tpu.memory_space<vmem>>, vector<16xf32>,
    %swap3A_54 = arith.constant 304 : index
    %swap3A_55 = tpu.vector_load %arg7[%swap3A_54] {strides = array<i32>} : memref<1024xf32, #tpu.memory_space<vmem>>, vector<16xf32>,
    tpu.vector_store %arg7[%swap3A_54], %broadcast_in_dim3A_16 {strides = array<i32>} : memref<1024xf32, #tpu.memory_space<vmem>>, vector<16xf32>,
    %swap3A_56 = arith.constant 320 : index
    %swap3A_57 = tpu.vector_load %arg7[%swap3A_56] {strides = array<i32>} : memref<1024xf32, #tpu.memory_space<vmem>>, vector<16xf32>,
    tpu.vector_store %arg7[%swap3A_56], %broadcast_in_dim3A_16 {strides = array<i32>} : memref<1024xf32, #tpu.memory_space<vmem>>, vector<16xf32>,
    %swap3A_58 = arith.constant 336 : index
    %swap3A_59 = tpu.vector_load %arg7[%swap3A_58] {strides = array<i32>} : memref<1024xf32, #tpu.memory_space<vmem>>, vector<16xf32>,
    tpu.vector_store %arg7[%swap3A_58], %broadcast_in_dim3A_16 {strides = array<i32>} : memref<1024xf32, #tpu.memory_space<vmem>>, vector<16xf32>,
    %swap3A_60 = arith.constant 352 : index
    %swap3A_61 = tpu.vector_load %arg7[%swap3A_60] {strides = array<i32>} : memref<1024xf32, #tpu.memory_space<vmem>>, vector<16xf32>,
    tpu.vector_store %arg7[%swap3A_60], %broadcast_in_dim3A_16 {strides = array<i32>} : memref<1024xf32, #tpu.memory_space<vmem>>, vector<16xf32>,
    %swap3A_62 = arith.constant 368 : index
    %swap3A_63 = tpu.vector_load %arg7[%swap3A_62] {strides = array<i32>} : memref<1024xf32, #tpu.memory_space<vmem>>, vector<16xf32>,
    tpu.vector_store %arg7[%swap3A_62], %broadcast_in_dim3A_16 {strides = array<i32>} : memref<1024xf32, #tpu.memory_space<vmem>>, vector<16xf32>,
    %swap3A_64 = arith.constant 384 : index
    %swap3A_65 = tpu.vector_load %arg7[%swap3A_64] {strides = array<i32>} : memref<1024xf32, #tpu.memory_space<vmem>>, vector<16xf32>,
    tpu.vector_store %arg7[%swap3A_64], %broadcast_in_dim3A_16 {strides = array<i32>} : memref<1024xf32, #tpu.memory_space<vmem>>, vector<16xf32>,
    %swap3A_66 = arith.constant 400 : index
    %swap3A_67 = tpu.vector_load %arg7[%swap3A_66] {strides = array<i32>} : memref<1024xf32, #tpu.memory_space<vmem>>, vector<16xf32>,
    tpu.vector_store %arg7[%swap3A_66], %broadcast_in_dim3A_16 {strides = array<i32>} : memref<1024xf32, #tpu.memory_space<vmem>>, vector<16xf32>,
    %swap3A_68 = arith.constant 416 : index
    %swap3A_69 = tpu.vector_load %arg7[%swap3A_68] {strides = array<i32>} : memref<1024xf32, #tpu.memory_space<vmem>>, vector<16xf32>,
    tpu.vector_store %arg7[%swap3A_68], %broadcast_in_dim3A_16 {strides = array<i32>} : memref<1024xf32, #tpu.memory_space<vmem>>, vector<16xf32>,
    %swap3A_70 = arith.constant 432 : index
    %swap3A_71 = tpu.vector_load %arg7[%swap3A_70] {strides = array<i32>} : memref<1024xf32, #tpu.memory_space<vmem>>, vector<16xf32>,
    tpu.vector_store %arg7[%swap3A_70], %broadcast_in_dim3A_16 {strides = array<i32>} : memref<1024xf32, #tpu.memory_space<vmem>>, vector<16xf32>,
    %swap3A_72 = arith.constant 448 : index
    %swap3A_73 = tpu.vector_load %arg7[%swap3A_72] {strides = array<i32>} : memref<1024xf32, #tpu.memory_space<vmem>>, vector<16xf32>,
    tpu.vector_store %arg7[%swap3A_72], %broadcast_in_dim3A_16 {strides = array<i32>} : memref<1024xf32, #tpu.memory_space<vmem>>, vector<16xf32>,
    %swap3A_74 = arith.constant 464 : index
    %swap3A_75 = tpu.vector_load %arg7[%swap3A_74] {strides = array<i32>} : memref<1024xf32, #tpu.memory_space<vmem>>, vector<16xf32>,
    tpu.vector_store %arg7[%swap3A_74], %broadcast_in_dim3A_16 {strides = array<i32>} : memref<1024xf32, #tpu.memory_space<vmem>>, vector<16xf32>,
    %swap3A_76 = arith.constant 480 : index
    %swap3A_77 = tpu.vector_load %arg7[%swap3A_76] {strides = array<i32>} : memref<1024xf32, #tpu.memory_space<vmem>>, vector<16xf32>,
    tpu.vector_store %arg7[%swap3A_76], %broadcast_in_dim3A_16 {strides = array<i32>} : memref<1024xf32, #tpu.memory_space<vmem>>, vector<16xf32>,
    %swap3A_78 = arith.constant 496 : index
    %swap3A_79 = tpu.vector_load %arg7[%swap3A_78] {strides = array<i32>} : memref<1024xf32, #tpu.memory_space<vmem>>, vector<16xf32>,
    tpu.vector_store %arg7[%swap3A_78], %broadcast_in_dim3A_16 {strides = array<i32>} : memref<1024xf32, #tpu.memory_space<vmem>>, vector<16xf32>,
    %swap3A_80 = arith.constant 512 : index
    %swap3A_81 = tpu.vector_load %arg7[%swap3A_80] {strides = array<i32>} : memref<1024xf32, #tpu.memory_space<vmem>>, vector<16xf32>,
    tpu.vector_store %arg7[%swap3A_80], %broadcast_in_dim3A_16 {strides = array<i32>} : memref<1024xf32, #tpu.memory_space<vmem>>, vector<16xf32>,
    %swap3A_82 = arith.constant 528 : index
    %swap3A_83 = tpu.vector_load %arg7[%swap3A_82] {strides = array<i32>} : memref<1024xf32, #tpu.memory_space<vmem>>, vector<16xf32>,
    tpu.vector_store %arg7[%swap3A_82], %broadcast_in_dim3A_16 {strides = array<i32>} : memref<1024xf32, #tpu.memory_space<vmem>>, vector<16xf32>,
    %swap3A_84 = arith.constant 544 : index
    %swap3A_85 = tpu.vector_load %arg7[%swap3A_84] {strides = array<i32>} : memref<1024xf32, #tpu.memory_space<vmem>>, vector<16xf32>,
    tpu.vector_store %arg7[%swap3A_84], %broadcast_in_dim3A_16 {strides = array<i32>} : memref<1024xf32, #tpu.memory_space<vmem>>, vector<16xf32>,
    %swap3A_86 = arith.constant 560 : index
    %swap3A_87 = tpu.vector_load %arg7[%swap3A_86] {strides = array<i32>} : memref<1024xf32, #tpu.memory_space<vmem>>, vector<16xf32>,
    tpu.vector_store %arg7[%swap3A_86], %broadcast_in_dim3A_16 {strides = array<i32>} : memref<1024xf32, #tpu.memory_space<vmem>>, vector<16xf32>,
    %swap3A_88 = arith.constant 576 : index
    %swap3A_89 = tpu.vector_load %arg7[%swap3A_88] {strides = array<i32>} : memref<1024xf32, #tpu.memory_space<vmem>>, vector<16xf32>,
    tpu.vector_store %arg7[%swap3A_88], %broadcast_in_dim3A_16 {strides = array<i32>} : memref<1024xf32, #tpu.memory_space<vmem>>, vector<16xf32>,
    %swap3A_90 = arith.constant 592 : index
    %swap3A_91 = tpu.vector_load %arg7[%swap3A_90] {strides = array<i32>} : memref<1024xf32, #tpu.memory_space<vmem>>, vector<16xf32>,
    tpu.vector_store %arg7[%swap3A_90], %broadcast_in_dim3A_16 {strides = array<i32>} : memref<1024xf32, #tpu.memory_space<vmem>>, vector<16xf32>,
    %swap3A_92 = arith.constant 608 : index
    %swap3A_93 = tpu.vector_load %arg7[%swap3A_92] {strides = array<i32>} : memref<1024xf32, #tpu.memory_space<vmem>>, vector<16xf32>,
    tpu.vector_store %arg7[%swap3A_92], %broadcast_in_dim3A_16 {strides = array<i32>} : memref<1024xf32, #tpu.memory_space<vmem>>, vector<16xf32>,
    %swap3A_94 = arith.constant 624 : index
    %swap3A_95 = tpu.vector_load %arg7[%swap3A_94] {strides = array<i32>} : memref<1024xf32, #tpu.memory_space<vmem>>, vector<16xf32>,
    tpu.vector_store %arg7[%swap3A_94], %broadcast_in_dim3A_16 {strides = array<i32>} : memref<1024xf32, #tpu.memory_space<vmem>>, vector<16xf32>,
    %swap3A_96 = arith.constant 640 : index
    %swap3A_97 = tpu.vector_load %arg7[%swap3A_96] {strides = array<i32>} : memref<1024xf32, #tpu.memory_space<vmem>>, vector<16xf32>,
    tpu.vector_store %arg7[%swap3A_96], %broadcast_in_dim3A_16 {strides = array<i32>} : memref<1024xf32, #tpu.memory_space<vmem>>, vector<16xf32>,
    %swap3A_98 = arith.constant 656 : index
    %swap3A_99 = tpu.vector_load %arg7[%swap3A_98] {strides = array<i32>} : memref<1024xf32, #tpu.memory_space<vmem>>, vector<16xf32>,
    tpu.vector_store %arg7[%swap3A_98], %broadcast_in_dim3A_16 {strides = array<i32>} : memref<1024xf32, #tpu.memory_space<vmem>>, vector<16xf32>,
    %swap3A_100 = arith.constant 672 : index
    %swap3A_101 = tpu.vector_load %arg7[%swap3A_100] {strides = array<i32>} : memref<1024xf32, #tpu.memory_space<vmem>>, vector<16xf32>,
    tpu.vector_store %arg7[%swap3A_100], %broadcast_in_dim3A_16 {strides = array<i32>} : memref<1024xf32, #tpu.memory_space<vmem>>, vector<16xf32>,
    %swap3A_102 = arith.constant 688 : index
    %swap3A_103 = tpu.vector_load %arg7[%swap3A_102] {strides = array<i32>} : memref<1024xf32, #tpu.memory_space<vmem>>, vector<16xf32>,
    tpu.vector_store %arg7[%swap3A_102], %broadcast_in_dim3A_16 {strides = array<i32>} : memref<1024xf32, #tpu.memory_space<vmem>>, vector<16xf32>,
    %swap3A_104 = arith.constant 704 : index
    %swap3A_105 = tpu.vector_load %arg7[%swap3A_104] {strides = array<i32>} : memref<1024xf32, #tpu.memory_space<vmem>>, vector<16xf32>,
    tpu.vector_store %arg7[%swap3A_104], %broadcast_in_dim3A_16 {strides = array<i32>} : memref<1024xf32, #tpu.memory_space<vmem>>, vector<16xf32>,
    %swap3A_106 = arith.constant 720 : index
    %swap3A_107 = tpu.vector_load %arg7[%swap3A_106] {strides = array<i32>} : memref<1024xf32, #tpu.memory_space<vmem>>, vector<16xf32>,
    tpu.vector_store %arg7[%swap3A_106], %broadcast_in_dim3A_16 {strides = array<i32>} : memref<1024xf32, #tpu.memory_space<vmem>>, vector<16xf32>,
    %swap3A_108 = arith.constant 736 : index
    %swap3A_109 = tpu.vector_load %arg7[%swap3A_108] {strides = array<i32>} : memref<1024xf32, #tpu.memory_space<vmem>>, vector<16xf32>,
    tpu.vector_store %arg7[%swap3A_108], %broadcast_in_dim3A_16 {strides = array<i32>} : memref<1024xf32, #tpu.memory_space<vmem>>, vector<16xf32>,
    %swap3A_110 = arith.constant 752 : index
    %swap3A_111 = tpu.vector_load %arg7[%swap3A_110] {strides = array<i32>} : memref<1024xf32, #tpu.memory_space<vmem>>, vector<16xf32>,
    tpu.vector_store %arg7[%swap3A_110], %broadcast_in_dim3A_16 {strides = array<i32>} : memref<1024xf32, #tpu.memory_space<vmem>>, vector<16xf32>,
    %swap3A_112 = arith.constant 768 : index
    %swap3A_113 = tpu.vector_load %arg7[%swap3A_112] {strides = array<i32>} : memref<1024xf32, #tpu.memory_space<vmem>>, vector<16xf32>,
    tpu.vector_store %arg7[%swap3A_112], %broadcast_in_dim3A_16 {strides = array<i32>} : memref<1024xf32, #tpu.memory_space<vmem>>, vector<16xf32>,
    %swap3A_114 = arith.constant 784 : index
    %swap3A_115 = tpu.vector_load %arg7[%swap3A_114] {strides = array<i32>} : memref<1024xf32, #tpu.memory_space<vmem>>, vector<16xf32>,
    tpu.vector_store %arg7[%swap3A_114], %broadcast_in_dim3A_16 {strides = array<i32>} : memref<1024xf32, #tpu.memory_space<vmem>>, vector<16xf32>,
    %swap3A_116 = arith.constant 800 : index
    %swap3A_117 = tpu.vector_load %arg7[%swap3A_116] {strides = array<i32>} : memref<1024xf32, #tpu.memory_space<vmem>>, vector<16xf32>,
    tpu.vector_store %arg7[%swap3A_116], %broadcast_in_dim3A_16 {strides = array<i32>} : memref<1024xf32, #tpu.memory_space<vmem>>, vector<16xf32>,
    %swap3A_118 = arith.constant 816 : index
    %swap3A_119 = tpu.vector_load %arg7[%swap3A_118] {strides = array<i32>} : memref<1024xf32, #tpu.memory_space<vmem>>, vector<16xf32>,
    tpu.vector_store %arg7[%swap3A_118], %broadcast_in_dim3A_16 {strides = array<i32>} : memref<1024xf32, #tpu.memory_space<vmem>>, vector<16xf32>,
    %swap3A_120 = arith.constant 832 : index
    %swap3A_121 = tpu.vector_load %arg7[%swap3A_120] {strides = array<i32>} : memref<1024xf32, #tpu.memory_space<vmem>>, vector<16xf32>,
    tpu.vector_store %arg7[%swap3A_120], %broadcast_in_dim3A_16 {strides = array<i32>} : memref<1024xf32, #tpu.memory_space<vmem>>, vector<16xf32>,
    %swap3A_122 = arith.constant 848 : index
    %swap3A_123 = tpu.vector_load %arg7[%swap3A_122] {strides = array<i32>} : memref<1024xf32, #tpu.memory_space<vmem>>, vector<16xf32>,
    tpu.vector_store %arg7[%swap3A_122], %broadcast_in_dim3A_16 {strides = array<i32>} : memref<1024xf32, #tpu.memory_space<vmem>>, vector<16xf32>,
    %swap3A_124 = arith.constant 864 : index
    %swap3A_125 = tpu.vector_load %arg7[%swap3A_124] {strides = array<i32>} : memref<1024xf32, #tpu.memory_space<vmem>>, vector<16xf32>,
    tpu.vector_store %arg7[%swap3A_124], %broadcast_in_dim3A_16 {strides = array<i32>} : memref<1024xf32, #tpu.memory_space<vmem>>, vector<16xf32>,
    %swap3A_126 = arith.constant 880 : index
    %swap3A_127 = tpu.vector_load %arg7[%swap3A_126] {strides = array<i32>} : memref<1024xf32, #tpu.memory_space<vmem>>, vector<16xf32>,
    tpu.vector_store %arg7[%swap3A_126], %broadcast_in_dim3A_16 {strides = array<i32>} : memref<1024xf32, #tpu.memory_space<vmem>>, vector<16xf32>,
    %swap3A_128 = arith.constant 896 : index
    %swap3A_129 = tpu.vector_load %arg7[%swap3A_128] {strides = array<i32>} : memref<1024xf32, #tpu.memory_space<vmem>>, vector<16xf32>,
    tpu.vector_store %arg7[%swap3A_128], %broadcast_in_dim3A_16 {strides = array<i32>} : memref<1024xf32, #tpu.memory_space<vmem>>, vector<16xf32>,
    %swap3A_130 = arith.constant 912 : index
    %swap3A_131 = tpu.vector_load %arg7[%swap3A_130] {strides = array<i32>} : memref<1024xf32, #tpu.memory_space<vmem>>, vector<16xf32>,
    tpu.vector_store %arg7[%swap3A_130], %broadcast_in_dim3A_16 {strides = array<i32>} : memref<1024xf32, #tpu.memory_space<vmem>>, vector<16xf32>,
    %swap3A_132 = arith.constant 928 : index
    %swap3A_133 = tpu.vector_load %arg7[%swap3A_132] {strides = array<i32>} : memref<1024xf32, #tpu.memory_space<vmem>>, vector<16xf32>,
    tpu.vector_store %arg7[%swap3A_132], %broadcast_in_dim3A_16 {strides = array<i32>} : memref<1024xf32, #tpu.memory_space<vmem>>, vector<16xf32>,
    %swap3A_134 = arith.constant 944 : index
    %swap3A_135 = tpu.vector_load %arg7[%swap3A_134] {strides = array<i32>} : memref<1024xf32, #tpu.memory_space<vmem>>, vector<16xf32>,
    tpu.vector_store %arg7[%swap3A_134], %broadcast_in_dim3A_16 {strides = array<i32>} : memref<1024xf32, #tpu.memory_space<vmem>>, vector<16xf32>,
    %swap3A_136 = arith.constant 960 : index
    %swap3A_137 = tpu.vector_load %arg7[%swap3A_136] {strides = array<i32>} : memref<1024xf32, #tpu.memory_space<vmem>>, vector<16xf32>,
    tpu.vector_store %arg7[%swap3A_136], %broadcast_in_dim3A_16 {strides = array<i32>} : memref<1024xf32, #tpu.memory_space<vmem>>, vector<16xf32>,
    %swap3A_138 = arith.constant 976 : index
    %swap3A_139 = tpu.vector_load %arg7[%swap3A_138] {strides = array<i32>} : memref<1024xf32, #tpu.memory_space<vmem>>, vector<16xf32>,
    tpu.vector_store %arg7[%swap3A_138], %broadcast_in_dim3A_16 {strides = array<i32>} : memref<1024xf32, #tpu.memory_space<vmem>>, vector<16xf32>,
    %swap3A_140 = arith.constant 992 : index
    %swap3A_141 = tpu.vector_load %arg7[%swap3A_140] {strides = array<i32>} : memref<1024xf32, #tpu.memory_space<vmem>>, vector<16xf32>,
    tpu.vector_store %arg7[%swap3A_140], %broadcast_in_dim3A_16 {strides = array<i32>} : memref<1024xf32, #tpu.memory_space<vmem>>, vector<16xf32>,
    %swap3A_142 = arith.constant 1008 : index
    %swap3A_143 = tpu.vector_load %arg7[%swap3A_142] {strides = array<i32>} : memref<1024xf32, #tpu.memory_space<vmem>>, vector<16xf32>,
    tpu.vector_store %arg7[%swap3A_142], %broadcast_in_dim3A_16 {strides = array<i32>} : memref<1024xf32, #tpu.memory_space<vmem>>, vector<16xf32>,
    %mul3A_144 = arith.constant 2 : i32
    %mul3A_145 = arith.muli %add3A, %mul3A_144 : i32
    %add3A_146 = arith.constant 0 : i32
    %add3A_147 = arith.addi %mul3A_145, %add3A_146 : i32
    %dma_start3A = arith.constant 0 : i32
    %dma_start3A_148 = arith.constant 0 : i32
    %dma_start3A_149 = arith.constant 0 : i32
    %dma_start3A_150 = tpu.memref_slice %arg6[%dma_start3A, %dma_start3A_148, %dma_start3A_149] : memref<2x8x2048xf32, #tpu.memory_space<vmem>> -> memref<1x8x2048xf32, #tpu.memory_space<vmem>>
    %dma_start3A_151 = tpu.memref_squeeze %dma_start3A_150 : memref<1x8x2048xf32, #tpu.memory_space<vmem>> -> memref<8x2048xf32, #tpu.memory_space<vmem>>
    %dma_start3A_152 = arith.constant 0 : i32
    %dma_start3A_153 = arith.constant 0 : i32
    %dma_start3A_154 = tpu.memref_slice %arg3[%add3A_147, %dma_start3A_152, %dma_start3A_153] : memref<64x32x2048xf32, #tpu.memory_space<hbm>> -> memref<1x8x2048xf32, #tpu.memory_space<hbm>>
    %dma_start3A_155 = tpu.memref_squeeze %dma_start3A_154 : memref<1x8x2048xf32, #tpu.memory_space<hbm>> -> memref<8x2048xf32, #tpu.memory_space<hbm>>
    %dma_start3A_156 = arith.constant 0 : i32
    %dma_start3A_157 = arith.constant 0 : i32
    %dma_start3A_158 = tpu.memref_slice %arg6[%dma_start3A, %dma_start3A_156, %dma_start3A_157] : memref<2x8x2048xf32, #tpu.memory_space<vmem>> -> memref<1x8x2048xf32, #tpu.memory_space<vmem>>
    %dma_start3A_159 = tpu.memref_squeeze %dma_start3A_158 : memref<1x8x2048xf32, #tpu.memory_space<vmem>> -> memref<8x2048xf32, #tpu.memory_space<vmem>>
    %dma_start3A_160 = arith.constant 0 : i32
    %dma_start3A_161 = arith.constant 0 : i32
    %dma_start3A_162 = tpu.memref_slice %arg3[%add3A_147, %dma_start3A_160, %dma_start3A_161] : memref<64x32x2048xf32, #tpu.memory_space<hbm>> -> memref<1x8x2048xf32, #tpu.memory_space<hbm>>
    %dma_start3A_163 = tpu.memref_squeeze %dma_start3A_162 : memref<1x8x2048xf32, #tpu.memory_space<hbm>> -> memref<8x2048xf32, #tpu.memory_space<hbm>>
    tpu.enqueue_dma source(%dma_start3A_163 : memref<8x2048xf32, #tpu.memory_space<hbm>>) target(%dma_start3A_159 : memref<8x2048xf32, #tpu.memory_space<vmem>>) target_semaphore(%arg9 : memref<!tpu.dma_semaphore, #tpu.memory_space<semaphore_mem>>)
    %dma_start3A_164 = arith.constant 0 : i32
    %dma_start3A_165 = arith.constant 0 : i32
    %dma_start3A_166 = arith.constant 0 : i32
    %dma_start3A_167 = arith.constant 0 : i32
    %dma_start3A_168 = arith.constant 0 : i32
    %dma_start3A_169 = tpu.memref_slice %arg5[%dma_start3A_165, %dma_start3A_166, %dma_start3A_167, %dma_start3A_168] : memref<2x2x8x2048xf32, #tpu.memory_space<vmem>> -> memref<1x1x8x2048xf32, #tpu.memory_space<vmem>>
    %dma_start3A_170 = tpu.memref_squeeze %dma_start3A_169 : memref<1x1x8x2048xf32, #tpu.memory_space<vmem>> -> memref<8x2048xf32, #tpu.memory_space<vmem>>
    %dma_start3A_171 = arith.constant 0 : i32
    %dma_start3A_172 = arith.constant 0 : i32
    %dma_start3A_173 = tpu.memref_slice %arg2[%add3A_147, %dma_start3A_164, %dma_start3A_171, %dma_start3A_172] : memref<64x2x32x2048xf32, #tpu.memory_space<hbm>> -> memref<1x1x8x2048xf32, #tpu.memory_space<hbm>>
    %dma_start3A_174 = tpu.memref_squeeze %dma_start3A_173 : memref<1x1x8x2048xf32, #tpu.memory_space<hbm>> -> memref<8x2048xf32, #tpu.memory_space<hbm>>
    %dma_start3A_175 = arith.constant 0 : i32
    %dma_start3A_176 = arith.constant 0 : i32
    %dma_start3A_177 = tpu.memref_slice %arg5[%dma_start3A_165, %dma_start3A_166, %dma_start3A_175, %dma_start3A_176] : memref<2x2x8x2048xf32, #tpu.memory_space<vmem>> -> memref<1x1x8x2048xf32, #tpu.memory_space<vmem>>
    %dma_start3A_178 = tpu.memref_squeeze %dma_start3A_177 : memref<1x1x8x2048xf32, #tpu.memory_space<vmem>> -> memref<8x2048xf32, #tpu.memory_space<vmem>>
    %dma_start3A_179 = arith.constant 0 : i32
    %dma_start3A_180 = arith.constant 0 : i32
    %dma_start3A_181 = tpu.memref_slice %arg2[%add3A_147, %dma_start3A_164, %dma_start3A_179, %dma_start3A_180] : memref<64x2x32x2048xf32, #tpu.memory_space<hbm>> -> memref<1x1x8x2048xf32, #tpu.memory_space<hbm>>
    %dma_start3A_182 = tpu.memref_squeeze %dma_start3A_181 : memref<1x1x8x2048xf32, #tpu.memory_space<hbm>> -> memref<8x2048xf32, #tpu.memory_space<hbm>>
    tpu.enqueue_dma source(%dma_start3A_182 : memref<8x2048xf32, #tpu.memory_space<hbm>>) target(%dma_start3A_178 : memref<8x2048xf32, #tpu.memory_space<vmem>>) target_semaphore(%arg9 : memref<!tpu.dma_semaphore, #tpu.memory_space<semaphore_mem>>)
    %dma_start3A_183 = arith.constant 1 : i32
    %dma_start3A_184 = arith.constant 0 : i32
    %dma_start3A_185 = arith.constant 1 : i32
    %dma_start3A_186 = arith.constant 0 : i32
    %dma_start3A_187 = arith.constant 0 : i32
    %dma_start3A_188 = tpu.memref_slice %arg5[%dma_start3A_184, %dma_start3A_185, %dma_start3A_186, %dma_start3A_187] : memref<2x2x8x2048xf32, #tpu.memory_space<vmem>> -> memref<1x1x8x2048xf32, #tpu.memory_space<vmem>>
    %dma_start3A_189 = tpu.memref_squeeze %dma_start3A_188 : memref<1x1x8x2048xf32, #tpu.memory_space<vmem>> -> memref<8x2048xf32, #tpu.memory_space<vmem>>
    %dma_start3A_190 = arith.constant 0 : i32
    %dma_start3A_191 = arith.constant 0 : i32
    %dma_start3A_192 = tpu.memref_slice %arg2[%add3A_147, %dma_start3A_183, %dma_start3A_190, %dma_start3A_191] : memref<64x2x32x2048xf32, #tpu.memory_space<hbm>> -> memref<1x1x8x2048xf32, #tpu.memory_space<hbm>>
    %dma_start3A_193 = tpu.memref_squeeze %dma_start3A_192 : memref<1x1x8x2048xf32, #tpu.memory_space<hbm>> -> memref<8x2048xf32, #tpu.memory_space<hbm>>
    %dma_start3A_194 = arith.constant 0 : i32
    %dma_start3A_195 = arith.constant 0 : i32
    %dma_start3A_196 = tpu.memref_slice %arg5[%dma_start3A_184, %dma_start3A_185, %dma_start3A_194, %dma_start3A_195] : memref<2x2x8x2048xf32, #tpu.memory_space<vmem>> -> memref<1x1x8x2048xf32, #tpu.memory_space<vmem>>
    %dma_start3A_197 = tpu.memref_squeeze %dma_start3A_196 : memref<1x1x8x2048xf32, #tpu.memory_space<vmem>> -> memref<8x2048xf32, #tpu.memory_space<vmem>>
    %dma_start3A_198 = arith.constant 0 : i32
    %dma_start3A_199 = arith.constant 0 : i32
    %dma_start3A_200 = tpu.memref_slice %arg2[%add3A_147, %dma_start3A_183, %dma_start3A_198, %dma_start3A_199] : memref<64x2x32x2048xf32, #tpu.memory_space<hbm>> -> memref<1x1x8x2048xf32, #tpu.memory_space<hbm>>
    %dma_start3A_201 = tpu.memref_squeeze %dma_start3A_200 : memref<1x1x8x2048xf32, #tpu.memory_space<hbm>> -> memref<8x2048xf32, #tpu.memory_space<hbm>>
    tpu.enqueue_dma source(%dma_start3A_201 : memref<8x2048xf32, #tpu.memory_space<hbm>>) target(%dma_start3A_197 : memref<8x2048xf32, #tpu.memory_space<vmem>>) target_semaphore(%arg9 : memref<!tpu.dma_semaphore, #tpu.memory_space<semaphore_mem>>)
    %scan3A = arith.constant 0 : i32
    %scan3A_202 = arith.constant 0 : i32
    %scan3A_203 = arith.constant 4 : i32
    %scan3A_204 = arith.addi %scan3A_202, %scan3A_203 : i32
    %scan3A_205 = arith.constant 1 : i32
    %scan3A_206 = scf.for %scan3A_208 = %scan3A_202 to %scan3A_204 step %scan3A_205 iter_args(%scan3A_209 = %scan3A) -> (i32)  : i32 {
      %mul3A_210 = arith.constant 2 : i32
      %mul3A_211 = arith.muli %mul3A_210, %scan3A_208 : i32
      %add3A_212 = arith.constant 1 : i32
      %add3A_213 = arith.addi %mul3A_211, %add3A_212 : i32
      %jit3A = arith.constant 4 : i32
      %div3A = arith.divsi %add3A_213, %jit3A : i32
      %sign3A = arith.constant 0 : i32
      %sign3A_214 = arith.cmpi sgt, %add3A_213, %sign3A : i32
      %sign3A_215 = arith.extui %sign3A_214 : i1 to i32
      %sign3A_216 = arith.constant 0 : i32
      %sign3A_217 = arith.cmpi slt, %add3A_213, %sign3A_216 : i32
      %sign3A_218 = arith.extui %sign3A_217 : i1 to i32
      %sign3A_219 = arith.subi %sign3A_215, %sign3A_218 : i32
      %sign3A_220 = arith.constant 0 : i32
      %sign3A_221 = arith.cmpi sgt, %jit3A, %sign3A_220 : i32
      %sign3A_222 = arith.extui %sign3A_221 : i1 to i32
      %sign3A_223 = arith.constant 0 : i32
      %sign3A_224 = arith.cmpi slt, %jit3A, %sign3A_223 : i32
      %sign3A_225 = arith.extui %sign3A_224 : i1 to i32
      %sign3A_226 = arith.subi %sign3A_222, %sign3A_225 : i32
      %ne3A = arith.cmpi ne, %sign3A_219, %sign3A_226 : i32
      %rem3A = arith.remsi %add3A_213, %jit3A : i32
      %ne3A_227 = arith.constant 0 : i32
      %ne3A_228 = arith.cmpi ne, %rem3A, %ne3A_227 : i32
      %and3A_229 = arith.andi %ne3A, %ne3A_228 : i1
      %sub3A_230 = arith.constant 1 : i32
      %sub3A_231 = arith.subi %div3A, %sub3A_230 : i32
      %select_n3A = arith.select %and3A_229, %sub3A_231, %div3A : i32
      %mul3A_232 = arith.constant 4 : i32
      %mul3A_233 = arith.muli %select_n3A, %mul3A_232 : i32
      %sub3A_234 = arith.subi %add3A_213, %mul3A_233 : i32
      %mul3A_235 = arith.constant 2 : i32
      %mul3A_236 = arith.muli %add3A, %mul3A_235 : i32
      %add3A_237 = arith.addi %mul3A_236, %select_n3A : i32
      %mul3A_238 = arith.constant 8 : i32
      %mul3A_239 = arith.muli %sub3A_234, %mul3A_238 : i32
      %dma_start3A_240 = arith.constant 1 : i32
      %dma_start3A_241 = arith.constant 0 : i32
      %dma_start3A_242 = arith.constant 0 : i32
      %dma_start3A_243 = tpu.memref_slice %arg6[%dma_start3A_240, %dma_start3A_241, %dma_start3A_242] : memref<2x8x2048xf32, #tpu.memory_space<vmem>> -> memref<1x8x2048xf32, #tpu.memory_space<vmem>>
      %dma_start3A_244 = tpu.memref_squeeze %dma_start3A_243 : memref<1x8x2048xf32, #tpu.memory_space<vmem>> -> memref<8x2048xf32, #tpu.memory_space<vmem>>
      %dma_start3A_245 = arith.constant 0 : i32
      %dma_start3A_246 = tpu.memref_slice %arg3[%add3A_237, %mul3A_239, %dma_start3A_245] : memref<64x32x2048xf32, #tpu.memory_space<hbm>> -> memref<1x8x2048xf32, #tpu.memory_space<hbm>>
      %dma_start3A_247 = tpu.memref_squeeze %dma_start3A_246 : memref<1x8x2048xf32, #tpu.memory_space<hbm>> -> memref<8x2048xf32, #tpu.memory_space<hbm>>
      %dma_start3A_248 = arith.constant 0 : i32
      %dma_start3A_249 = arith.constant 0 : i32
      %dma_start3A_250 = tpu.memref_slice %arg6[%dma_start3A_240, %dma_start3A_248, %dma_start3A_249] : memref<2x8x2048xf32, #tpu.memory_space<vmem>> -> memref<1x8x2048xf32, #tpu.memory_space<vmem>>
      %dma_start3A_251 = tpu.memref_squeeze %dma_start3A_250 : memref<1x8x2048xf32, #tpu.memory_space<vmem>> -> memref<8x2048xf32, #tpu.memory_space<vmem>>
      %dma_start3A_252 = arith.constant 0 : i32
      %dma_start3A_253 = tpu.memref_slice %arg3[%add3A_237, %mul3A_239, %dma_start3A_252] : memref<64x32x2048xf32, #tpu.memory_space<hbm>> -> memref<1x8x2048xf32, #tpu.memory_space<hbm>>
      %dma_start3A_254 = tpu.memref_squeeze %dma_start3A_253 : memref<1x8x2048xf32, #tpu.memory_space<hbm>> -> memref<8x2048xf32, #tpu.memory_space<hbm>>
      tpu.enqueue_dma source(%dma_start3A_254 : memref<8x2048xf32, #tpu.memory_space<hbm>>) target(%dma_start3A_251 : memref<8x2048xf32, #tpu.memory_space<vmem>>) target_semaphore(%arg10 : memref<!tpu.dma_semaphore, #tpu.memory_space<semaphore_mem>>)
      %mul3A_255 = arith.constant 8 : i32
      %mul3A_256 = arith.muli %sub3A_234, %mul3A_255 : i32
      %dma_start3A_257 = arith.constant 0 : i32
      %dma_start3A_258 = arith.constant 1 : i32
      %dma_start3A_259 = arith.constant 0 : i32
      %dma_start3A_260 = arith.constant 0 : i32
      %dma_start3A_261 = arith.constant 0 : i32
      %dma_start3A_262 = tpu.memref_slice %arg5[%dma_start3A_258, %dma_start3A_259, %dma_start3A_260, %dma_start3A_261] : memref<2x2x8x2048xf32, #tpu.memory_space<vmem>> -> memref<1x1x8x2048xf32, #tpu.memory_space<vmem>>
      %dma_start3A_263 = tpu.memref_squeeze %dma_start3A_262 : memref<1x1x8x2048xf32, #tpu.memory_space<vmem>> -> memref<8x2048xf32, #tpu.memory_space<vmem>>
      %dma_start3A_264 = arith.constant 0 : i32
      %dma_start3A_265 = tpu.memref_slice %arg2[%add3A_237, %dma_start3A_257, %mul3A_256, %dma_start3A_264] : memref<64x2x32x2048xf32, #tpu.memory_space<hbm>> -> memref<1x1x8x2048xf32, #tpu.memory_space<hbm>>
      %dma_start3A_266 = tpu.memref_squeeze %dma_start3A_265 : memref<1x1x8x2048xf32, #tpu.memory_space<hbm>> -> memref<8x2048xf32, #tpu.memory_space<hbm>>
      %dma_start3A_267 = arith.constant 0 : i32
      %dma_start3A_268 = arith.constant 0 : i32
      %dma_start3A_269 = tpu.memref_slice %arg5[%dma_start3A_258, %dma_start3A_259, %dma_start3A_267, %dma_start3A_268] : memref<2x2x8x2048xf32, #tpu.memory_space<vmem>> -> memref<1x1x8x2048xf32, #tpu.memory_space<vmem>>
      %dma_start3A_270 = tpu.memref_squeeze %dma_start3A_269 : memref<1x1x8x2048xf32, #tpu.memory_space<vmem>> -> memref<8x2048xf32, #tpu.memory_space<vmem>>
      %dma_start3A_271 = arith.constant 0 : i32
      %dma_start3A_272 = tpu.memref_slice %arg2[%add3A_237, %dma_start3A_257, %mul3A_256, %dma_start3A_271] : memref<64x2x32x2048xf32, #tpu.memory_space<hbm>> -> memref<1x1x8x2048xf32, #tpu.memory_space<hbm>>
      %dma_start3A_273 = tpu.memref_squeeze %dma_start3A_272 : memref<1x1x8x2048xf32, #tpu.memory_space<hbm>> -> memref<8x2048xf32, #tpu.memory_space<hbm>>
      tpu.enqueue_dma source(%dma_start3A_273 : memref<8x2048xf32, #tpu.memory_space<hbm>>) target(%dma_start3A_270 : memref<8x2048xf32, #tpu.memory_space<vmem>>) target_semaphore(%arg10 : memref<!tpu.dma_semaphore, #tpu.memory_space<semaphore_mem>>)
      %mul3A_274 = arith.constant 8 : i32
      %mul3A_275 = arith.muli %sub3A_234, %mul3A_274 : i32
      %dma_start3A_276 = arith.constant 1 : i32
      %dma_start3A_277 = arith.constant 1 : i32
      %dma_start3A_278 = arith.constant 1 : i32
      %dma_start3A_279 = arith.constant 0 : i32
      %dma_start3A_280 = arith.constant 0 : i32
      %dma_start3A_281 = tpu.memref_slice %arg5[%dma_start3A_277, %dma_start3A_278, %dma_start3A_279, %dma_start3A_280] : memref<2x2x8x2048xf32, #tpu.memory_space<vmem>> -> memref<1x1x8x2048xf32, #tpu.memory_space<vmem>>
      %dma_start3A_282 = tpu.memref_squeeze %dma_start3A_281 : memref<1x1x8x2048xf32, #tpu.memory_space<vmem>> -> memref<8x2048xf32, #tpu.memory_space<vmem>>
      %dma_start3A_283 = arith.constant 0 : i32
      %dma_start3A_284 = tpu.memref_slice %arg2[%add3A_237, %dma_start3A_276, %mul3A_275, %dma_start3A_283] : memref<64x2x32x2048xf32, #tpu.memory_space<hbm>> -> memref<1x1x8x2048xf32, #tpu.memory_space<hbm>>
      %dma_start3A_285 = tpu.memref_squeeze %dma_start3A_284 : memref<1x1x8x2048xf32, #tpu.memory_space<hbm>> -> memref<8x2048xf32, #tpu.memory_space<hbm>>
      %dma_start3A_286 = arith.constant 0 : i32
      %dma_start3A_287 = arith.constant 0 : i32
      %dma_start3A_288 = tpu.memref_slice %arg5[%dma_start3A_277, %dma_start3A_278, %dma_start3A_286, %dma_start3A_287] : memref<2x2x8x2048xf32, #tpu.memory_space<vmem>> -> memref<1x1x8x2048xf32, #tpu.memory_space<vmem>>
      %dma_start3A_289 = tpu.memref_squeeze %dma_start3A_288 : memref<1x1x8x2048xf32, #tpu.memory_space<vmem>> -> memref<8x2048xf32, #tpu.memory_space<vmem>>
      %dma_start3A_290 = arith.constant 0 : i32
      %dma_start3A_291 = tpu.memref_slice %arg2[%add3A_237, %dma_start3A_276, %mul3A_275, %dma_start3A_290] : memref<64x2x32x2048xf32, #tpu.memory_space<hbm>> -> memref<1x1x8x2048xf32, #tpu.memory_space<hbm>>
      %dma_start3A_292 = tpu.memref_squeeze %dma_start3A_291 : memref<1x1x8x2048xf32, #tpu.memory_space<hbm>> -> memref<8x2048xf32, #tpu.memory_space<hbm>>
      tpu.enqueue_dma source(%dma_start3A_292 : memref<8x2048xf32, #tpu.memory_space<hbm>>) target(%dma_start3A_289 : memref<8x2048xf32, #tpu.memory_space<vmem>>) target_semaphore(%arg10 : memref<!tpu.dma_semaphore, #tpu.memory_space<semaphore_mem>>)
      %jit3A_293 = arith.constant 4 : i32
      %div3A_294 = arith.divsi %mul3A_211, %jit3A_293 : i32
      %sign3A_295 = arith.constant 0 : i32
      %sign3A_296 = arith.cmpi sgt, %mul3A_211, %sign3A_295 : i32
      %sign3A_297 = arith.extui %sign3A_296 : i1 to i32
      %sign3A_298 = arith.constant 0 : i32
      %sign3A_299 = arith.cmpi slt, %mul3A_211, %sign3A_298 : i32
      %sign3A_300 = arith.extui %sign3A_299 : i1 to i32
      %sign3A_301 = arith.subi %sign3A_297, %sign3A_300 : i32
      %sign3A_302 = arith.constant 0 : i32
      %sign3A_303 = arith.cmpi sgt, %jit3A_293, %sign3A_302 : i32
      %sign3A_304 = arith.extui %sign3A_303 : i1 to i32
      %sign3A_305 = arith.constant 0 : i32
      %sign3A_306 = arith.cmpi slt, %jit3A_293, %sign3A_305 : i32
      %sign3A_307 = arith.extui %sign3A_306 : i1 to i32
      %sign3A_308 = arith.subi %sign3A_304, %sign3A_307 : i32
      %ne3A_309 = arith.cmpi ne, %sign3A_301, %sign3A_308 : i32
      %rem3A_310 = arith.remsi %mul3A_211, %jit3A_293 : i32
      %ne3A_311 = arith.constant 0 : i32
      %ne3A_312 = arith.cmpi ne, %rem3A_310, %ne3A_311 : i32
      %and3A_313 = arith.andi %ne3A_309, %ne3A_312 : i1
      %sub3A_314 = arith.constant 1 : i32
      %sub3A_315 = arith.subi %div3A_294, %sub3A_314 : i32
      %select_n3A_316 = arith.select %and3A_313, %sub3A_315, %div3A_294 : i32
      %mul3A_317 = arith.constant 4 : i32
      %mul3A_318 = arith.muli %select_n3A_316, %mul3A_317 : i32
      %sub3A_319 = arith.subi %mul3A_211, %mul3A_318 : i32
      %mul3A_320 = arith.constant 2 : i32
      %mul3A_321 = arith.muli %add3A, %mul3A_320 : i32
      %add3A_322 = arith.addi %mul3A_321, %select_n3A_316 : i32
      %mul3A_323 = arith.constant 8 : i32
      %mul3A_324 = arith.muli %sub3A_319, %mul3A_323 : i32
      %dma_wait3A = arith.constant 0 : i32
      %dma_wait3A_325 = arith.constant 0 : i32
      %dma_wait3A_326 = arith.constant 0 : i32
      %dma_wait3A_327 = tpu.memref_slice %arg6[%dma_wait3A, %dma_wait3A_325, %dma_wait3A_326] : memref<2x8x2048xf32, #tpu.memory_space<vmem>> -> memref<1x8x2048xf32, #tpu.memory_space<vmem>>
      %dma_wait3A_328 = tpu.memref_squeeze %dma_wait3A_327 : memref<1x8x2048xf32, #tpu.memory_space<vmem>> -> memref<8x2048xf32, #tpu.memory_space<vmem>>
      %dma_wait3A_329 = arith.constant 0 : i32
      %dma_wait3A_330 = tpu.memref_slice %arg3[%add3A_322, %mul3A_324, %dma_wait3A_329] : memref<64x32x2048xf32, #tpu.memory_space<hbm>> -> memref<1x8x2048xf32, #tpu.memory_space<hbm>>
      %dma_wait3A_331 = tpu.memref_squeeze %dma_wait3A_330 : memref<1x8x2048xf32, #tpu.memory_space<hbm>> -> memref<8x2048xf32, #tpu.memory_space<hbm>>
      %dma_wait3A_332 = arith.constant 0 : i32
      %dma_wait3A_333 = arith.constant 0 : i32
      %dma_wait3A_334 = tpu.memref_slice %arg6[%dma_wait3A, %dma_wait3A_332, %dma_wait3A_333] : memref<2x8x2048xf32, #tpu.memory_space<vmem>> -> memref<1x8x2048xf32, #tpu.memory_space<vmem>>
      %dma_wait3A_335 = tpu.memref_squeeze %dma_wait3A_334 : memref<1x8x2048xf32, #tpu.memory_space<vmem>> -> memref<8x2048xf32, #tpu.memory_space<vmem>>
      %dma_wait3A_336 = arith.constant 0 : i32
      %dma_wait3A_337 = tpu.memref_slice %arg3[%add3A_322, %mul3A_324, %dma_wait3A_336] : memref<64x32x2048xf32, #tpu.memory_space<hbm>> -> memref<1x8x2048xf32, #tpu.memory_space<hbm>>
      %dma_wait3A_338 = tpu.memref_squeeze %dma_wait3A_337 : memref<1x8x2048xf32, #tpu.memory_space<hbm>> -> memref<8x2048xf32, #tpu.memory_space<hbm>>
      tpu.wait_dma2 semaphore(%arg9 : memref<!tpu.dma_semaphore, #tpu.memory_space<semaphore_mem>>) src(%dma_wait3A_338 : memref<8x2048xf32, #tpu.memory_space<hbm>>) dst(%dma_wait3A_335 : memref<8x2048xf32, #tpu.memory_space<vmem>>)
      %mul3A_339 = arith.constant 8 : i32
      %mul3A_340 = arith.muli %sub3A_319, %mul3A_339 : i32
      %dma_wait3A_341 = arith.constant 0 : i32
      %dma_wait3A_342 = arith.constant 0 : i32
      %dma_wait3A_343 = arith.constant 0 : i32
      %dma_wait3A_344 = arith.constant 0 : i32
      %dma_wait3A_345 = arith.constant 0 : i32
      %dma_wait3A_346 = tpu.memref_slice %arg5[%dma_wait3A_342, %dma_wait3A_343, %dma_wait3A_344, %dma_wait3A_345] : memref<2x2x8x2048xf32, #tpu.memory_space<vmem>> -> memref<1x1x8x2048xf32, #tpu.memory_space<vmem>>
      %dma_wait3A_347 = tpu.memref_squeeze %dma_wait3A_346 : memref<1x1x8x2048xf32, #tpu.memory_space<vmem>> -> memref<8x2048xf32, #tpu.memory_space<vmem>>
      %dma_wait3A_348 = arith.constant 0 : i32
      %dma_wait3A_349 = tpu.memref_slice %arg2[%add3A_322, %dma_wait3A_341, %mul3A_340, %dma_wait3A_348] : memref<64x2x32x2048xf32, #tpu.memory_space<hbm>> -> memref<1x1x8x2048xf32, #tpu.memory_space<hbm>>
      %dma_wait3A_350 = tpu.memref_squeeze %dma_wait3A_349 : memref<1x1x8x2048xf32, #tpu.memory_space<hbm>> -> memref<8x2048xf32, #tpu.memory_space<hbm>>
      %dma_wait3A_351 = arith.constant 0 : i32
      %dma_wait3A_352 = arith.constant 0 : i32
      %dma_wait3A_353 = tpu.memref_slice %arg5[%dma_wait3A_342, %dma_wait3A_343, %dma_wait3A_351, %dma_wait3A_352] : memref<2x2x8x2048xf32, #tpu.memory_space<vmem>> -> memref<1x1x8x2048xf32, #tpu.memory_space<vmem>>
      %dma_wait3A_354 = tpu.memref_squeeze %dma_wait3A_353 : memref<1x1x8x2048xf32, #tpu.memory_space<vmem>> -> memref<8x2048xf32, #tpu.memory_space<vmem>>
      %dma_wait3A_355 = arith.constant 0 : i32
      %dma_wait3A_356 = tpu.memref_slice %arg2[%add3A_322, %dma_wait3A_341, %mul3A_340, %dma_wait3A_355] : memref<64x2x32x2048xf32, #tpu.memory_space<hbm>> -> memref<1x1x8x2048xf32, #tpu.memory_space<hbm>>
      %dma_wait3A_357 = tpu.memref_squeeze %dma_wait3A_356 : memref<1x1x8x2048xf32, #tpu.memory_space<hbm>> -> memref<8x2048xf32, #tpu.memory_space<hbm>>
      tpu.wait_dma2 semaphore(%arg9 : memref<!tpu.dma_semaphore, #tpu.memory_space<semaphore_mem>>) src(%dma_wait3A_357 : memref<8x2048xf32, #tpu.memory_space<hbm>>) dst(%dma_wait3A_354 : memref<8x2048xf32, #tpu.memory_space<vmem>>)
      %mul3A_358 = arith.constant 8 : i32
      %mul3A_359 = arith.muli %sub3A_319, %mul3A_358 : i32
      %dma_wait3A_360 = arith.constant 1 : i32
      %dma_wait3A_361 = arith.constant 0 : i32
      %dma_wait3A_362 = arith.constant 1 : i32
      %dma_wait3A_363 = arith.constant 0 : i32
      %dma_wait3A_364 = arith.constant 0 : i32
      %dma_wait3A_365 = tpu.memref_slice %arg5[%dma_wait3A_361, %dma_wait3A_362, %dma_wait3A_363, %dma_wait3A_364] : memref<2x2x8x2048xf32, #tpu.memory_space<vmem>> -> memref<1x1x8x2048xf32, #tpu.memory_space<vmem>>
      %dma_wait3A_366 = tpu.memref_squeeze %dma_wait3A_365 : memref<1x1x8x2048xf32, #tpu.memory_space<vmem>> -> memref<8x2048xf32, #tpu.memory_space<vmem>>
      %dma_wait3A_367 = arith.constant 0 : i32
      %dma_wait3A_368 = tpu.memref_slice %arg2[%add3A_322, %dma_wait3A_360, %mul3A_359, %dma_wait3A_367] : memref<64x2x32x2048xf32, #tpu.memory_space<hbm>> -> memref<1x1x8x2048xf32, #tpu.memory_space<hbm>>
      %dma_wait3A_369 = tpu.memref_squeeze %dma_wait3A_368 : memref<1x1x8x2048xf32, #tpu.memory_space<hbm>> -> memref<8x2048xf32, #tpu.memory_space<hbm>>
      %dma_wait3A_370 = arith.constant 0 : i32
      %dma_wait3A_371 = arith.constant 0 : i32
      %dma_wait3A_372 = tpu.memref_slice %arg5[%dma_wait3A_361, %dma_wait3A_362, %dma_wait3A_370, %dma_wait3A_371] : memref<2x2x8x2048xf32, #tpu.memory_space<vmem>> -> memref<1x1x8x2048xf32, #tpu.memory_space<vmem>>
      %dma_wait3A_373 = tpu.memref_squeeze %dma_wait3A_372 : memref<1x1x8x2048xf32, #tpu.memory_space<vmem>> -> memref<8x2048xf32, #tpu.memory_space<vmem>>
      %dma_wait3A_374 = arith.constant 0 : i32
      %dma_wait3A_375 = tpu.memref_slice %arg2[%add3A_322, %dma_wait3A_360, %mul3A_359, %dma_wait3A_374] : memref<64x2x32x2048xf32, #tpu.memory_space<hbm>> -> memref<1x1x8x2048xf32, #tpu.memory_space<hbm>>
      %dma_wait3A_376 = tpu.memref_squeeze %dma_wait3A_375 : memref<1x1x8x2048xf32, #tpu.memory_space<hbm>> -> memref<8x2048xf32, #tpu.memory_space<hbm>>
      tpu.wait_dma2 semaphore(%arg9 : memref<!tpu.dma_semaphore, #tpu.memory_space<semaphore_mem>>) src(%dma_wait3A_376 : memref<8x2048xf32, #tpu.memory_space<hbm>>) dst(%dma_wait3A_373 : memref<8x2048xf32, #tpu.memory_space<vmem>>)
      %jit3A_377 = arith.constant 4 : i32
      %div3A_378 = arith.divsi %mul3A_211, %jit3A_377 : i32
      %sign3A_379 = arith.constant 0 : i32
      %sign3A_380 = arith.cmpi sgt, %mul3A_211, %sign3A_379 : i32
      %sign3A_381 = arith.extui %sign3A_380 : i1 to i32
      %sign3A_382 = arith.constant 0 : i32
      %sign3A_383 = arith.cmpi slt, %mul3A_211, %sign3A_382 : i32
      %sign3A_384 = arith.extui %sign3A_383 : i1 to i32
      %sign3A_385 = arith.subi %sign3A_381, %sign3A_384 : i32
      %sign3A_386 = arith.constant 0 : i32
      %sign3A_387 = arith.cmpi sgt, %jit3A_377, %sign3A_386 : i32
      %sign3A_388 = arith.extui %sign3A_387 : i1 to i32
      %sign3A_389 = arith.constant 0 : i32
      %sign3A_390 = arith.cmpi slt, %jit3A_377, %sign3A_389 : i32
      %sign3A_391 = arith.extui %sign3A_390 : i1 to i32
      %sign3A_392 = arith.subi %sign3A_388, %sign3A_391 : i32
      %ne3A_393 = arith.cmpi ne, %sign3A_385, %sign3A_392 : i32
      %rem3A_394 = arith.remsi %mul3A_211, %jit3A_377 : i32
      %ne3A_395 = arith.constant 0 : i32
      %ne3A_396 = arith.cmpi ne, %rem3A_394, %ne3A_395 : i32
      %and3A_397 = arith.andi %ne3A_393, %ne3A_396 : i1
      %sub3A_398 = arith.constant 1 : i32
      %sub3A_399 = arith.subi %div3A_378, %sub3A_398 : i32
      %select_n3A_400 = arith.select %and3A_397, %sub3A_399, %div3A_378 : i32
      %mul3A_401 = arith.constant 4 : i32
      %mul3A_402 = arith.muli %select_n3A_400, %mul3A_401 : i32
      %sub3A_403 = arith.subi %mul3A_211, %mul3A_402 : i32
      %mul3A_404 = arith.constant 2 : i32
      %mul3A_405 = arith.muli %add3A, %mul3A_404 : i32
      %add3A_406 = arith.addi %mul3A_405, %select_n3A_400 : i32
      %scan3A_407 = arith.constant 0 : i32
      %scan3A_408 = arith.constant 0 : i32
      %scan3A_409 = arith.constant 8 : i32
      %scan3A_410 = arith.addi %scan3A_408, %scan3A_409 : i32
      %scan3A_411 = arith.constant 1 : i32
      %scan3A_412 = scf.for %scan3A_552 = %scan3A_408 to %scan3A_410 step %scan3A_411 iter_args(%scan3A_553 = %scan3A_407) -> (i32)  : i32 {
        %parallel_loop3A = arith.constant 0 : i32
        %parallel_loop3A_554 = arith.constant 128 : i32
        %parallel_loop3A_555 = arith.constant 1 : i32
        scf.for %parallel_loop3A_895 = %parallel_loop3A to %parallel_loop3A_554 step %parallel_loop3A_555  : i32 {
          %parallel_loop3A_896 = arith.constant 16 : i32
          %parallel_loop3A_897 = arith.muli %parallel_loop3A_895, %parallel_loop3A_896 : i32
          %parallel_loop3A_898 = arith.constant 0 : i32
          %parallel_loop3A_899 = arith.index_cast %parallel_loop3A_898 : i32 to index
          %parallel_loop3A_900 = arith.index_cast %scan3A_552 : i32 to index
          %parallel_loop3A_901 = arith.index_cast %parallel_loop3A_897 : i32 to index
          %parallel_loop3A_902 = tpu.vector_load %arg6[%parallel_loop3A_899, %parallel_loop3A_900, %parallel_loop3A_901] {strides = array<i32>} : memref<2x8x2048xf32, #tpu.memory_space<vmem>>, vector<16xf32>,
          %parallel_loop3A_903 = arith.constant 0 : i32
          %parallel_loop3A_904 = arith.constant 0 : i32
          %parallel_loop3A_905 = arith.index_cast %parallel_loop3A_903 : i32 to index
          %parallel_loop3A_906 = arith.index_cast %parallel_loop3A_904 : i32 to index
          %parallel_loop3A_907 = arith.index_cast %scan3A_552 : i32 to index
          %parallel_loop3A_908 = arith.index_cast %parallel_loop3A_897 : i32 to index
          %parallel_loop3A_909 = tpu.vector_load %arg5[%parallel_loop3A_905, %parallel_loop3A_906, %parallel_loop3A_907, %parallel_loop3A_908] {strides = array<i32>} : memref<2x2x8x2048xf32, #tpu.memory_space<vmem>>, vector<16xf32>,
          %parallel_loop3A_910 = arith.constant 0 : i32
          %parallel_loop3A_911 = arith.constant 1 : i32
          %parallel_loop3A_912 = arith.index_cast %parallel_loop3A_910 : i32 to index
          %parallel_loop3A_913 = arith.index_cast %parallel_loop3A_911 : i32 to index
          %parallel_loop3A_914 = arith.index_cast %scan3A_552 : i32 to index
          %parallel_loop3A_915 = arith.index_cast %parallel_loop3A_897 : i32 to index
          %parallel_loop3A_916 = tpu.vector_load %arg5[%parallel_loop3A_912, %parallel_loop3A_913, %parallel_loop3A_914, %parallel_loop3A_915] {strides = array<i32>} : memref<2x2x8x2048xf32, #tpu.memory_space<vmem>>, vector<16xf32>,
          %parallel_loop3A_917 = arith.constant 1.400000e+01 : f32
          %parallel_loop3A_918 = vector.broadcast %parallel_loop3A_917 : f32 to vector<16xf32>
          %parallel_loop3A_919 = arith.mulf %parallel_loop3A_909, %parallel_loop3A_918 : vector<16xf32>
          %parallel_loop3A_920 = arith.constant 13.5001402 : f32
          %parallel_loop3A_921 = vector.broadcast %parallel_loop3A_920 : f32 to vector<16xf32>
          %parallel_loop3A_922 = arith.addf %parallel_loop3A_919, %parallel_loop3A_921 : vector<16xf32>
          %parallel_loop3A_923 = arith.constant 0x4B000000 : f32
          %parallel_loop3A_924 = vector.broadcast %parallel_loop3A_923 : f32 to vector<16xf32>
          %parallel_loop3A_925 = arith.addf %parallel_loop3A_922, %parallel_loop3A_924 : vector<16xf32>
          %parallel_loop3A_926 = arith.constant 1.400000e+01 : f32
          %parallel_loop3A_927 = vector.broadcast %parallel_loop3A_926 : f32 to vector<16xf32>
          %parallel_loop3A_928 = arith.mulf %parallel_loop3A_916, %parallel_loop3A_927 : vector<16xf32>
          %parallel_loop3A_929 = arith.constant 13.5001402 : f32
          %parallel_loop3A_930 = vector.broadcast %parallel_loop3A_929 : f32 to vector<16xf32>
          %parallel_loop3A_931 = arith.addf %parallel_loop3A_928, %parallel_loop3A_930 : vector<16xf32>
          %parallel_loop3A_932 = arith.constant 0x4B000000 : f32
          %parallel_loop3A_933 = vector.broadcast %parallel_loop3A_932 : f32 to vector<16xf32>
          %parallel_loop3A_934 = arith.addf %parallel_loop3A_931, %parallel_loop3A_933 : vector<16xf32>
          %parallel_loop3A_935 = vector.bitcast %parallel_loop3A_925 : vector<16xf32> to vector<16xi32>
          %parallel_loop3A_936 = arith.addi %parallel_loop3A_935, %sub3A_5 : vector<16xi32>
          tpu.vector_store_idx %arg7[%parallel_loop3A_936], %parallel_loop3A_902 {add = true} : memref<1024xf32, #tpu.memory_space<vmem>>[vector<16xi32>], vector<16xf32>,
          %parallel_loop3A_937 = vector.bitcast %parallel_loop3A_934 : vector<16xf32> to vector<16xi32>
          %parallel_loop3A_938 = arith.addi %parallel_loop3A_937, %add3A_8 : vector<16xi32>
          tpu.vector_store_idx %arg7[%parallel_loop3A_938], %parallel_loop3A_902 {add = true} : memref<1024xf32, #tpu.memory_space<vmem>>[vector<16xi32>], vector<16xf32>,
        } {sc.loop_unroll_factor = 8 : i64, sc.parallel_access}
        %mul3A_556 = arith.constant 8 : i32
        %mul3A_557 = arith.muli %sub3A_403, %mul3A_556 : i32
        %add3A_558 = arith.addi %mul3A_557, %scan3A_552 : i32
        %get3A = arith.constant 0 : index
        %get3A_559 = tpu.vector_load %arg7[%get3A] {strides = array<i32>} : memref<1024xf32, #tpu.memory_space<vmem>>, vector<16xf32>,
        %get3A_560 = arith.constant 16 : index
        %get3A_561 = tpu.vector_load %arg7[%get3A_560] {strides = array<i32>} : memref<1024xf32, #tpu.memory_space<vmem>>, vector<16xf32>,
        %swap3A_562 = arith.constant 0 : index
        %swap3A_563 = tpu.vector_load %arg7[%swap3A_562] {strides = array<i32>} : memref<1024xf32, #tpu.memory_space<vmem>>, vector<16xf32>,
        tpu.vector_store %arg7[%swap3A_562], %broadcast_in_dim3A_16 {strides = array<i32>} : memref<1024xf32, #tpu.memory_space<vmem>>, vector<16xf32>,
        %swap3A_564 = arith.constant 16 : index
        %swap3A_565 = tpu.vector_load %arg7[%swap3A_564] {strides = array<i32>} : memref<1024xf32, #tpu.memory_space<vmem>>, vector<16xf32>,
        tpu.vector_store %arg7[%swap3A_564], %broadcast_in_dim3A_16 {strides = array<i32>} : memref<1024xf32, #tpu.memory_space<vmem>>, vector<16xf32>,
        %get3A_566 = arith.constant 32 : index
        %get3A_567 = tpu.vector_load %arg7[%get3A_566] {strides = array<i32>} : memref<1024xf32, #tpu.memory_space<vmem>>, vector<16xf32>,
        %add3A_568 = arith.addf %get3A_559, %get3A_567 : vector<16xf32>
        %get3A_569 = arith.constant 48 : index
        %get3A_570 = tpu.vector_load %arg7[%get3A_569] {strides = array<i32>} : memref<1024xf32, #tpu.memory_space<vmem>>, vector<16xf32>,
        %add3A_571 = arith.addf %get3A_561, %get3A_570 : vector<16xf32>
        %swap3A_572 = arith.constant 32 : index
        %swap3A_573 = tpu.vector_load %arg7[%swap3A_572] {strides = array<i32>} : memref<1024xf32, #tpu.memory_space<vmem>>, vector<16xf32>,
        tpu.vector_store %arg7[%swap3A_572], %broadcast_in_dim3A_16 {strides = array<i32>} : memref<1024xf32, #tpu.memory_space<vmem>>, vector<16xf32>,
        %swap3A_574 = arith.constant 48 : index
        %swap3A_575 = tpu.vector_load %arg7[%swap3A_574] {strides = array<i32>} : memref<1024xf32, #tpu.memory_space<vmem>>, vector<16xf32>,
        tpu.vector_store %arg7[%swap3A_574], %broadcast_in_dim3A_16 {strides = array<i32>} : memref<1024xf32, #tpu.memory_space<vmem>>, vector<16xf32>,
        %get3A_576 = arith.constant 64 : index
        %get3A_577 = tpu.vector_load %arg7[%get3A_576] {strides = array<i32>} : memref<1024xf32, #tpu.memory_space<vmem>>, vector<16xf32>,
        %add3A_578 = arith.addf %add3A_568, %get3A_577 : vector<16xf32>
        %get3A_579 = arith.constant 80 : index
        %get3A_580 = tpu.vector_load %arg7[%get3A_579] {strides = array<i32>} : memref<1024xf32, #tpu.memory_space<vmem>>, vector<16xf32>,
        %add3A_581 = arith.addf %add3A_571, %get3A_580 : vector<16xf32>
        %swap3A_582 = arith.constant 64 : index
        %swap3A_583 = tpu.vector_load %arg7[%swap3A_582] {strides = array<i32>} : memref<1024xf32, #tpu.memory_space<vmem>>, vector<16xf32>,
        tpu.vector_store %arg7[%swap3A_582], %broadcast_in_dim3A_16 {strides = array<i32>} : memref<1024xf32, #tpu.memory_space<vmem>>, vector<16xf32>,
        %swap3A_584 = arith.constant 80 : index
        %swap3A_585 = tpu.vector_load %arg7[%swap3A_584] {strides = array<i32>} : memref<1024xf32, #tpu.memory_space<vmem>>, vector<16xf32>,
        tpu.vector_store %arg7[%swap3A_584], %broadcast_in_dim3A_16 {strides = array<i32>} : memref<1024xf32, #tpu.memory_space<vmem>>, vector<16xf32>,
        %get3A_586 = arith.constant 96 : index
        %get3A_587 = tpu.vector_load %arg7[%get3A_586] {strides = array<i32>} : memref<1024xf32, #tpu.memory_space<vmem>>, vector<16xf32>,
        %add3A_588 = arith.addf %add3A_578, %get3A_587 : vector<16xf32>
        %get3A_589 = arith.constant 112 : index
        %get3A_590 = tpu.vector_load %arg7[%get3A_589] {strides = array<i32>} : memref<1024xf32, #tpu.memory_space<vmem>>, vector<16xf32>,
        %add3A_591 = arith.addf %add3A_581, %get3A_590 : vector<16xf32>
        %swap3A_592 = arith.constant 96 : index
        %swap3A_593 = tpu.vector_load %arg7[%swap3A_592] {strides = array<i32>} : memref<1024xf32, #tpu.memory_space<vmem>>, vector<16xf32>,
        tpu.vector_store %arg7[%swap3A_592], %broadcast_in_dim3A_16 {strides = array<i32>} : memref<1024xf32, #tpu.memory_space<vmem>>, vector<16xf32>,
        %swap3A_594 = arith.constant 112 : index
        %swap3A_595 = tpu.vector_load %arg7[%swap3A_594] {strides = array<i32>} : memref<1024xf32, #tpu.memory_space<vmem>>, vector<16xf32>,
        tpu.vector_store %arg7[%swap3A_594], %broadcast_in_dim3A_16 {strides = array<i32>} : memref<1024xf32, #tpu.memory_space<vmem>>, vector<16xf32>,
        %get3A_596 = arith.constant 128 : index
        %get3A_597 = tpu.vector_load %arg7[%get3A_596] {strides = array<i32>} : memref<1024xf32, #tpu.memory_space<vmem>>, vector<16xf32>,
        %add3A_598 = arith.addf %add3A_588, %get3A_597 : vector<16xf32>
        %get3A_599 = arith.constant 144 : index
        %get3A_600 = tpu.vector_load %arg7[%get3A_599] {strides = array<i32>} : memref<1024xf32, #tpu.memory_space<vmem>>, vector<16xf32>,
        %add3A_601 = arith.addf %add3A_591, %get3A_600 : vector<16xf32>
        %swap3A_602 = arith.constant 128 : index
        %swap3A_603 = tpu.vector_load %arg7[%swap3A_602] {strides = array<i32>} : memref<1024xf32, #tpu.memory_space<vmem>>, vector<16xf32>,
        tpu.vector_store %arg7[%swap3A_602], %broadcast_in_dim3A_16 {strides = array<i32>} : memref<1024xf32, #tpu.memory_space<vmem>>, vector<16xf32>,
        %swap3A_604 = arith.constant 144 : index
        %swap3A_605 = tpu.vector_load %arg7[%swap3A_604] {strides = array<i32>} : memref<1024xf32, #tpu.memory_space<vmem>>, vector<16xf32>,
        tpu.vector_store %arg7[%swap3A_604], %broadcast_in_dim3A_16 {strides = array<i32>} : memref<1024xf32, #tpu.memory_space<vmem>>, vector<16xf32>,
        %get3A_606 = arith.constant 160 : index
        %get3A_607 = tpu.vector_load %arg7[%get3A_606] {strides = array<i32>} : memref<1024xf32, #tpu.memory_space<vmem>>, vector<16xf32>,
        %add3A_608 = arith.addf %add3A_598, %get3A_607 : vector<16xf32>
        %get3A_609 = arith.constant 176 : index
        %get3A_610 = tpu.vector_load %arg7[%get3A_609] {strides = array<i32>} : memref<1024xf32, #tpu.memory_space<vmem>>, vector<16xf32>,
        %add3A_611 = arith.addf %add3A_601, %get3A_610 : vector<16xf32>
        %swap3A_612 = arith.constant 160 : index
        %swap3A_613 = tpu.vector_load %arg7[%swap3A_612] {strides = array<i32>} : memref<1024xf32, #tpu.memory_space<vmem>>, vector<16xf32>,
        tpu.vector_store %arg7[%swap3A_612], %broadcast_in_dim3A_16 {strides = array<i32>} : memref<1024xf32, #tpu.memory_space<vmem>>, vector<16xf32>,
        %swap3A_614 = arith.constant 176 : index
        %swap3A_615 = tpu.vector_load %arg7[%swap3A_614] {strides = array<i32>} : memref<1024xf32, #tpu.memory_space<vmem>>, vector<16xf32>,
        tpu.vector_store %arg7[%swap3A_614], %broadcast_in_dim3A_16 {strides = array<i32>} : memref<1024xf32, #tpu.memory_space<vmem>>, vector<16xf32>,
        %get3A_616 = arith.constant 192 : index
        %get3A_617 = tpu.vector_load %arg7[%get3A_616] {strides = array<i32>} : memref<1024xf32, #tpu.memory_space<vmem>>, vector<16xf32>,
        %add3A_618 = arith.addf %add3A_608, %get3A_617 : vector<16xf32>
        %get3A_619 = arith.constant 208 : index
        %get3A_620 = tpu.vector_load %arg7[%get3A_619] {strides = array<i32>} : memref<1024xf32, #tpu.memory_space<vmem>>, vector<16xf32>,
        %add3A_621 = arith.addf %add3A_611, %get3A_620 : vector<16xf32>
        %swap3A_622 = arith.constant 192 : index
        %swap3A_623 = tpu.vector_load %arg7[%swap3A_622] {strides = array<i32>} : memref<1024xf32, #tpu.memory_space<vmem>>, vector<16xf32>,
        tpu.vector_store %arg7[%swap3A_622], %broadcast_in_dim3A_16 {strides = array<i32>} : memref<1024xf32, #tpu.memory_space<vmem>>, vector<16xf32>,
        %swap3A_624 = arith.constant 208 : index
        %swap3A_625 = tpu.vector_load %arg7[%swap3A_624] {strides = array<i32>} : memref<1024xf32, #tpu.memory_space<vmem>>, vector<16xf32>,
        tpu.vector_store %arg7[%swap3A_624], %broadcast_in_dim3A_16 {strides = array<i32>} : memref<1024xf32, #tpu.memory_space<vmem>>, vector<16xf32>,
        %get3A_626 = arith.constant 224 : index
        %get3A_627 = tpu.vector_load %arg7[%get3A_626] {strides = array<i32>} : memref<1024xf32, #tpu.memory_space<vmem>>, vector<16xf32>,
        %add3A_628 = arith.addf %add3A_618, %get3A_627 : vector<16xf32>
        %get3A_629 = arith.constant 240 : index
        %get3A_630 = tpu.vector_load %arg7[%get3A_629] {strides = array<i32>} : memref<1024xf32, #tpu.memory_space<vmem>>, vector<16xf32>,
        %add3A_631 = arith.addf %add3A_621, %get3A_630 : vector<16xf32>
        %swap3A_632 = arith.constant 224 : index
        %swap3A_633 = tpu.vector_load %arg7[%swap3A_632] {strides = array<i32>} : memref<1024xf32, #tpu.memory_space<vmem>>, vector<16xf32>,
        tpu.vector_store %arg7[%swap3A_632], %broadcast_in_dim3A_16 {strides = array<i32>} : memref<1024xf32, #tpu.memory_space<vmem>>, vector<16xf32>,
        %swap3A_634 = arith.constant 240 : index
        %swap3A_635 = tpu.vector_load %arg7[%swap3A_634] {strides = array<i32>} : memref<1024xf32, #tpu.memory_space<vmem>>, vector<16xf32>,
        tpu.vector_store %arg7[%swap3A_634], %broadcast_in_dim3A_16 {strides = array<i32>} : memref<1024xf32, #tpu.memory_space<vmem>>, vector<16xf32>,
        %get3A_636 = arith.constant 256 : index
        %get3A_637 = tpu.vector_load %arg7[%get3A_636] {strides = array<i32>} : memref<1024xf32, #tpu.memory_space<vmem>>, vector<16xf32>,
        %add3A_638 = arith.addf %add3A_628, %get3A_637 : vector<16xf32>
        %get3A_639 = arith.constant 272 : index
        %get3A_640 = tpu.vector_load %arg7[%get3A_639] {strides = array<i32>} : memref<1024xf32, #tpu.memory_space<vmem>>, vector<16xf32>,
        %add3A_641 = arith.addf %add3A_631, %get3A_640 : vector<16xf32>
        %swap3A_642 = arith.constant 256 : index
        %swap3A_643 = tpu.vector_load %arg7[%swap3A_642] {strides = array<i32>} : memref<1024xf32, #tpu.memory_space<vmem>>, vector<16xf32>,
        tpu.vector_store %arg7[%swap3A_642], %broadcast_in_dim3A_16 {strides = array<i32>} : memref<1024xf32, #tpu.memory_space<vmem>>, vector<16xf32>,
        %swap3A_644 = arith.constant 272 : index
        %swap3A_645 = tpu.vector_load %arg7[%swap3A_644] {strides = array<i32>} : memref<1024xf32, #tpu.memory_space<vmem>>, vector<16xf32>,
        tpu.vector_store %arg7[%swap3A_644], %broadcast_in_dim3A_16 {strides = array<i32>} : memref<1024xf32, #tpu.memory_space<vmem>>, vector<16xf32>,
        %get3A_646 = arith.constant 288 : index
        %get3A_647 = tpu.vector_load %arg7[%get3A_646] {strides = array<i32>} : memref<1024xf32, #tpu.memory_space<vmem>>, vector<16xf32>,
        %add3A_648 = arith.addf %add3A_638, %get3A_647 : vector<16xf32>
        %get3A_649 = arith.constant 304 : index
        %get3A_650 = tpu.vector_load %arg7[%get3A_649] {strides = array<i32>} : memref<1024xf32, #tpu.memory_space<vmem>>, vector<16xf32>,
        %add3A_651 = arith.addf %add3A_641, %get3A_650 : vector<16xf32>
        %swap3A_652 = arith.constant 288 : index
        %swap3A_653 = tpu.vector_load %arg7[%swap3A_652] {strides = array<i32>} : memref<1024xf32, #tpu.memory_space<vmem>>, vector<16xf32>,
        tpu.vector_store %arg7[%swap3A_652], %broadcast_in_dim3A_16 {strides = array<i32>} : memref<1024xf32, #tpu.memory_space<vmem>>, vector<16xf32>,
        %swap3A_654 = arith.constant 304 : index
        %swap3A_655 = tpu.vector_load %arg7[%swap3A_654] {strides = array<i32>} : memref<1024xf32, #tpu.memory_space<vmem>>, vector<16xf32>,
        tpu.vector_store %arg7[%swap3A_654], %broadcast_in_dim3A_16 {strides = array<i32>} : memref<1024xf32, #tpu.memory_space<vmem>>, vector<16xf32>,
        %get3A_656 = arith.constant 320 : index
        %get3A_657 = tpu.vector_load %arg7[%get3A_656] {strides = array<i32>} : memref<1024xf32, #tpu.memory_space<vmem>>, vector<16xf32>,
        %add3A_658 = arith.addf %add3A_648, %get3A_657 : vector<16xf32>
        %get3A_659 = arith.constant 336 : index
        %get3A_660 = tpu.vector_load %arg7[%get3A_659] {strides = array<i32>} : memref<1024xf32, #tpu.memory_space<vmem>>, vector<16xf32>,
        %add3A_661 = arith.addf %add3A_651, %get3A_660 : vector<16xf32>
        %swap3A_662 = arith.constant 320 : index
        %swap3A_663 = tpu.vector_load %arg7[%swap3A_662] {strides = array<i32>} : memref<1024xf32, #tpu.memory_space<vmem>>, vector<16xf32>,
        tpu.vector_store %arg7[%swap3A_662], %broadcast_in_dim3A_16 {strides = array<i32>} : memref<1024xf32, #tpu.memory_space<vmem>>, vector<16xf32>,
        %swap3A_664 = arith.constant 336 : index
        %swap3A_665 = tpu.vector_load %arg7[%swap3A_664] {strides = array<i32>} : memref<1024xf32, #tpu.memory_space<vmem>>, vector<16xf32>,
        tpu.vector_store %arg7[%swap3A_664], %broadcast_in_dim3A_16 {strides = array<i32>} : memref<1024xf32, #tpu.memory_space<vmem>>, vector<16xf32>,
        %get3A_666 = arith.constant 352 : index
        %get3A_667 = tpu.vector_load %arg7[%get3A_666] {strides = array<i32>} : memref<1024xf32, #tpu.memory_space<vmem>>, vector<16xf32>,
        %add3A_668 = arith.addf %add3A_658, %get3A_667 : vector<16xf32>
        %get3A_669 = arith.constant 368 : index
        %get3A_670 = tpu.vector_load %arg7[%get3A_669] {strides = array<i32>} : memref<1024xf32, #tpu.memory_space<vmem>>, vector<16xf32>,
        %add3A_671 = arith.addf %add3A_661, %get3A_670 : vector<16xf32>
        %swap3A_672 = arith.constant 352 : index
        %swap3A_673 = tpu.vector_load %arg7[%swap3A_672] {strides = array<i32>} : memref<1024xf32, #tpu.memory_space<vmem>>, vector<16xf32>,
        tpu.vector_store %arg7[%swap3A_672], %broadcast_in_dim3A_16 {strides = array<i32>} : memref<1024xf32, #tpu.memory_space<vmem>>, vector<16xf32>,
        %swap3A_674 = arith.constant 368 : index
        %swap3A_675 = tpu.vector_load %arg7[%swap3A_674] {strides = array<i32>} : memref<1024xf32, #tpu.memory_space<vmem>>, vector<16xf32>,
        tpu.vector_store %arg7[%swap3A_674], %broadcast_in_dim3A_16 {strides = array<i32>} : memref<1024xf32, #tpu.memory_space<vmem>>, vector<16xf32>,
        %get3A_676 = arith.constant 384 : index
        %get3A_677 = tpu.vector_load %arg7[%get3A_676] {strides = array<i32>} : memref<1024xf32, #tpu.memory_space<vmem>>, vector<16xf32>,
        %add3A_678 = arith.addf %add3A_668, %get3A_677 : vector<16xf32>
        %get3A_679 = arith.constant 400 : index
        %get3A_680 = tpu.vector_load %arg7[%get3A_679] {strides = array<i32>} : memref<1024xf32, #tpu.memory_space<vmem>>, vector<16xf32>,
        %add3A_681 = arith.addf %add3A_671, %get3A_680 : vector<16xf32>
        %swap3A_682 = arith.constant 384 : index
        %swap3A_683 = tpu.vector_load %arg7[%swap3A_682] {strides = array<i32>} : memref<1024xf32, #tpu.memory_space<vmem>>, vector<16xf32>,
        tpu.vector_store %arg7[%swap3A_682], %broadcast_in_dim3A_16 {strides = array<i32>} : memref<1024xf32, #tpu.memory_space<vmem>>, vector<16xf32>,
        %swap3A_684 = arith.constant 400 : index
        %swap3A_685 = tpu.vector_load %arg7[%swap3A_684] {strides = array<i32>} : memref<1024xf32, #tpu.memory_space<vmem>>, vector<16xf32>,
        tpu.vector_store %arg7[%swap3A_684], %broadcast_in_dim3A_16 {strides = array<i32>} : memref<1024xf32, #tpu.memory_space<vmem>>, vector<16xf32>,
        %get3A_686 = arith.constant 416 : index
        %get3A_687 = tpu.vector_load %arg7[%get3A_686] {strides = array<i32>} : memref<1024xf32, #tpu.memory_space<vmem>>, vector<16xf32>,
        %add3A_688 = arith.addf %add3A_678, %get3A_687 : vector<16xf32>
        %get3A_689 = arith.constant 432 : index
        %get3A_690 = tpu.vector_load %arg7[%get3A_689] {strides = array<i32>} : memref<1024xf32, #tpu.memory_space<vmem>>, vector<16xf32>,
        %add3A_691 = arith.addf %add3A_681, %get3A_690 : vector<16xf32>
        %swap3A_692 = arith.constant 416 : index
        %swap3A_693 = tpu.vector_load %arg7[%swap3A_692] {strides = array<i32>} : memref<1024xf32, #tpu.memory_space<vmem>>, vector<16xf32>,
        tpu.vector_store %arg7[%swap3A_692], %broadcast_in_dim3A_16 {strides = array<i32>} : memref<1024xf32, #tpu.memory_space<vmem>>, vector<16xf32>,
        %swap3A_694 = arith.constant 432 : index
        %swap3A_695 = tpu.vector_load %arg7[%swap3A_694] {strides = array<i32>} : memref<1024xf32, #tpu.memory_space<vmem>>, vector<16xf32>,
        tpu.vector_store %arg7[%swap3A_694], %broadcast_in_dim3A_16 {strides = array<i32>} : memref<1024xf32, #tpu.memory_space<vmem>>, vector<16xf32>,
        %get3A_696 = arith.constant 448 : index
        %get3A_697 = tpu.vector_load %arg7[%get3A_696] {strides = array<i32>} : memref<1024xf32, #tpu.memory_space<vmem>>, vector<16xf32>,
        %add3A_698 = arith.addf %add3A_688, %get3A_697 : vector<16xf32>
        %get3A_699 = arith.constant 464 : index
        %get3A_700 = tpu.vector_load %arg7[%get3A_699] {strides = array<i32>} : memref<1024xf32, #tpu.memory_space<vmem>>, vector<16xf32>,
        %add3A_701 = arith.addf %add3A_691, %get3A_700 : vector<16xf32>
        %swap3A_702 = arith.constant 448 : index
        %swap3A_703 = tpu.vector_load %arg7[%swap3A_702] {strides = array<i32>} : memref<1024xf32, #tpu.memory_space<vmem>>, vector<16xf32>,
        tpu.vector_store %arg7[%swap3A_702], %broadcast_in_dim3A_16 {strides = array<i32>} : memref<1024xf32, #tpu.memory_space<vmem>>, vector<16xf32>,
        %swap3A_704 = arith.constant 464 : index
        %swap3A_705 = tpu.vector_load %arg7[%swap3A_704] {strides = array<i32>} : memref<1024xf32, #tpu.memory_space<vmem>>, vector<16xf32>,
        tpu.vector_store %arg7[%swap3A_704], %broadcast_in_dim3A_16 {strides = array<i32>} : memref<1024xf32, #tpu.memory_space<vmem>>, vector<16xf32>,
        %get3A_706 = arith.constant 480 : index
        %get3A_707 = tpu.vector_load %arg7[%get3A_706] {strides = array<i32>} : memref<1024xf32, #tpu.memory_space<vmem>>, vector<16xf32>,
        %add3A_708 = arith.addf %add3A_698, %get3A_707 : vector<16xf32>
        %get3A_709 = arith.constant 496 : index
        %get3A_710 = tpu.vector_load %arg7[%get3A_709] {strides = array<i32>} : memref<1024xf32, #tpu.memory_space<vmem>>, vector<16xf32>,
        %add3A_711 = arith.addf %add3A_701, %get3A_710 : vector<16xf32>
        %swap3A_712 = arith.constant 480 : index
        %swap3A_713 = tpu.vector_load %arg7[%swap3A_712] {strides = array<i32>} : memref<1024xf32, #tpu.memory_space<vmem>>, vector<16xf32>,
        tpu.vector_store %arg7[%swap3A_712], %broadcast_in_dim3A_16 {strides = array<i32>} : memref<1024xf32, #tpu.memory_space<vmem>>, vector<16xf32>,
        %swap3A_714 = arith.constant 496 : index
        %swap3A_715 = tpu.vector_load %arg7[%swap3A_714] {strides = array<i32>} : memref<1024xf32, #tpu.memory_space<vmem>>, vector<16xf32>,
        tpu.vector_store %arg7[%swap3A_714], %broadcast_in_dim3A_16 {strides = array<i32>} : memref<1024xf32, #tpu.memory_space<vmem>>, vector<16xf32>,
        %swap3A_716 = arith.constant 0 : i32
        %swap3A_717 = arith.index_cast %swap3A_716 : i32 to index
        %swap3A_718 = arith.index_cast %add3A_558 : i32 to index
        %swap3A_719 = arith.constant 0 : index
        %swap3A_720 = tpu.vector_load %arg8[%swap3A_717, %swap3A_718, %swap3A_719] {strides = array<i32>} : memref<2x32x32xf32, #tpu.memory_space<vmem>>, vector<16xf32>,
        tpu.vector_store %arg8[%swap3A_717, %swap3A_718, %swap3A_719], %add3A_708 {strides = array<i32>} : memref<2x32x32xf32, #tpu.memory_space<vmem>>, vector<16xf32>,
        %swap3A_721 = arith.constant 0 : i32
        %swap3A_722 = arith.index_cast %swap3A_721 : i32 to index
        %swap3A_723 = arith.index_cast %add3A_558 : i32 to index
        %swap3A_724 = arith.constant 16 : index
        %swap3A_725 = tpu.vector_load %arg8[%swap3A_722, %swap3A_723, %swap3A_724] {strides = array<i32>} : memref<2x32x32xf32, #tpu.memory_space<vmem>>, vector<16xf32>,
        tpu.vector_store %arg8[%swap3A_722, %swap3A_723, %swap3A_724], %add3A_711 {strides = array<i32>} : memref<2x32x32xf32, #tpu.memory_space<vmem>>, vector<16xf32>,
        %get3A_726 = arith.constant 512 : index
        %get3A_727 = tpu.vector_load %arg7[%get3A_726] {strides = array<i32>} : memref<1024xf32, #tpu.memory_space<vmem>>, vector<16xf32>,
        %get3A_728 = arith.constant 528 : index
        %get3A_729 = tpu.vector_load %arg7[%get3A_728] {strides = array<i32>} : memref<1024xf32, #tpu.memory_space<vmem>>, vector<16xf32>,
        %swap3A_730 = arith.constant 512 : index
        %swap3A_731 = tpu.vector_load %arg7[%swap3A_730] {strides = array<i32>} : memref<1024xf32, #tpu.memory_space<vmem>>, vector<16xf32>,
        tpu.vector_store %arg7[%swap3A_730], %broadcast_in_dim3A_16 {strides = array<i32>} : memref<1024xf32, #tpu.memory_space<vmem>>, vector<16xf32>,
        %swap3A_732 = arith.constant 528 : index
        %swap3A_733 = tpu.vector_load %arg7[%swap3A_732] {strides = array<i32>} : memref<1024xf32, #tpu.memory_space<vmem>>, vector<16xf32>,
        tpu.vector_store %arg7[%swap3A_732], %broadcast_in_dim3A_16 {strides = array<i32>} : memref<1024xf32, #tpu.memory_space<vmem>>, vector<16xf32>,
        %get3A_734 = arith.constant 544 : index
        %get3A_735 = tpu.vector_load %arg7[%get3A_734] {strides = array<i32>} : memref<1024xf32, #tpu.memory_space<vmem>>, vector<16xf32>,
        %add3A_736 = arith.addf %get3A_727, %get3A_735 : vector<16xf32>
        %get3A_737 = arith.constant 560 : index
        %get3A_738 = tpu.vector_load %arg7[%get3A_737] {strides = array<i32>} : memref<1024xf32, #tpu.memory_space<vmem>>, vector<16xf32>,
        %add3A_739 = arith.addf %get3A_729, %get3A_738 : vector<16xf32>
        %swap3A_740 = arith.constant 544 : index
        %swap3A_741 = tpu.vector_load %arg7[%swap3A_740] {strides = array<i32>} : memref<1024xf32, #tpu.memory_space<vmem>>, vector<16xf32>,
        tpu.vector_store %arg7[%swap3A_740], %broadcast_in_dim3A_16 {strides = array<i32>} : memref<1024xf32, #tpu.memory_space<vmem>>, vector<16xf32>,
        %swap3A_742 = arith.constant 560 : index
        %swap3A_743 = tpu.vector_load %arg7[%swap3A_742] {strides = array<i32>} : memref<1024xf32, #tpu.memory_space<vmem>>, vector<16xf32>,
        tpu.vector_store %arg7[%swap3A_742], %broadcast_in_dim3A_16 {strides = array<i32>} : memref<1024xf32, #tpu.memory_space<vmem>>, vector<16xf32>,
        %get3A_744 = arith.constant 576 : index
        %get3A_745 = tpu.vector_load %arg7[%get3A_744] {strides = array<i32>} : memref<1024xf32, #tpu.memory_space<vmem>>, vector<16xf32>,
        %add3A_746 = arith.addf %add3A_736, %get3A_745 : vector<16xf32>
        %get3A_747 = arith.constant 592 : index
        %get3A_748 = tpu.vector_load %arg7[%get3A_747] {strides = array<i32>} : memref<1024xf32, #tpu.memory_space<vmem>>, vector<16xf32>,
        %add3A_749 = arith.addf %add3A_739, %get3A_748 : vector<16xf32>
        %swap3A_750 = arith.constant 576 : index
        %swap3A_751 = tpu.vector_load %arg7[%swap3A_750] {strides = array<i32>} : memref<1024xf32, #tpu.memory_space<vmem>>, vector<16xf32>,
        tpu.vector_store %arg7[%swap3A_750], %broadcast_in_dim3A_16 {strides = array<i32>} : memref<1024xf32, #tpu.memory_space<vmem>>, vector<16xf32>,
        %swap3A_752 = arith.constant 592 : index
        %swap3A_753 = tpu.vector_load %arg7[%swap3A_752] {strides = array<i32>} : memref<1024xf32, #tpu.memory_space<vmem>>, vector<16xf32>,
        tpu.vector_store %arg7[%swap3A_752], %broadcast_in_dim3A_16 {strides = array<i32>} : memref<1024xf32, #tpu.memory_space<vmem>>, vector<16xf32>,
        %get3A_754 = arith.constant 608 : index
        %get3A_755 = tpu.vector_load %arg7[%get3A_754] {strides = array<i32>} : memref<1024xf32, #tpu.memory_space<vmem>>, vector<16xf32>,
        %add3A_756 = arith.addf %add3A_746, %get3A_755 : vector<16xf32>
        %get3A_757 = arith.constant 624 : index
        %get3A_758 = tpu.vector_load %arg7[%get3A_757] {strides = array<i32>} : memref<1024xf32, #tpu.memory_space<vmem>>, vector<16xf32>,
        %add3A_759 = arith.addf %add3A_749, %get3A_758 : vector<16xf32>
        %swap3A_760 = arith.constant 608 : index
        %swap3A_761 = tpu.vector_load %arg7[%swap3A_760] {strides = array<i32>} : memref<1024xf32, #tpu.memory_space<vmem>>, vector<16xf32>,
        tpu.vector_store %arg7[%swap3A_760], %broadcast_in_dim3A_16 {strides = array<i32>} : memref<1024xf32, #tpu.memory_space<vmem>>, vector<16xf32>,
        %swap3A_762 = arith.constant 624 : index
        %swap3A_763 = tpu.vector_load %arg7[%swap3A_762] {strides = array<i32>} : memref<1024xf32, #tpu.memory_space<vmem>>, vector<16xf32>,
        tpu.vector_store %arg7[%swap3A_762], %broadcast_in_dim3A_16 {strides = array<i32>} : memref<1024xf32, #tpu.memory_space<vmem>>, vector<16xf32>,
        %get3A_764 = arith.constant 640 : index
        %get3A_765 = tpu.vector_load %arg7[%get3A_764] {strides = array<i32>} : memref<1024xf32, #tpu.memory_space<vmem>>, vector<16xf32>,
        %add3A_766 = arith.addf %add3A_756, %get3A_765 : vector<16xf32>
        %get3A_767 = arith.constant 656 : index
        %get3A_768 = tpu.vector_load %arg7[%get3A_767] {strides = array<i32>} : memref<1024xf32, #tpu.memory_space<vmem>>, vector<16xf32>,
        %add3A_769 = arith.addf %add3A_759, %get3A_768 : vector<16xf32>
        %swap3A_770 = arith.constant 640 : index
        %swap3A_771 = tpu.vector_load %arg7[%swap3A_770] {strides = array<i32>} : memref<1024xf32, #tpu.memory_space<vmem>>, vector<16xf32>,
        tpu.vector_store %arg7[%swap3A_770], %broadcast_in_dim3A_16 {strides = array<i32>} : memref<1024xf32, #tpu.memory_space<vmem>>, vector<16xf32>,
        %swap3A_772 = arith.constant 656 : index
        %swap3A_773 = tpu.vector_load %arg7[%swap3A_772] {strides = array<i32>} : memref<1024xf32, #tpu.memory_space<vmem>>, vector<16xf32>,
        tpu.vector_store %arg7[%swap3A_772], %broadcast_in_dim3A_16 {strides = array<i32>} : memref<1024xf32, #tpu.memory_space<vmem>>, vector<16xf32>,
        %get3A_774 = arith.constant 672 : index
        %get3A_775 = tpu.vector_load %arg7[%get3A_774] {strides = array<i32>} : memref<1024xf32, #tpu.memory_space<vmem>>, vector<16xf32>,
        %add3A_776 = arith.addf %add3A_766, %get3A_775 : vector<16xf32>
        %get3A_777 = arith.constant 688 : index
        %get3A_778 = tpu.vector_load %arg7[%get3A_777] {strides = array<i32>} : memref<1024xf32, #tpu.memory_space<vmem>>, vector<16xf32>,
        %add3A_779 = arith.addf %add3A_769, %get3A_778 : vector<16xf32>
        %swap3A_780 = arith.constant 672 : index
        %swap3A_781 = tpu.vector_load %arg7[%swap3A_780] {strides = array<i32>} : memref<1024xf32, #tpu.memory_space<vmem>>, vector<16xf32>,
        tpu.vector_store %arg7[%swap3A_780], %broadcast_in_dim3A_16 {strides = array<i32>} : memref<1024xf32, #tpu.memory_space<vmem>>, vector<16xf32>,
        %swap3A_782 = arith.constant 688 : index
        %swap3A_783 = tpu.vector_load %arg7[%swap3A_782] {strides = array<i32>} : memref<1024xf32, #tpu.memory_space<vmem>>, vector<16xf32>,
        tpu.vector_store %arg7[%swap3A_782], %broadcast_in_dim3A_16 {strides = array<i32>} : memref<1024xf32, #tpu.memory_space<vmem>>, vector<16xf32>,
        %get3A_784 = arith.constant 704 : index
        %get3A_785 = tpu.vector_load %arg7[%get3A_784] {strides = array<i32>} : memref<1024xf32, #tpu.memory_space<vmem>>, vector<16xf32>,
        %add3A_786 = arith.addf %add3A_776, %get3A_785 : vector<16xf32>
        %get3A_787 = arith.constant 720 : index
        %get3A_788 = tpu.vector_load %arg7[%get3A_787] {strides = array<i32>} : memref<1024xf32, #tpu.memory_space<vmem>>, vector<16xf32>,
        %add3A_789 = arith.addf %add3A_779, %get3A_788 : vector<16xf32>
        %swap3A_790 = arith.constant 704 : index
        %swap3A_791 = tpu.vector_load %arg7[%swap3A_790] {strides = array<i32>} : memref<1024xf32, #tpu.memory_space<vmem>>, vector<16xf32>,
        tpu.vector_store %arg7[%swap3A_790], %broadcast_in_dim3A_16 {strides = array<i32>} : memref<1024xf32, #tpu.memory_space<vmem>>, vector<16xf32>,
        %swap3A_792 = arith.constant 720 : index
        %swap3A_793 = tpu.vector_load %arg7[%swap3A_792] {strides = array<i32>} : memref<1024xf32, #tpu.memory_space<vmem>>, vector<16xf32>,
        tpu.vector_store %arg7[%swap3A_792], %broadcast_in_dim3A_16 {strides = array<i32>} : memref<1024xf32, #tpu.memory_space<vmem>>, vector<16xf32>,
        %get3A_794 = arith.constant 736 : index
        %get3A_795 = tpu.vector_load %arg7[%get3A_794] {strides = array<i32>} : memref<1024xf32, #tpu.memory_space<vmem>>, vector<16xf32>,
        %add3A_796 = arith.addf %add3A_786, %get3A_795 : vector<16xf32>
        %get3A_797 = arith.constant 752 : index
        %get3A_798 = tpu.vector_load %arg7[%get3A_797] {strides = array<i32>} : memref<1024xf32, #tpu.memory_space<vmem>>, vector<16xf32>,
        %add3A_799 = arith.addf %add3A_789, %get3A_798 : vector<16xf32>
        %swap3A_800 = arith.constant 736 : index
        %swap3A_801 = tpu.vector_load %arg7[%swap3A_800] {strides = array<i32>} : memref<1024xf32, #tpu.memory_space<vmem>>, vector<16xf32>,
        tpu.vector_store %arg7[%swap3A_800], %broadcast_in_dim3A_16 {strides = array<i32>} : memref<1024xf32, #tpu.memory_space<vmem>>, vector<16xf32>,
        %swap3A_802 = arith.constant 752 : index
        %swap3A_803 = tpu.vector_load %arg7[%swap3A_802] {strides = array<i32>} : memref<1024xf32, #tpu.memory_space<vmem>>, vector<16xf32>,
        tpu.vector_store %arg7[%swap3A_802], %broadcast_in_dim3A_16 {strides = array<i32>} : memref<1024xf32, #tpu.memory_space<vmem>>, vector<16xf32>,
        %get3A_804 = arith.constant 768 : index
        %get3A_805 = tpu.vector_load %arg7[%get3A_804] {strides = array<i32>} : memref<1024xf32, #tpu.memory_space<vmem>>, vector<16xf32>,
        %add3A_806 = arith.addf %add3A_796, %get3A_805 : vector<16xf32>
        %get3A_807 = arith.constant 784 : index
        %get3A_808 = tpu.vector_load %arg7[%get3A_807] {strides = array<i32>} : memref<1024xf32, #tpu.memory_space<vmem>>, vector<16xf32>,
        %add3A_809 = arith.addf %add3A_799, %get3A_808 : vector<16xf32>
        %swap3A_810 = arith.constant 768 : index
        %swap3A_811 = tpu.vector_load %arg7[%swap3A_810] {strides = array<i32>} : memref<1024xf32, #tpu.memory_space<vmem>>, vector<16xf32>,
        tpu.vector_store %arg7[%swap3A_810], %broadcast_in_dim3A_16 {strides = array<i32>} : memref<1024xf32, #tpu.memory_space<vmem>>, vector<16xf32>,
        %swap3A_812 = arith.constant 784 : index
        %swap3A_813 = tpu.vector_load %arg7[%swap3A_812] {strides = array<i32>} : memref<1024xf32, #tpu.memory_space<vmem>>, vector<16xf32>,
        tpu.vector_store %arg7[%swap3A_812], %broadcast_in_dim3A_16 {strides = array<i32>} : memref<1024xf32, #tpu.memory_space<vmem>>, vector<16xf32>,
        %get3A_814 = arith.constant 800 : index
        %get3A_815 = tpu.vector_load %arg7[%get3A_814] {strides = array<i32>} : memref<1024xf32, #tpu.memory_space<vmem>>, vector<16xf32>,
        %add3A_816 = arith.addf %add3A_806, %get3A_815 : vector<16xf32>
        %get3A_817 = arith.constant 816 : index
        %get3A_818 = tpu.vector_load %arg7[%get3A_817] {strides = array<i32>} : memref<1024xf32, #tpu.memory_space<vmem>>, vector<16xf32>,
        %add3A_819 = arith.addf %add3A_809, %get3A_818 : vector<16xf32>
        %swap3A_820 = arith.constant 800 : index
        %swap3A_821 = tpu.vector_load %arg7[%swap3A_820] {strides = array<i32>} : memref<1024xf32, #tpu.memory_space<vmem>>, vector<16xf32>,
        tpu.vector_store %arg7[%swap3A_820], %broadcast_in_dim3A_16 {strides = array<i32>} : memref<1024xf32, #tpu.memory_space<vmem>>, vector<16xf32>,
        %swap3A_822 = arith.constant 816 : index
        %swap3A_823 = tpu.vector_load %arg7[%swap3A_822] {strides = array<i32>} : memref<1024xf32, #tpu.memory_space<vmem>>, vector<16xf32>,
        tpu.vector_store %arg7[%swap3A_822], %broadcast_in_dim3A_16 {strides = array<i32>} : memref<1024xf32, #tpu.memory_space<vmem>>, vector<16xf32>,
        %get3A_824 = arith.constant 832 : index
        %get3A_825 = tpu.vector_load %arg7[%get3A_824] {strides = array<i32>} : memref<1024xf32, #tpu.memory_space<vmem>>, vector<16xf32>,
        %add3A_826 = arith.addf %add3A_816, %get3A_825 : vector<16xf32>
        %get3A_827 = arith.constant 848 : index
        %get3A_828 = tpu.vector_load %arg7[%get3A_827] {strides = array<i32>} : memref<1024xf32, #tpu.memory_space<vmem>>, vector<16xf32>,
        %add3A_829 = arith.addf %add3A_819, %get3A_828 : vector<16xf32>
        %swap3A_830 = arith.constant 832 : index
        %swap3A_831 = tpu.vector_load %arg7[%swap3A_830] {strides = array<i32>} : memref<1024xf32, #tpu.memory_space<vmem>>, vector<16xf32>,
        tpu.vector_store %arg7[%swap3A_830], %broadcast_in_dim3A_16 {strides = array<i32>} : memref<1024xf32, #tpu.memory_space<vmem>>, vector<16xf32>,
        %swap3A_832 = arith.constant 848 : index
        %swap3A_833 = tpu.vector_load %arg7[%swap3A_832] {strides = array<i32>} : memref<1024xf32, #tpu.memory_space<vmem>>, vector<16xf32>,
        tpu.vector_store %arg7[%swap3A_832], %broadcast_in_dim3A_16 {strides = array<i32>} : memref<1024xf32, #tpu.memory_space<vmem>>, vector<16xf32>,
        %get3A_834 = arith.constant 864 : index
        %get3A_835 = tpu.vector_load %arg7[%get3A_834] {strides = array<i32>} : memref<1024xf32, #tpu.memory_space<vmem>>, vector<16xf32>,
        %add3A_836 = arith.addf %add3A_826, %get3A_835 : vector<16xf32>
        %get3A_837 = arith.constant 880 : index
        %get3A_838 = tpu.vector_load %arg7[%get3A_837] {strides = array<i32>} : memref<1024xf32, #tpu.memory_space<vmem>>, vector<16xf32>,
        %add3A_839 = arith.addf %add3A_829, %get3A_838 : vector<16xf32>
        %swap3A_840 = arith.constant 864 : index
        %swap3A_841 = tpu.vector_load %arg7[%swap3A_840] {strides = array<i32>} : memref<1024xf32, #tpu.memory_space<vmem>>, vector<16xf32>,
        tpu.vector_store %arg7[%swap3A_840], %broadcast_in_dim3A_16 {strides = array<i32>} : memref<1024xf32, #tpu.memory_space<vmem>>, vector<16xf32>,
        %swap3A_842 = arith.constant 880 : index
        %swap3A_843 = tpu.vector_load %arg7[%swap3A_842] {strides = array<i32>} : memref<1024xf32, #tpu.memory_space<vmem>>, vector<16xf32>,
        tpu.vector_store %arg7[%swap3A_842], %broadcast_in_dim3A_16 {strides = array<i32>} : memref<1024xf32, #tpu.memory_space<vmem>>, vector<16xf32>,
        %get3A_844 = arith.constant 896 : index
        %get3A_845 = tpu.vector_load %arg7[%get3A_844] {strides = array<i32>} : memref<1024xf32, #tpu.memory_space<vmem>>, vector<16xf32>,
        %add3A_846 = arith.addf %add3A_836, %get3A_845 : vector<16xf32>
        %get3A_847 = arith.constant 912 : index
        %get3A_848 = tpu.vector_load %arg7[%get3A_847] {strides = array<i32>} : memref<1024xf32, #tpu.memory_space<vmem>>, vector<16xf32>,
        %add3A_849 = arith.addf %add3A_839, %get3A_848 : vector<16xf32>
        %swap3A_850 = arith.constant 896 : index
        %swap3A_851 = tpu.vector_load %arg7[%swap3A_850] {strides = array<i32>} : memref<1024xf32, #tpu.memory_space<vmem>>, vector<16xf32>,
        tpu.vector_store %arg7[%swap3A_850], %broadcast_in_dim3A_16 {strides = array<i32>} : memref<1024xf32, #tpu.memory_space<vmem>>, vector<16xf32>,
        %swap3A_852 = arith.constant 912 : index
        %swap3A_853 = tpu.vector_load %arg7[%swap3A_852] {strides = array<i32>} : memref<1024xf32, #tpu.memory_space<vmem>>, vector<16xf32>,
        tpu.vector_store %arg7[%swap3A_852], %broadcast_in_dim3A_16 {strides = array<i32>} : memref<1024xf32, #tpu.memory_space<vmem>>, vector<16xf32>,
        %get3A_854 = arith.constant 928 : index
        %get3A_855 = tpu.vector_load %arg7[%get3A_854] {strides = array<i32>} : memref<1024xf32, #tpu.memory_space<vmem>>, vector<16xf32>,
        %add3A_856 = arith.addf %add3A_846, %get3A_855 : vector<16xf32>
        %get3A_857 = arith.constant 944 : index
        %get3A_858 = tpu.vector_load %arg7[%get3A_857] {strides = array<i32>} : memref<1024xf32, #tpu.memory_space<vmem>>, vector<16xf32>,
        %add3A_859 = arith.addf %add3A_849, %get3A_858 : vector<16xf32>
        %swap3A_860 = arith.constant 928 : index
        %swap3A_861 = tpu.vector_load %arg7[%swap3A_860] {strides = array<i32>} : memref<1024xf32, #tpu.memory_space<vmem>>, vector<16xf32>,
        tpu.vector_store %arg7[%swap3A_860], %broadcast_in_dim3A_16 {strides = array<i32>} : memref<1024xf32, #tpu.memory_space<vmem>>, vector<16xf32>,
        %swap3A_862 = arith.constant 944 : index
        %swap3A_863 = tpu.vector_load %arg7[%swap3A_862] {strides = array<i32>} : memref<1024xf32, #tpu.memory_space<vmem>>, vector<16xf32>,
        tpu.vector_store %arg7[%swap3A_862], %broadcast_in_dim3A_16 {strides = array<i32>} : memref<1024xf32, #tpu.memory_space<vmem>>, vector<16xf32>,
        %get3A_864 = arith.constant 960 : index
        %get3A_865 = tpu.vector_load %arg7[%get3A_864] {strides = array<i32>} : memref<1024xf32, #tpu.memory_space<vmem>>, vector<16xf32>,
        %add3A_866 = arith.addf %add3A_856, %get3A_865 : vector<16xf32>
        %get3A_867 = arith.constant 976 : index
        %get3A_868 = tpu.vector_load %arg7[%get3A_867] {strides = array<i32>} : memref<1024xf32, #tpu.memory_space<vmem>>, vector<16xf32>,
        %add3A_869 = arith.addf %add3A_859, %get3A_868 : vector<16xf32>
        %swap3A_870 = arith.constant 960 : index
        %swap3A_871 = tpu.vector_load %arg7[%swap3A_870] {strides = array<i32>} : memref<1024xf32, #tpu.memory_space<vmem>>, vector<16xf32>,
        tpu.vector_store %arg7[%swap3A_870], %broadcast_in_dim3A_16 {strides = array<i32>} : memref<1024xf32, #tpu.memory_space<vmem>>, vector<16xf32>,
        %swap3A_872 = arith.constant 976 : index
        %swap3A_873 = tpu.vector_load %arg7[%swap3A_872] {strides = array<i32>} : memref<1024xf32, #tpu.memory_space<vmem>>, vector<16xf32>,
        tpu.vector_store %arg7[%swap3A_872], %broadcast_in_dim3A_16 {strides = array<i32>} : memref<1024xf32, #tpu.memory_space<vmem>>, vector<16xf32>,
        %get3A_874 = arith.constant 992 : index
        %get3A_875 = tpu.vector_load %arg7[%get3A_874] {strides = array<i32>} : memref<1024xf32, #tpu.memory_space<vmem>>, vector<16xf32>,
        %add3A_876 = arith.addf %add3A_866, %get3A_875 : vector<16xf32>
        %get3A_877 = arith.constant 1008 : index
        %get3A_878 = tpu.vector_load %arg7[%get3A_877] {strides = array<i32>} : memref<1024xf32, #tpu.memory_space<vmem>>, vector<16xf32>,
        %add3A_879 = arith.addf %add3A_869, %get3A_878 : vector<16xf32>
        %swap3A_880 = arith.constant 992 : index
        %swap3A_881 = tpu.vector_load %arg7[%swap3A_880] {strides = array<i32>} : memref<1024xf32, #tpu.memory_space<vmem>>, vector<16xf32>,
        tpu.vector_store %arg7[%swap3A_880], %broadcast_in_dim3A_16 {strides = array<i32>} : memref<1024xf32, #tpu.memory_space<vmem>>, vector<16xf32>,
        %swap3A_882 = arith.constant 1008 : index
        %swap3A_883 = tpu.vector_load %arg7[%swap3A_882] {strides = array<i32>} : memref<1024xf32, #tpu.memory_space<vmem>>, vector<16xf32>,
        tpu.vector_store %arg7[%swap3A_882], %broadcast_in_dim3A_16 {strides = array<i32>} : memref<1024xf32, #tpu.memory_space<vmem>>, vector<16xf32>,
        %swap3A_884 = arith.constant 1 : i32
        %swap3A_885 = arith.index_cast %swap3A_884 : i32 to index
        %swap3A_886 = arith.index_cast %add3A_558 : i32 to index
        %swap3A_887 = arith.constant 0 : index
        %swap3A_888 = tpu.vector_load %arg8[%swap3A_885, %swap3A_886, %swap3A_887] {strides = array<i32>} : memref<2x32x32xf32, #tpu.memory_space<vmem>>, vector<16xf32>,
        tpu.vector_store %arg8[%swap3A_885, %swap3A_886, %swap3A_887], %add3A_876 {strides = array<i32>} : memref<2x32x32xf32, #tpu.memory_space<vmem>>, vector<16xf32>,
        %swap3A_889 = arith.constant 1 : i32
        %swap3A_890 = arith.index_cast %swap3A_889 : i32 to index
        %swap3A_891 = arith.index_cast %add3A_558 : i32 to index
        %swap3A_892 = arith.constant 16 : index
        %swap3A_893 = tpu.vector_load %arg8[%swap3A_890, %swap3A_891, %swap3A_892] {strides = array<i32>} : memref<2x32x32xf32, #tpu.memory_space<vmem>>, vector<16xf32>,
        tpu.vector_store %arg8[%swap3A_890, %swap3A_891, %swap3A_892], %add3A_879 {strides = array<i32>} : memref<2x32x32xf32, #tpu.memory_space<vmem>>, vector<16xf32>,
        %scan3A_894 = arith.constant 0 : i32
        scf.yield %scan3A_894 : i32
      }
      %scan3A_413 = arith.constant 8 : i32
      %eq3A = arith.constant 3 : i32
      %eq3A_414 = arith.cmpi eq, %sub3A_403, %eq3A : i32
      %convert_element_type3A = arith.extui %eq3A_414 : i1 to i32
      %cond3A = arith.constant 0 : i32
      %cond3A_415 = arith.cmpi ne, %convert_element_type3A, %cond3A : i32
      scf.if %cond3A_415 {
        "tpu.region"() ({
          %run_scoped3A = tpu.sem_alloc : memref<!tpu.dma_semaphore, #tpu.memory_space<semaphore_mem>>
          %dma_start3A_552 = arith.constant 0 : i32
          %dma_start3A_553 = arith.constant 0 : i32
          %dma_start3A_554 = arith.constant 0 : i32
          %dma_start3A_555 = tpu.memref_slice %arg4[%add3A_406, %dma_start3A_552, %dma_start3A_553, %dma_start3A_554] : memref<64x2x32x32xf32, #tpu.memory_space<hbm>> -> memref<1x2x32x32xf32, #tpu.memory_space<hbm>>
          %dma_start3A_556 = tpu.memref_squeeze %dma_start3A_555 : memref<1x2x32x32xf32, #tpu.memory_space<hbm>> -> memref<2x32x32xf32, #tpu.memory_space<hbm>>
          %dma_start3A_557 = arith.constant 0 : i32
          %dma_start3A_558 = arith.constant 0 : i32
          %dma_start3A_559 = arith.constant 0 : i32
          %dma_start3A_560 = tpu.memref_slice %arg4[%add3A_406, %dma_start3A_557, %dma_start3A_558, %dma_start3A_559] : memref<64x2x32x32xf32, #tpu.memory_space<hbm>> -> memref<1x2x32x32xf32, #tpu.memory_space<hbm>>
          %dma_start3A_561 = tpu.memref_squeeze %dma_start3A_560 : memref<1x2x32x32xf32, #tpu.memory_space<hbm>> -> memref<2x32x32xf32, #tpu.memory_space<hbm>>
          tpu.enqueue_dma source(%arg8 : memref<2x32x32xf32, #tpu.memory_space<vmem>>) target(%dma_start3A_561 : memref<2x32x32xf32, #tpu.memory_space<hbm>>) target_semaphore(%run_scoped3A : memref<!tpu.dma_semaphore, #tpu.memory_space<semaphore_mem>>)
          %dma_wait3A_562 = arith.constant 0 : i32
          %dma_wait3A_563 = arith.constant 0 : i32
          %dma_wait3A_564 = arith.constant 0 : i32
          %dma_wait3A_565 = tpu.memref_slice %arg4[%add3A_406, %dma_wait3A_562, %dma_wait3A_563, %dma_wait3A_564] : memref<64x2x32x32xf32, #tpu.memory_space<hbm>> -> memref<1x2x32x32xf32, #tpu.memory_space<hbm>>
          %dma_wait3A_566 = tpu.memref_squeeze %dma_wait3A_565 : memref<1x2x32x32xf32, #tpu.memory_space<hbm>> -> memref<2x32x32xf32, #tpu.memory_space<hbm>>
          %dma_wait3A_567 = arith.constant 0 : i32
          %dma_wait3A_568 = arith.constant 0 : i32
          %dma_wait3A_569 = arith.constant 0 : i32
          %dma_wait3A_570 = tpu.memref_slice %arg4[%add3A_406, %dma_wait3A_567, %dma_wait3A_568, %dma_wait3A_569] : memref<64x2x32x32xf32, #tpu.memory_space<hbm>> -> memref<1x2x32x32xf32, #tpu.memory_space<hbm>>
          %dma_wait3A_571 = tpu.memref_squeeze %dma_wait3A_570 : memref<1x2x32x32xf32, #tpu.memory_space<hbm>> -> memref<2x32x32xf32, #tpu.memory_space<hbm>>
          tpu.wait_dma2 semaphore(%run_scoped3A : memref<!tpu.dma_semaphore, #tpu.memory_space<semaphore_mem>>) src(%arg8 : memref<2x32x32xf32, #tpu.memory_space<vmem>>) dst(%dma_wait3A_571 : memref<2x32x32xf32, #tpu.memory_space<hbm>>)
          tpu.yield
        }) : () -> ()
      } else {
      }
      %lt3A = arith.constant 3 : i32
      %lt3A_416 = arith.cmpi slt, %scan3A_208, %lt3A : i32
      %convert_element_type3A_417 = arith.extui %lt3A_416 : i1 to i32
      %cond3A_418 = arith.constant 0 : i32
      %cond3A_419 = arith.cmpi ne, %convert_element_type3A_417, %cond3A_418 : i32
      scf.if %cond3A_419 {
        %add3A_552 = arith.constant 2 : i32
        %add3A_553 = arith.addi %mul3A_211, %add3A_552 : i32
        %jit3A_554 = arith.constant 4 : i32
        %div3A_555 = arith.divsi %add3A_553, %jit3A_554 : i32
        %sign3A_556 = arith.constant 0 : i32
        %sign3A_557 = arith.cmpi sgt, %add3A_553, %sign3A_556 : i32
        %sign3A_558 = arith.extui %sign3A_557 : i1 to i32
        %sign3A_559 = arith.constant 0 : i32
        %sign3A_560 = arith.cmpi slt, %add3A_553, %sign3A_559 : i32
        %sign3A_561 = arith.extui %sign3A_560 : i1 to i32
        %sign3A_562 = arith.subi %sign3A_558, %sign3A_561 : i32
        %sign3A_563 = arith.constant 0 : i32
        %sign3A_564 = arith.cmpi sgt, %jit3A_554, %sign3A_563 : i32
        %sign3A_565 = arith.extui %sign3A_564 : i1 to i32
        %sign3A_566 = arith.constant 0 : i32
        %sign3A_567 = arith.cmpi slt, %jit3A_554, %sign3A_566 : i32
        %sign3A_568 = arith.extui %sign3A_567 : i1 to i32
        %sign3A_569 = arith.subi %sign3A_565, %sign3A_568 : i32
        %ne3A_570 = arith.cmpi ne, %sign3A_562, %sign3A_569 : i32
        %rem3A_571 = arith.remsi %add3A_553, %jit3A_554 : i32
        %ne3A_572 = arith.constant 0 : i32
        %ne3A_573 = arith.cmpi ne, %rem3A_571, %ne3A_572 : i32
        %and3A_574 = arith.andi %ne3A_570, %ne3A_573 : i1
        %sub3A_575 = arith.constant 1 : i32
        %sub3A_576 = arith.subi %div3A_555, %sub3A_575 : i32
        %select_n3A_577 = arith.select %and3A_574, %sub3A_576, %div3A_555 : i32
        %mul3A_578 = arith.constant 4 : i32
        %mul3A_579 = arith.muli %select_n3A_577, %mul3A_578 : i32
        %sub3A_580 = arith.subi %add3A_553, %mul3A_579 : i32
        %mul3A_581 = arith.constant 2 : i32
        %mul3A_582 = arith.muli %add3A, %mul3A_581 : i32
        %add3A_583 = arith.addi %mul3A_582, %select_n3A_577 : i32
        %mul3A_584 = arith.constant 8 : i32
        %mul3A_585 = arith.muli %sub3A_580, %mul3A_584 : i32
        %dma_start3A_586 = arith.constant 0 : i32
        %dma_start3A_587 = arith.constant 0 : i32
        %dma_start3A_588 = arith.constant 0 : i32
        %dma_start3A_589 = tpu.memref_slice %arg6[%dma_start3A_586, %dma_start3A_587, %dma_start3A_588] : memref<2x8x2048xf32, #tpu.memory_space<vmem>> -> memref<1x8x2048xf32, #tpu.memory_space<vmem>>
        %dma_start3A_590 = tpu.memref_squeeze %dma_start3A_589 : memref<1x8x2048xf32, #tpu.memory_space<vmem>> -> memref<8x2048xf32, #tpu.memory_space<vmem>>
        %dma_start3A_591 = arith.constant 0 : i32
        %dma_start3A_592 = tpu.memref_slice %arg3[%add3A_583, %mul3A_585, %dma_start3A_591] : memref<64x32x2048xf32, #tpu.memory_space<hbm>> -> memref<1x8x2048xf32, #tpu.memory_space<hbm>>
        %dma_start3A_593 = tpu.memref_squeeze %dma_start3A_592 : memref<1x8x2048xf32, #tpu.memory_space<hbm>> -> memref<8x2048xf32, #tpu.memory_space<hbm>>
        %dma_start3A_594 = arith.constant 0 : i32
        %dma_start3A_595 = arith.constant 0 : i32
        %dma_start3A_596 = tpu.memref_slice %arg6[%dma_start3A_586, %dma_start3A_594, %dma_start3A_595] : memref<2x8x2048xf32, #tpu.memory_space<vmem>> -> memref<1x8x2048xf32, #tpu.memory_space<vmem>>
        %dma_start3A_597 = tpu.memref_squeeze %dma_start3A_596 : memref<1x8x2048xf32, #tpu.memory_space<vmem>> -> memref<8x2048xf32, #tpu.memory_space<vmem>>
        %dma_start3A_598 = arith.constant 0 : i32
        %dma_start3A_599 = tpu.memref_slice %arg3[%add3A_583, %mul3A_585, %dma_start3A_598] : memref<64x32x2048xf32, #tpu.memory_space<hbm>> -> memref<1x8x2048xf32, #tpu.memory_space<hbm>>
        %dma_start3A_600 = tpu.memref_squeeze %dma_start3A_599 : memref<1x8x2048xf32, #tpu.memory_space<hbm>> -> memref<8x2048xf32, #tpu.memory_space<hbm>>
        tpu.enqueue_dma source(%dma_start3A_600 : memref<8x2048xf32, #tpu.memory_space<hbm>>) target(%dma_start3A_597 : memref<8x2048xf32, #tpu.memory_space<vmem>>) target_semaphore(%arg9 : memref<!tpu.dma_semaphore, #tpu.memory_space<semaphore_mem>>)
        %mul3A_601 = arith.constant 8 : i32
        %mul3A_602 = arith.muli %sub3A_580, %mul3A_601 : i32
        %dma_start3A_603 = arith.constant 0 : i32
        %dma_start3A_604 = arith.constant 0 : i32
        %dma_start3A_605 = arith.constant 0 : i32
        %dma_start3A_606 = arith.constant 0 : i32
        %dma_start3A_607 = arith.constant 0 : i32
        %dma_start3A_608 = tpu.memref_slice %arg5[%dma_start3A_604, %dma_start3A_605, %dma_start3A_606, %dma_start3A_607] : memref<2x2x8x2048xf32, #tpu.memory_space<vmem>> -> memref<1x1x8x2048xf32, #tpu.memory_space<vmem>>
        %dma_start3A_609 = tpu.memref_squeeze %dma_start3A_608 : memref<1x1x8x2048xf32, #tpu.memory_space<vmem>> -> memref<8x2048xf32, #tpu.memory_space<vmem>>
        %dma_start3A_610 = arith.constant 0 : i32
        %dma_start3A_611 = tpu.memref_slice %arg2[%add3A_583, %dma_start3A_603, %mul3A_602, %dma_start3A_610] : memref<64x2x32x2048xf32, #tpu.memory_space<hbm>> -> memref<1x1x8x2048xf32, #tpu.memory_space<hbm>>
        %dma_start3A_612 = tpu.memref_squeeze %dma_start3A_611 : memref<1x1x8x2048xf32, #tpu.memory_space<hbm>> -> memref<8x2048xf32, #tpu.memory_space<hbm>>
        %dma_start3A_613 = arith.constant 0 : i32
        %dma_start3A_614 = arith.constant 0 : i32
        %dma_start3A_615 = tpu.memref_slice %arg5[%dma_start3A_604, %dma_start3A_605, %dma_start3A_613, %dma_start3A_614] : memref<2x2x8x2048xf32, #tpu.memory_space<vmem>> -> memref<1x1x8x2048xf32, #tpu.memory_space<vmem>>
        %dma_start3A_616 = tpu.memref_squeeze %dma_start3A_615 : memref<1x1x8x2048xf32, #tpu.memory_space<vmem>> -> memref<8x2048xf32, #tpu.memory_space<vmem>>
        %dma_start3A_617 = arith.constant 0 : i32
        %dma_start3A_618 = tpu.memref_slice %arg2[%add3A_583, %dma_start3A_603, %mul3A_602, %dma_start3A_617] : memref<64x2x32x2048xf32, #tpu.memory_space<hbm>> -> memref<1x1x8x2048xf32, #tpu.memory_space<hbm>>
        %dma_start3A_619 = tpu.memref_squeeze %dma_start3A_618 : memref<1x1x8x2048xf32, #tpu.memory_space<hbm>> -> memref<8x2048xf32, #tpu.memory_space<hbm>>
        tpu.enqueue_dma source(%dma_start3A_619 : memref<8x2048xf32, #tpu.memory_space<hbm>>) target(%dma_start3A_616 : memref<8x2048xf32, #tpu.memory_space<vmem>>) target_semaphore(%arg9 : memref<!tpu.dma_semaphore, #tpu.memory_space<semaphore_mem>>)
        %mul3A_620 = arith.constant 8 : i32
        %mul3A_621 = arith.muli %sub3A_580, %mul3A_620 : i32
        %dma_start3A_622 = arith.constant 1 : i32
        %dma_start3A_623 = arith.constant 0 : i32
        %dma_start3A_624 = arith.constant 1 : i32
        %dma_start3A_625 = arith.constant 0 : i32
        %dma_start3A_626 = arith.constant 0 : i32
        %dma_start3A_627 = tpu.memref_slice %arg5[%dma_start3A_623, %dma_start3A_624, %dma_start3A_625, %dma_start3A_626] : memref<2x2x8x2048xf32, #tpu.memory_space<vmem>> -> memref<1x1x8x2048xf32, #tpu.memory_space<vmem>>
        %dma_start3A_628 = tpu.memref_squeeze %dma_start3A_627 : memref<1x1x8x2048xf32, #tpu.memory_space<vmem>> -> memref<8x2048xf32, #tpu.memory_space<vmem>>
        %dma_start3A_629 = arith.constant 0 : i32
        %dma_start3A_630 = tpu.memref_slice %arg2[%add3A_583, %dma_start3A_622, %mul3A_621, %dma_start3A_629] : memref<64x2x32x2048xf32, #tpu.memory_space<hbm>> -> memref<1x1x8x2048xf32, #tpu.memory_space<hbm>>
        %dma_start3A_631 = tpu.memref_squeeze %dma_start3A_630 : memref<1x1x8x2048xf32, #tpu.memory_space<hbm>> -> memref<8x2048xf32, #tpu.memory_space<hbm>>
        %dma_start3A_632 = arith.constant 0 : i32
        %dma_start3A_633 = arith.constant 0 : i32
        %dma_start3A_634 = tpu.memref_slice %arg5[%dma_start3A_623, %dma_start3A_624, %dma_start3A_632, %dma_start3A_633] : memref<2x2x8x2048xf32, #tpu.memory_space<vmem>> -> memref<1x1x8x2048xf32, #tpu.memory_space<vmem>>
        %dma_start3A_635 = tpu.memref_squeeze %dma_start3A_634 : memref<1x1x8x2048xf32, #tpu.memory_space<vmem>> -> memref<8x2048xf32, #tpu.memory_space<vmem>>
        %dma_start3A_636 = arith.constant 0 : i32
        %dma_start3A_637 = tpu.memref_slice %arg2[%add3A_583, %dma_start3A_622, %mul3A_621, %dma_start3A_636] : memref<64x2x32x2048xf32, #tpu.memory_space<hbm>> -> memref<1x1x8x2048xf32, #tpu.memory_space<hbm>>
        %dma_start3A_638 = tpu.memref_squeeze %dma_start3A_637 : memref<1x1x8x2048xf32, #tpu.memory_space<hbm>> -> memref<8x2048xf32, #tpu.memory_space<hbm>>
        tpu.enqueue_dma source(%dma_start3A_638 : memref<8x2048xf32, #tpu.memory_space<hbm>>) target(%dma_start3A_635 : memref<8x2048xf32, #tpu.memory_space<vmem>>) target_semaphore(%arg9 : memref<!tpu.dma_semaphore, #tpu.memory_space<semaphore_mem>>)
      } else {
      }
      %add3A_420 = arith.constant 1 : i32
      %add3A_421 = arith.addi %mul3A_211, %add3A_420 : i32
      %jit3A_422 = arith.constant 4 : i32
      %div3A_423 = arith.divsi %add3A_421, %jit3A_422 : i32
      %sign3A_424 = arith.constant 0 : i32
      %sign3A_425 = arith.cmpi sgt, %add3A_421, %sign3A_424 : i32
      %sign3A_426 = arith.extui %sign3A_425 : i1 to i32
      %sign3A_427 = arith.constant 0 : i32
      %sign3A_428 = arith.cmpi slt, %add3A_421, %sign3A_427 : i32
      %sign3A_429 = arith.extui %sign3A_428 : i1 to i32
      %sign3A_430 = arith.subi %sign3A_426, %sign3A_429 : i32
      %sign3A_431 = arith.constant 0 : i32
      %sign3A_432 = arith.cmpi sgt, %jit3A_422, %sign3A_431 : i32
      %sign3A_433 = arith.extui %sign3A_432 : i1 to i32
      %sign3A_434 = arith.constant 0 : i32
      %sign3A_435 = arith.cmpi slt, %jit3A_422, %sign3A_434 : i32
      %sign3A_436 = arith.extui %sign3A_435 : i1 to i32
      %sign3A_437 = arith.subi %sign3A_433, %sign3A_436 : i32
      %ne3A_438 = arith.cmpi ne, %sign3A_430, %sign3A_437 : i32
      %rem3A_439 = arith.remsi %add3A_421, %jit3A_422 : i32
      %ne3A_440 = arith.constant 0 : i32
      %ne3A_441 = arith.cmpi ne, %rem3A_439, %ne3A_440 : i32
      %and3A_442 = arith.andi %ne3A_438, %ne3A_441 : i1
      %sub3A_443 = arith.constant 1 : i32
      %sub3A_444 = arith.subi %div3A_423, %sub3A_443 : i32
      %select_n3A_445 = arith.select %and3A_442, %sub3A_444, %div3A_423 : i32
      %mul3A_446 = arith.constant 4 : i32
      %mul3A_447 = arith.muli %select_n3A_445, %mul3A_446 : i32
      %sub3A_448 = arith.subi %add3A_421, %mul3A_447 : i32
      %mul3A_449 = arith.constant 2 : i32
      %mul3A_450 = arith.muli %add3A, %mul3A_449 : i32
      %add3A_451 = arith.addi %mul3A_450, %select_n3A_445 : i32
      %mul3A_452 = arith.constant 8 : i32
      %mul3A_453 = arith.muli %sub3A_448, %mul3A_452 : i32
      %dma_wait3A_454 = arith.constant 1 : i32
      %dma_wait3A_455 = arith.constant 0 : i32
      %dma_wait3A_456 = arith.constant 0 : i32
      %dma_wait3A_457 = tpu.memref_slice %arg6[%dma_wait3A_454, %dma_wait3A_455, %dma_wait3A_456] : memref<2x8x2048xf32, #tpu.memory_space<vmem>> -> memref<1x8x2048xf32, #tpu.memory_space<vmem>>
      %dma_wait3A_458 = tpu.memref_squeeze %dma_wait3A_457 : memref<1x8x2048xf32, #tpu.memory_space<vmem>> -> memref<8x2048xf32, #tpu.memory_space<vmem>>
      %dma_wait3A_459 = arith.constant 0 : i32
      %dma_wait3A_460 = tpu.memref_slice %arg3[%add3A_451, %mul3A_453, %dma_wait3A_459] : memref<64x32x2048xf32, #tpu.memory_space<hbm>> -> memref<1x8x2048xf32, #tpu.memory_space<hbm>>
      %dma_wait3A_461 = tpu.memref_squeeze %dma_wait3A_460 : memref<1x8x2048xf32, #tpu.memory_space<hbm>> -> memref<8x2048xf32, #tpu.memory_space<hbm>>
      %dma_wait3A_462 = arith.constant 0 : i32
      %dma_wait3A_463 = arith.constant 0 : i32
      %dma_wait3A_464 = tpu.memref_slice %arg6[%dma_wait3A_454, %dma_wait3A_462, %dma_wait3A_463] : memref<2x8x2048xf32, #tpu.memory_space<vmem>> -> memref<1x8x2048xf32, #tpu.memory_space<vmem>>
      %dma_wait3A_465 = tpu.memref_squeeze %dma_wait3A_464 : memref<1x8x2048xf32, #tpu.memory_space<vmem>> -> memref<8x2048xf32, #tpu.memory_space<vmem>>
      %dma_wait3A_466 = arith.constant 0 : i32
      %dma_wait3A_467 = tpu.memref_slice %arg3[%add3A_451, %mul3A_453, %dma_wait3A_466] : memref<64x32x2048xf32, #tpu.memory_space<hbm>> -> memref<1x8x2048xf32, #tpu.memory_space<hbm>>
      %dma_wait3A_468 = tpu.memref_squeeze %dma_wait3A_467 : memref<1x8x2048xf32, #tpu.memory_space<hbm>> -> memref<8x2048xf32, #tpu.memory_space<hbm>>
      tpu.wait_dma2 semaphore(%arg10 : memref<!tpu.dma_semaphore, #tpu.memory_space<semaphore_mem>>) src(%dma_wait3A_468 : memref<8x2048xf32, #tpu.memory_space<hbm>>) dst(%dma_wait3A_465 : memref<8x2048xf32, #tpu.memory_space<vmem>>)
      %mul3A_469 = arith.constant 8 : i32
      %mul3A_470 = arith.muli %sub3A_448, %mul3A_469 : i32
      %dma_wait3A_471 = arith.constant 0 : i32
      %dma_wait3A_472 = arith.constant 1 : i32
      %dma_wait3A_473 = arith.constant 0 : i32
      %dma_wait3A_474 = arith.constant 0 : i32
      %dma_wait3A_475 = arith.constant 0 : i32
      %dma_wait3A_476 = tpu.memref_slice %arg5[%dma_wait3A_472, %dma_wait3A_473, %dma_wait3A_474, %dma_wait3A_475] : memref<2x2x8x2048xf32, #tpu.memory_space<vmem>> -> memref<1x1x8x2048xf32, #tpu.memory_space<vmem>>
      %dma_wait3A_477 = tpu.memref_squeeze %dma_wait3A_476 : memref<1x1x8x2048xf32, #tpu.memory_space<vmem>> -> memref<8x2048xf32, #tpu.memory_space<vmem>>
      %dma_wait3A_478 = arith.constant 0 : i32
      %dma_wait3A_479 = tpu.memref_slice %arg2[%add3A_451, %dma_wait3A_471, %mul3A_470, %dma_wait3A_478] : memref<64x2x32x2048xf32, #tpu.memory_space<hbm>> -> memref<1x1x8x2048xf32, #tpu.memory_space<hbm>>
      %dma_wait3A_480 = tpu.memref_squeeze %dma_wait3A_479 : memref<1x1x8x2048xf32, #tpu.memory_space<hbm>> -> memref<8x2048xf32, #tpu.memory_space<hbm>>
      %dma_wait3A_481 = arith.constant 0 : i32
      %dma_wait3A_482 = arith.constant 0 : i32
      %dma_wait3A_483 = tpu.memref_slice %arg5[%dma_wait3A_472, %dma_wait3A_473, %dma_wait3A_481, %dma_wait3A_482] : memref<2x2x8x2048xf32, #tpu.memory_space<vmem>> -> memref<1x1x8x2048xf32, #tpu.memory_space<vmem>>
      %dma_wait3A_484 = tpu.memref_squeeze %dma_wait3A_483 : memref<1x1x8x2048xf32, #tpu.memory_space<vmem>> -> memref<8x2048xf32, #tpu.memory_space<vmem>>
      %dma_wait3A_485 = arith.constant 0 : i32
      %dma_wait3A_486 = tpu.memref_slice %arg2[%add3A_451, %dma_wait3A_471, %mul3A_470, %dma_wait3A_485] : memref<64x2x32x2048xf32, #tpu.memory_space<hbm>> -> memref<1x1x8x2048xf32, #tpu.memory_space<hbm>>
      %dma_wait3A_487 = tpu.memref_squeeze %dma_wait3A_486 : memref<1x1x8x2048xf32, #tpu.memory_space<hbm>> -> memref<8x2048xf32, #tpu.memory_space<hbm>>
      tpu.wait_dma2 semaphore(%arg10 : memref<!tpu.dma_semaphore, #tpu.memory_space<semaphore_mem>>) src(%dma_wait3A_487 : memref<8x2048xf32, #tpu.memory_space<hbm>>) dst(%dma_wait3A_484 : memref<8x2048xf32, #tpu.memory_space<vmem>>)
      %mul3A_488 = arith.constant 8 : i32
      %mul3A_489 = arith.muli %sub3A_448, %mul3A_488 : i32
      %dma_wait3A_490 = arith.constant 1 : i32
      %dma_wait3A_491 = arith.constant 1 : i32
      %dma_wait3A_492 = arith.constant 1 : i32
      %dma_wait3A_493 = arith.constant 0 : i32
      %dma_wait3A_494 = arith.constant 0 : i32
      %dma_wait3A_495 = tpu.memref_slice %arg5[%dma_wait3A_491, %dma_wait3A_492, %dma_wait3A_493, %dma_wait3A_494] : memref<2x2x8x2048xf32, #tpu.memory_space<vmem>> -> memref<1x1x8x2048xf32, #tpu.memory_space<vmem>>
      %dma_wait3A_496 = tpu.memref_squeeze %dma_wait3A_495 : memref<1x1x8x2048xf32, #tpu.memory_space<vmem>> -> memref<8x2048xf32, #tpu.memory_space<vmem>>
      %dma_wait3A_497 = arith.constant 0 : i32
      %dma_wait3A_498 = tpu.memref_slice %arg2[%add3A_451, %dma_wait3A_490, %mul3A_489, %dma_wait3A_497] : memref<64x2x32x2048xf32, #tpu.memory_space<hbm>> -> memref<1x1x8x2048xf32, #tpu.memory_space<hbm>>
      %dma_wait3A_499 = tpu.memref_squeeze %dma_wait3A_498 : memref<1x1x8x2048xf32, #tpu.memory_space<hbm>> -> memref<8x2048xf32, #tpu.memory_space<hbm>>
      %dma_wait3A_500 = arith.constant 0 : i32
      %dma_wait3A_501 = arith.constant 0 : i32
      %dma_wait3A_502 = tpu.memref_slice %arg5[%dma_wait3A_491, %dma_wait3A_492, %dma_wait3A_500, %dma_wait3A_501] : memref<2x2x8x2048xf32, #tpu.memory_space<vmem>> -> memref<1x1x8x2048xf32, #tpu.memory_space<vmem>>
      %dma_wait3A_503 = tpu.memref_squeeze %dma_wait3A_502 : memref<1x1x8x2048xf32, #tpu.memory_space<vmem>> -> memref<8x2048xf32, #tpu.memory_space<vmem>>
      %dma_wait3A_504 = arith.constant 0 : i32
      %dma_wait3A_505 = tpu.memref_slice %arg2[%add3A_451, %dma_wait3A_490, %mul3A_489, %dma_wait3A_504] : memref<64x2x32x2048xf32, #tpu.memory_space<hbm>> -> memref<1x1x8x2048xf32, #tpu.memory_space<hbm>>
      %dma_wait3A_506 = tpu.memref_squeeze %dma_wait3A_505 : memref<1x1x8x2048xf32, #tpu.memory_space<hbm>> -> memref<8x2048xf32, #tpu.memory_space<hbm>>
      tpu.wait_dma2 semaphore(%arg10 : memref<!tpu.dma_semaphore, #tpu.memory_space<semaphore_mem>>) src(%dma_wait3A_506 : memref<8x2048xf32, #tpu.memory_space<hbm>>) dst(%dma_wait3A_503 : memref<8x2048xf32, #tpu.memory_space<vmem>>)
      %add3A_507 = arith.constant 1 : i32
      %add3A_508 = arith.addi %mul3A_211, %add3A_507 : i32
      %jit3A_509 = arith.constant 4 : i32
      %div3A_510 = arith.divsi %add3A_508, %jit3A_509 : i32
      %sign3A_511 = arith.constant 0 : i32
      %sign3A_512 = arith.cmpi sgt, %add3A_508, %sign3A_511 : i32
      %sign3A_513 = arith.extui %sign3A_512 : i1 to i32
      %sign3A_514 = arith.constant 0 : i32
      %sign3A_515 = arith.cmpi slt, %add3A_508, %sign3A_514 : i32
      %sign3A_516 = arith.extui %sign3A_515 : i1 to i32
      %sign3A_517 = arith.subi %sign3A_513, %sign3A_516 : i32
      %sign3A_518 = arith.constant 0 : i32
      %sign3A_519 = arith.cmpi sgt, %jit3A_509, %sign3A_518 : i32
      %sign3A_520 = arith.extui %sign3A_519 : i1 to i32
      %sign3A_521 = arith.constant 0 : i32
      %sign3A_522 = arith.cmpi slt, %jit3A_509, %sign3A_521 : i32
      %sign3A_523 = arith.extui %sign3A_522 : i1 to i32
      %sign3A_524 = arith.subi %sign3A_520, %sign3A_523 : i32
      %ne3A_525 = arith.cmpi ne, %sign3A_517, %sign3A_524 : i32
      %rem3A_526 = arith.remsi %add3A_508, %jit3A_509 : i32
      %ne3A_527 = arith.constant 0 : i32
      %ne3A_528 = arith.cmpi ne, %rem3A_526, %ne3A_527 : i32
      %and3A_529 = arith.andi %ne3A_525, %ne3A_528 : i1
      %sub3A_530 = arith.constant 1 : i32
      %sub3A_531 = arith.subi %div3A_510, %sub3A_530 : i32
      %select_n3A_532 = arith.select %and3A_529, %sub3A_531, %div3A_510 : i32
      %mul3A_533 = arith.constant 4 : i32
      %mul3A_534 = arith.muli %select_n3A_532, %mul3A_533 : i32
      %sub3A_535 = arith.subi %add3A_508, %mul3A_534 : i32
      %mul3A_536 = arith.constant 2 : i32
      %mul3A_537 = arith.muli %add3A, %mul3A_536 : i32
      %add3A_538 = arith.addi %mul3A_537, %select_n3A_532 : i32
      %scan3A_539 = arith.constant 0 : i32
      %scan3A_540 = arith.constant 0 : i32
      %scan3A_541 = arith.constant 8 : i32
      %scan3A_542 = arith.addi %scan3A_540, %scan3A_541 : i32
      %scan3A_543 = arith.constant 1 : i32
      %scan3A_544 = scf.for %scan3A_552 = %scan3A_540 to %scan3A_542 step %scan3A_543 iter_args(%scan3A_553 = %scan3A_539) -> (i32)  : i32 {
        %parallel_loop3A = arith.constant 0 : i32
        %parallel_loop3A_554 = arith.constant 128 : i32
        %parallel_loop3A_555 = arith.constant 1 : i32
        scf.for %parallel_loop3A_895 = %parallel_loop3A to %parallel_loop3A_554 step %parallel_loop3A_555  : i32 {
          %parallel_loop3A_896 = arith.constant 16 : i32
          %parallel_loop3A_897 = arith.muli %parallel_loop3A_895, %parallel_loop3A_896 : i32
          %parallel_loop3A_898 = arith.constant 1 : i32
          %parallel_loop3A_899 = arith.index_cast %parallel_loop3A_898 : i32 to index
          %parallel_loop3A_900 = arith.index_cast %scan3A_552 : i32 to index
          %parallel_loop3A_901 = arith.index_cast %parallel_loop3A_897 : i32 to index
          %parallel_loop3A_902 = tpu.vector_load %arg6[%parallel_loop3A_899, %parallel_loop3A_900, %parallel_loop3A_901] {strides = array<i32>} : memref<2x8x2048xf32, #tpu.memory_space<vmem>>, vector<16xf32>,
          %parallel_loop3A_903 = arith.constant 1 : i32
          %parallel_loop3A_904 = arith.constant 0 : i32
          %parallel_loop3A_905 = arith.index_cast %parallel_loop3A_903 : i32 to index
          %parallel_loop3A_906 = arith.index_cast %parallel_loop3A_904 : i32 to index
          %parallel_loop3A_907 = arith.index_cast %scan3A_552 : i32 to index
          %parallel_loop3A_908 = arith.index_cast %parallel_loop3A_897 : i32 to index
          %parallel_loop3A_909 = tpu.vector_load %arg5[%parallel_loop3A_905, %parallel_loop3A_906, %parallel_loop3A_907, %parallel_loop3A_908] {strides = array<i32>} : memref<2x2x8x2048xf32, #tpu.memory_space<vmem>>, vector<16xf32>,
          %parallel_loop3A_910 = arith.constant 1 : i32
          %parallel_loop3A_911 = arith.constant 1 : i32
          %parallel_loop3A_912 = arith.index_cast %parallel_loop3A_910 : i32 to index
          %parallel_loop3A_913 = arith.index_cast %parallel_loop3A_911 : i32 to index
          %parallel_loop3A_914 = arith.index_cast %scan3A_552 : i32 to index
          %parallel_loop3A_915 = arith.index_cast %parallel_loop3A_897 : i32 to index
          %parallel_loop3A_916 = tpu.vector_load %arg5[%parallel_loop3A_912, %parallel_loop3A_913, %parallel_loop3A_914, %parallel_loop3A_915] {strides = array<i32>} : memref<2x2x8x2048xf32, #tpu.memory_space<vmem>>, vector<16xf32>,
          %parallel_loop3A_917 = arith.constant 1.400000e+01 : f32
          %parallel_loop3A_918 = vector.broadcast %parallel_loop3A_917 : f32 to vector<16xf32>
          %parallel_loop3A_919 = arith.mulf %parallel_loop3A_909, %parallel_loop3A_918 : vector<16xf32>
          %parallel_loop3A_920 = arith.constant 13.5001402 : f32
          %parallel_loop3A_921 = vector.broadcast %parallel_loop3A_920 : f32 to vector<16xf32>
          %parallel_loop3A_922 = arith.addf %parallel_loop3A_919, %parallel_loop3A_921 : vector<16xf32>
          %parallel_loop3A_923 = arith.constant 0x4B000000 : f32
          %parallel_loop3A_924 = vector.broadcast %parallel_loop3A_923 : f32 to vector<16xf32>
          %parallel_loop3A_925 = arith.addf %parallel_loop3A_922, %parallel_loop3A_924 : vector<16xf32>
          %parallel_loop3A_926 = arith.constant 1.400000e+01 : f32
          %parallel_loop3A_927 = vector.broadcast %parallel_loop3A_926 : f32 to vector<16xf32>
          %parallel_loop3A_928 = arith.mulf %parallel_loop3A_916, %parallel_loop3A_927 : vector<16xf32>
          %parallel_loop3A_929 = arith.constant 13.5001402 : f32
          %parallel_loop3A_930 = vector.broadcast %parallel_loop3A_929 : f32 to vector<16xf32>
          %parallel_loop3A_931 = arith.addf %parallel_loop3A_928, %parallel_loop3A_930 : vector<16xf32>
          %parallel_loop3A_932 = arith.constant 0x4B000000 : f32
          %parallel_loop3A_933 = vector.broadcast %parallel_loop3A_932 : f32 to vector<16xf32>
          %parallel_loop3A_934 = arith.addf %parallel_loop3A_931, %parallel_loop3A_933 : vector<16xf32>
          %parallel_loop3A_935 = vector.bitcast %parallel_loop3A_925 : vector<16xf32> to vector<16xi32>
          %parallel_loop3A_936 = arith.addi %parallel_loop3A_935, %sub3A_5 : vector<16xi32>
          tpu.vector_store_idx %arg7[%parallel_loop3A_936], %parallel_loop3A_902 {add = true} : memref<1024xf32, #tpu.memory_space<vmem>>[vector<16xi32>], vector<16xf32>,
          %parallel_loop3A_937 = vector.bitcast %parallel_loop3A_934 : vector<16xf32> to vector<16xi32>
          %parallel_loop3A_938 = arith.addi %parallel_loop3A_937, %add3A_8 : vector<16xi32>
          tpu.vector_store_idx %arg7[%parallel_loop3A_938], %parallel_loop3A_902 {add = true} : memref<1024xf32, #tpu.memory_space<vmem>>[vector<16xi32>], vector<16xf32>,
        } {sc.loop_unroll_factor = 8 : i64, sc.parallel_access}
        %mul3A_556 = arith.constant 8 : i32
        %mul3A_557 = arith.muli %sub3A_535, %mul3A_556 : i32
        %add3A_558 = arith.addi %mul3A_557, %scan3A_552 : i32
        %get3A = arith.constant 0 : index
        %get3A_559 = tpu.vector_load %arg7[%get3A] {strides = array<i32>} : memref<1024xf32, #tpu.memory_space<vmem>>, vector<16xf32>,
        %get3A_560 = arith.constant 16 : index
        %get3A_561 = tpu.vector_load %arg7[%get3A_560] {strides = array<i32>} : memref<1024xf32, #tpu.memory_space<vmem>>, vector<16xf32>,
        %swap3A_562 = arith.constant 0 : index
        %swap3A_563 = tpu.vector_load %arg7[%swap3A_562] {strides = array<i32>} : memref<1024xf32, #tpu.memory_space<vmem>>, vector<16xf32>,
        tpu.vector_store %arg7[%swap3A_562], %broadcast_in_dim3A_16 {strides = array<i32>} : memref<1024xf32, #tpu.memory_space<vmem>>, vector<16xf32>,
        %swap3A_564 = arith.constant 16 : index
        %swap3A_565 = tpu.vector_load %arg7[%swap3A_564] {strides = array<i32>} : memref<1024xf32, #tpu.memory_space<vmem>>, vector<16xf32>,
        tpu.vector_store %arg7[%swap3A_564], %broadcast_in_dim3A_16 {strides = array<i32>} : memref<1024xf32, #tpu.memory_space<vmem>>, vector<16xf32>,
        %get3A_566 = arith.constant 32 : index
        %get3A_567 = tpu.vector_load %arg7[%get3A_566] {strides = array<i32>} : memref<1024xf32, #tpu.memory_space<vmem>>, vector<16xf32>,
        %add3A_568 = arith.addf %get3A_559, %get3A_567 : vector<16xf32>
        %get3A_569 = arith.constant 48 : index
        %get3A_570 = tpu.vector_load %arg7[%get3A_569] {strides = array<i32>} : memref<1024xf32, #tpu.memory_space<vmem>>, vector<16xf32>,
        %add3A_571 = arith.addf %get3A_561, %get3A_570 : vector<16xf32>
        %swap3A_572 = arith.constant 32 : index
        %swap3A_573 = tpu.vector_load %arg7[%swap3A_572] {strides = array<i32>} : memref<1024xf32, #tpu.memory_space<vmem>>, vector<16xf32>,
        tpu.vector_store %arg7[%swap3A_572], %broadcast_in_dim3A_16 {strides = array<i32>} : memref<1024xf32, #tpu.memory_space<vmem>>, vector<16xf32>,
        %swap3A_574 = arith.constant 48 : index
        %swap3A_575 = tpu.vector_load %arg7[%swap3A_574] {strides = array<i32>} : memref<1024xf32, #tpu.memory_space<vmem>>, vector<16xf32>,
        tpu.vector_store %arg7[%swap3A_574], %broadcast_in_dim3A_16 {strides = array<i32>} : memref<1024xf32, #tpu.memory_space<vmem>>, vector<16xf32>,
        %get3A_576 = arith.constant 64 : index
        %get3A_577 = tpu.vector_load %arg7[%get3A_576] {strides = array<i32>} : memref<1024xf32, #tpu.memory_space<vmem>>, vector<16xf32>,
        %add3A_578 = arith.addf %add3A_568, %get3A_577 : vector<16xf32>
        %get3A_579 = arith.constant 80 : index
        %get3A_580 = tpu.vector_load %arg7[%get3A_579] {strides = array<i32>} : memref<1024xf32, #tpu.memory_space<vmem>>, vector<16xf32>,
        %add3A_581 = arith.addf %add3A_571, %get3A_580 : vector<16xf32>
        %swap3A_582 = arith.constant 64 : index
        %swap3A_583 = tpu.vector_load %arg7[%swap3A_582] {strides = array<i32>} : memref<1024xf32, #tpu.memory_space<vmem>>, vector<16xf32>,
        tpu.vector_store %arg7[%swap3A_582], %broadcast_in_dim3A_16 {strides = array<i32>} : memref<1024xf32, #tpu.memory_space<vmem>>, vector<16xf32>,
        %swap3A_584 = arith.constant 80 : index
        %swap3A_585 = tpu.vector_load %arg7[%swap3A_584] {strides = array<i32>} : memref<1024xf32, #tpu.memory_space<vmem>>, vector<16xf32>,
        tpu.vector_store %arg7[%swap3A_584], %broadcast_in_dim3A_16 {strides = array<i32>} : memref<1024xf32, #tpu.memory_space<vmem>>, vector<16xf32>,
        %get3A_586 = arith.constant 96 : index
        %get3A_587 = tpu.vector_load %arg7[%get3A_586] {strides = array<i32>} : memref<1024xf32, #tpu.memory_space<vmem>>, vector<16xf32>,
        %add3A_588 = arith.addf %add3A_578, %get3A_587 : vector<16xf32>
        %get3A_589 = arith.constant 112 : index
        %get3A_590 = tpu.vector_load %arg7[%get3A_589] {strides = array<i32>} : memref<1024xf32, #tpu.memory_space<vmem>>, vector<16xf32>,
        %add3A_591 = arith.addf %add3A_581, %get3A_590 : vector<16xf32>
        %swap3A_592 = arith.constant 96 : index
        %swap3A_593 = tpu.vector_load %arg7[%swap3A_592] {strides = array<i32>} : memref<1024xf32, #tpu.memory_space<vmem>>, vector<16xf32>,
        tpu.vector_store %arg7[%swap3A_592], %broadcast_in_dim3A_16 {strides = array<i32>} : memref<1024xf32, #tpu.memory_space<vmem>>, vector<16xf32>,
        %swap3A_594 = arith.constant 112 : index
        %swap3A_595 = tpu.vector_load %arg7[%swap3A_594] {strides = array<i32>} : memref<1024xf32, #tpu.memory_space<vmem>>, vector<16xf32>,
        tpu.vector_store %arg7[%swap3A_594], %broadcast_in_dim3A_16 {strides = array<i32>} : memref<1024xf32, #tpu.memory_space<vmem>>, vector<16xf32>,
        %get3A_596 = arith.constant 128 : index
        %get3A_597 = tpu.vector_load %arg7[%get3A_596] {strides = array<i32>} : memref<1024xf32, #tpu.memory_space<vmem>>, vector<16xf32>,
        %add3A_598 = arith.addf %add3A_588, %get3A_597 : vector<16xf32>
        %get3A_599 = arith.constant 144 : index
        %get3A_600 = tpu.vector_load %arg7[%get3A_599] {strides = array<i32>} : memref<1024xf32, #tpu.memory_space<vmem>>, vector<16xf32>,
        %add3A_601 = arith.addf %add3A_591, %get3A_600 : vector<16xf32>
        %swap3A_602 = arith.constant 128 : index
        %swap3A_603 = tpu.vector_load %arg7[%swap3A_602] {strides = array<i32>} : memref<1024xf32, #tpu.memory_space<vmem>>, vector<16xf32>,
        tpu.vector_store %arg7[%swap3A_602], %broadcast_in_dim3A_16 {strides = array<i32>} : memref<1024xf32, #tpu.memory_space<vmem>>, vector<16xf32>,
        %swap3A_604 = arith.constant 144 : index
        %swap3A_605 = tpu.vector_load %arg7[%swap3A_604] {strides = array<i32>} : memref<1024xf32, #tpu.memory_space<vmem>>, vector<16xf32>,
        tpu.vector_store %arg7[%swap3A_604], %broadcast_in_dim3A_16 {strides = array<i32>} : memref<1024xf32, #tpu.memory_space<vmem>>, vector<16xf32>,
        %get3A_606 = arith.constant 160 : index
        %get3A_607 = tpu.vector_load %arg7[%get3A_606] {strides = array<i32>} : memref<1024xf32, #tpu.memory_space<vmem>>, vector<16xf32>,
        %add3A_608 = arith.addf %add3A_598, %get3A_607 : vector<16xf32>
        %get3A_609 = arith.constant 176 : index
        %get3A_610 = tpu.vector_load %arg7[%get3A_609] {strides = array<i32>} : memref<1024xf32, #tpu.memory_space<vmem>>, vector<16xf32>,
        %add3A_611 = arith.addf %add3A_601, %get3A_610 : vector<16xf32>
        %swap3A_612 = arith.constant 160 : index
        %swap3A_613 = tpu.vector_load %arg7[%swap3A_612] {strides = array<i32>} : memref<1024xf32, #tpu.memory_space<vmem>>, vector<16xf32>,
        tpu.vector_store %arg7[%swap3A_612], %broadcast_in_dim3A_16 {strides = array<i32>} : memref<1024xf32, #tpu.memory_space<vmem>>, vector<16xf32>,
        %swap3A_614 = arith.constant 176 : index
        %swap3A_615 = tpu.vector_load %arg7[%swap3A_614] {strides = array<i32>} : memref<1024xf32, #tpu.memory_space<vmem>>, vector<16xf32>,
        tpu.vector_store %arg7[%swap3A_614], %broadcast_in_dim3A_16 {strides = array<i32>} : memref<1024xf32, #tpu.memory_space<vmem>>, vector<16xf32>,
        %get3A_616 = arith.constant 192 : index
        %get3A_617 = tpu.vector_load %arg7[%get3A_616] {strides = array<i32>} : memref<1024xf32, #tpu.memory_space<vmem>>, vector<16xf32>,
        %add3A_618 = arith.addf %add3A_608, %get3A_617 : vector<16xf32>
        %get3A_619 = arith.constant 208 : index
        %get3A_620 = tpu.vector_load %arg7[%get3A_619] {strides = array<i32>} : memref<1024xf32, #tpu.memory_space<vmem>>, vector<16xf32>,
        %add3A_621 = arith.addf %add3A_611, %get3A_620 : vector<16xf32>
        %swap3A_622 = arith.constant 192 : index
        %swap3A_623 = tpu.vector_load %arg7[%swap3A_622] {strides = array<i32>} : memref<1024xf32, #tpu.memory_space<vmem>>, vector<16xf32>,
        tpu.vector_store %arg7[%swap3A_622], %broadcast_in_dim3A_16 {strides = array<i32>} : memref<1024xf32, #tpu.memory_space<vmem>>, vector<16xf32>,
        %swap3A_624 = arith.constant 208 : index
        %swap3A_625 = tpu.vector_load %arg7[%swap3A_624] {strides = array<i32>} : memref<1024xf32, #tpu.memory_space<vmem>>, vector<16xf32>,
        tpu.vector_store %arg7[%swap3A_624], %broadcast_in_dim3A_16 {strides = array<i32>} : memref<1024xf32, #tpu.memory_space<vmem>>, vector<16xf32>,
        %get3A_626 = arith.constant 224 : index
        %get3A_627 = tpu.vector_load %arg7[%get3A_626] {strides = array<i32>} : memref<1024xf32, #tpu.memory_space<vmem>>, vector<16xf32>,
        %add3A_628 = arith.addf %add3A_618, %get3A_627 : vector<16xf32>
        %get3A_629 = arith.constant 240 : index
        %get3A_630 = tpu.vector_load %arg7[%get3A_629] {strides = array<i32>} : memref<1024xf32, #tpu.memory_space<vmem>>, vector<16xf32>,
        %add3A_631 = arith.addf %add3A_621, %get3A_630 : vector<16xf32>
        %swap3A_632 = arith.constant 224 : index
        %swap3A_633 = tpu.vector_load %arg7[%swap3A_632] {strides = array<i32>} : memref<1024xf32, #tpu.memory_space<vmem>>, vector<16xf32>,
        tpu.vector_store %arg7[%swap3A_632], %broadcast_in_dim3A_16 {strides = array<i32>} : memref<1024xf32, #tpu.memory_space<vmem>>, vector<16xf32>,
        %swap3A_634 = arith.constant 240 : index
        %swap3A_635 = tpu.vector_load %arg7[%swap3A_634] {strides = array<i32>} : memref<1024xf32, #tpu.memory_space<vmem>>, vector<16xf32>,
        tpu.vector_store %arg7[%swap3A_634], %broadcast_in_dim3A_16 {strides = array<i32>} : memref<1024xf32, #tpu.memory_space<vmem>>, vector<16xf32>,
        %get3A_636 = arith.constant 256 : index
        %get3A_637 = tpu.vector_load %arg7[%get3A_636] {strides = array<i32>} : memref<1024xf32, #tpu.memory_space<vmem>>, vector<16xf32>,
        %add3A_638 = arith.addf %add3A_628, %get3A_637 : vector<16xf32>
        %get3A_639 = arith.constant 272 : index
        %get3A_640 = tpu.vector_load %arg7[%get3A_639] {strides = array<i32>} : memref<1024xf32, #tpu.memory_space<vmem>>, vector<16xf32>,
        %add3A_641 = arith.addf %add3A_631, %get3A_640 : vector<16xf32>
        %swap3A_642 = arith.constant 256 : index
        %swap3A_643 = tpu.vector_load %arg7[%swap3A_642] {strides = array<i32>} : memref<1024xf32, #tpu.memory_space<vmem>>, vector<16xf32>,
        tpu.vector_store %arg7[%swap3A_642], %broadcast_in_dim3A_16 {strides = array<i32>} : memref<1024xf32, #tpu.memory_space<vmem>>, vector<16xf32>,
        %swap3A_644 = arith.constant 272 : index
        %swap3A_645 = tpu.vector_load %arg7[%swap3A_644] {strides = array<i32>} : memref<1024xf32, #tpu.memory_space<vmem>>, vector<16xf32>,
        tpu.vector_store %arg7[%swap3A_644], %broadcast_in_dim3A_16 {strides = array<i32>} : memref<1024xf32, #tpu.memory_space<vmem>>, vector<16xf32>,
        %get3A_646 = arith.constant 288 : index
        %get3A_647 = tpu.vector_load %arg7[%get3A_646] {strides = array<i32>} : memref<1024xf32, #tpu.memory_space<vmem>>, vector<16xf32>,
        %add3A_648 = arith.addf %add3A_638, %get3A_647 : vector<16xf32>
        %get3A_649 = arith.constant 304 : index
        %get3A_650 = tpu.vector_load %arg7[%get3A_649] {strides = array<i32>} : memref<1024xf32, #tpu.memory_space<vmem>>, vector<16xf32>,
        %add3A_651 = arith.addf %add3A_641, %get3A_650 : vector<16xf32>
        %swap3A_652 = arith.constant 288 : index
        %swap3A_653 = tpu.vector_load %arg7[%swap3A_652] {strides = array<i32>} : memref<1024xf32, #tpu.memory_space<vmem>>, vector<16xf32>,
        tpu.vector_store %arg7[%swap3A_652], %broadcast_in_dim3A_16 {strides = array<i32>} : memref<1024xf32, #tpu.memory_space<vmem>>, vector<16xf32>,
        %swap3A_654 = arith.constant 304 : index
        %swap3A_655 = tpu.vector_load %arg7[%swap3A_654] {strides = array<i32>} : memref<1024xf32, #tpu.memory_space<vmem>>, vector<16xf32>,
        tpu.vector_store %arg7[%swap3A_654], %broadcast_in_dim3A_16 {strides = array<i32>} : memref<1024xf32, #tpu.memory_space<vmem>>, vector<16xf32>,
        %get3A_656 = arith.constant 320 : index
        %get3A_657 = tpu.vector_load %arg7[%get3A_656] {strides = array<i32>} : memref<1024xf32, #tpu.memory_space<vmem>>, vector<16xf32>,
        %add3A_658 = arith.addf %add3A_648, %get3A_657 : vector<16xf32>
        %get3A_659 = arith.constant 336 : index
        %get3A_660 = tpu.vector_load %arg7[%get3A_659] {strides = array<i32>} : memref<1024xf32, #tpu.memory_space<vmem>>, vector<16xf32>,
        %add3A_661 = arith.addf %add3A_651, %get3A_660 : vector<16xf32>
        %swap3A_662 = arith.constant 320 : index
        %swap3A_663 = tpu.vector_load %arg7[%swap3A_662] {strides = array<i32>} : memref<1024xf32, #tpu.memory_space<vmem>>, vector<16xf32>,
        tpu.vector_store %arg7[%swap3A_662], %broadcast_in_dim3A_16 {strides = array<i32>} : memref<1024xf32, #tpu.memory_space<vmem>>, vector<16xf32>,
        %swap3A_664 = arith.constant 336 : index
        %swap3A_665 = tpu.vector_load %arg7[%swap3A_664] {strides = array<i32>} : memref<1024xf32, #tpu.memory_space<vmem>>, vector<16xf32>,
        tpu.vector_store %arg7[%swap3A_664], %broadcast_in_dim3A_16 {strides = array<i32>} : memref<1024xf32, #tpu.memory_space<vmem>>, vector<16xf32>,
        %get3A_666 = arith.constant 352 : index
        %get3A_667 = tpu.vector_load %arg7[%get3A_666] {strides = array<i32>} : memref<1024xf32, #tpu.memory_space<vmem>>, vector<16xf32>,
        %add3A_668 = arith.addf %add3A_658, %get3A_667 : vector<16xf32>
        %get3A_669 = arith.constant 368 : index
        %get3A_670 = tpu.vector_load %arg7[%get3A_669] {strides = array<i32>} : memref<1024xf32, #tpu.memory_space<vmem>>, vector<16xf32>,
        %add3A_671 = arith.addf %add3A_661, %get3A_670 : vector<16xf32>
        %swap3A_672 = arith.constant 352 : index
        %swap3A_673 = tpu.vector_load %arg7[%swap3A_672] {strides = array<i32>} : memref<1024xf32, #tpu.memory_space<vmem>>, vector<16xf32>,
        tpu.vector_store %arg7[%swap3A_672], %broadcast_in_dim3A_16 {strides = array<i32>} : memref<1024xf32, #tpu.memory_space<vmem>>, vector<16xf32>,
        %swap3A_674 = arith.constant 368 : index
        %swap3A_675 = tpu.vector_load %arg7[%swap3A_674] {strides = array<i32>} : memref<1024xf32, #tpu.memory_space<vmem>>, vector<16xf32>,
        tpu.vector_store %arg7[%swap3A_674], %broadcast_in_dim3A_16 {strides = array<i32>} : memref<1024xf32, #tpu.memory_space<vmem>>, vector<16xf32>,
        %get3A_676 = arith.constant 384 : index
        %get3A_677 = tpu.vector_load %arg7[%get3A_676] {strides = array<i32>} : memref<1024xf32, #tpu.memory_space<vmem>>, vector<16xf32>,
        %add3A_678 = arith.addf %add3A_668, %get3A_677 : vector<16xf32>
        %get3A_679 = arith.constant 400 : index
        %get3A_680 = tpu.vector_load %arg7[%get3A_679] {strides = array<i32>} : memref<1024xf32, #tpu.memory_space<vmem>>, vector<16xf32>,
        %add3A_681 = arith.addf %add3A_671, %get3A_680 : vector<16xf32>
        %swap3A_682 = arith.constant 384 : index
        %swap3A_683 = tpu.vector_load %arg7[%swap3A_682] {strides = array<i32>} : memref<1024xf32, #tpu.memory_space<vmem>>, vector<16xf32>,
        tpu.vector_store %arg7[%swap3A_682], %broadcast_in_dim3A_16 {strides = array<i32>} : memref<1024xf32, #tpu.memory_space<vmem>>, vector<16xf32>,
        %swap3A_684 = arith.constant 400 : index
        %swap3A_685 = tpu.vector_load %arg7[%swap3A_684] {strides = array<i32>} : memref<1024xf32, #tpu.memory_space<vmem>>, vector<16xf32>,
        tpu.vector_store %arg7[%swap3A_684], %broadcast_in_dim3A_16 {strides = array<i32>} : memref<1024xf32, #tpu.memory_space<vmem>>, vector<16xf32>,
        %get3A_686 = arith.constant 416 : index
        %get3A_687 = tpu.vector_load %arg7[%get3A_686] {strides = array<i32>} : memref<1024xf32, #tpu.memory_space<vmem>>, vector<16xf32>,
        %add3A_688 = arith.addf %add3A_678, %get3A_687 : vector<16xf32>
        %get3A_689 = arith.constant 432 : index
        %get3A_690 = tpu.vector_load %arg7[%get3A_689] {strides = array<i32>} : memref<1024xf32, #tpu.memory_space<vmem>>, vector<16xf32>,
        %add3A_691 = arith.addf %add3A_681, %get3A_690 : vector<16xf32>
        %swap3A_692 = arith.constant 416 : index
        %swap3A_693 = tpu.vector_load %arg7[%swap3A_692] {strides = array<i32>} : memref<1024xf32, #tpu.memory_space<vmem>>, vector<16xf32>,
        tpu.vector_store %arg7[%swap3A_692], %broadcast_in_dim3A_16 {strides = array<i32>} : memref<1024xf32, #tpu.memory_space<vmem>>, vector<16xf32>,
        %swap3A_694 = arith.constant 432 : index
        %swap3A_695 = tpu.vector_load %arg7[%swap3A_694] {strides = array<i32>} : memref<1024xf32, #tpu.memory_space<vmem>>, vector<16xf32>,
        tpu.vector_store %arg7[%swap3A_694], %broadcast_in_dim3A_16 {strides = array<i32>} : memref<1024xf32, #tpu.memory_space<vmem>>, vector<16xf32>,
        %get3A_696 = arith.constant 448 : index
        %get3A_697 = tpu.vector_load %arg7[%get3A_696] {strides = array<i32>} : memref<1024xf32, #tpu.memory_space<vmem>>, vector<16xf32>,
        %add3A_698 = arith.addf %add3A_688, %get3A_697 : vector<16xf32>
        %get3A_699 = arith.constant 464 : index
        %get3A_700 = tpu.vector_load %arg7[%get3A_699] {strides = array<i32>} : memref<1024xf32, #tpu.memory_space<vmem>>, vector<16xf32>,
        %add3A_701 = arith.addf %add3A_691, %get3A_700 : vector<16xf32>
        %swap3A_702 = arith.constant 448 : index
        %swap3A_703 = tpu.vector_load %arg7[%swap3A_702] {strides = array<i32>} : memref<1024xf32, #tpu.memory_space<vmem>>, vector<16xf32>,
        tpu.vector_store %arg7[%swap3A_702], %broadcast_in_dim3A_16 {strides = array<i32>} : memref<1024xf32, #tpu.memory_space<vmem>>, vector<16xf32>,
        %swap3A_704 = arith.constant 464 : index
        %swap3A_705 = tpu.vector_load %arg7[%swap3A_704] {strides = array<i32>} : memref<1024xf32, #tpu.memory_space<vmem>>, vector<16xf32>,
        tpu.vector_store %arg7[%swap3A_704], %broadcast_in_dim3A_16 {strides = array<i32>} : memref<1024xf32, #tpu.memory_space<vmem>>, vector<16xf32>,
        %get3A_706 = arith.constant 480 : index
        %get3A_707 = tpu.vector_load %arg7[%get3A_706] {strides = array<i32>} : memref<1024xf32, #tpu.memory_space<vmem>>, vector<16xf32>,
        %add3A_708 = arith.addf %add3A_698, %get3A_707 : vector<16xf32>
        %get3A_709 = arith.constant 496 : index
        %get3A_710 = tpu.vector_load %arg7[%get3A_709] {strides = array<i32>} : memref<1024xf32, #tpu.memory_space<vmem>>, vector<16xf32>,
        %add3A_711 = arith.addf %add3A_701, %get3A_710 : vector<16xf32>
        %swap3A_712 = arith.constant 480 : index
        %swap3A_713 = tpu.vector_load %arg7[%swap3A_712] {strides = array<i32>} : memref<1024xf32, #tpu.memory_space<vmem>>, vector<16xf32>,
        tpu.vector_store %arg7[%swap3A_712], %broadcast_in_dim3A_16 {strides = array<i32>} : memref<1024xf32, #tpu.memory_space<vmem>>, vector<16xf32>,
        %swap3A_714 = arith.constant 496 : index
        %swap3A_715 = tpu.vector_load %arg7[%swap3A_714] {strides = array<i32>} : memref<1024xf32, #tpu.memory_space<vmem>>, vector<16xf32>,
        tpu.vector_store %arg7[%swap3A_714], %broadcast_in_dim3A_16 {strides = array<i32>} : memref<1024xf32, #tpu.memory_space<vmem>>, vector<16xf32>,
        %swap3A_716 = arith.constant 0 : i32
        %swap3A_717 = arith.index_cast %swap3A_716 : i32 to index
        %swap3A_718 = arith.index_cast %add3A_558 : i32 to index
        %swap3A_719 = arith.constant 0 : index
        %swap3A_720 = tpu.vector_load %arg8[%swap3A_717, %swap3A_718, %swap3A_719] {strides = array<i32>} : memref<2x32x32xf32, #tpu.memory_space<vmem>>, vector<16xf32>,
        tpu.vector_store %arg8[%swap3A_717, %swap3A_718, %swap3A_719], %add3A_708 {strides = array<i32>} : memref<2x32x32xf32, #tpu.memory_space<vmem>>, vector<16xf32>,
        %swap3A_721 = arith.constant 0 : i32
        %swap3A_722 = arith.index_cast %swap3A_721 : i32 to index
        %swap3A_723 = arith.index_cast %add3A_558 : i32 to index
        %swap3A_724 = arith.constant 16 : index
        %swap3A_725 = tpu.vector_load %arg8[%swap3A_722, %swap3A_723, %swap3A_724] {strides = array<i32>} : memref<2x32x32xf32, #tpu.memory_space<vmem>>, vector<16xf32>,
        tpu.vector_store %arg8[%swap3A_722, %swap3A_723, %swap3A_724], %add3A_711 {strides = array<i32>} : memref<2x32x32xf32, #tpu.memory_space<vmem>>, vector<16xf32>,
        %get3A_726 = arith.constant 512 : index
        %get3A_727 = tpu.vector_load %arg7[%get3A_726] {strides = array<i32>} : memref<1024xf32, #tpu.memory_space<vmem>>, vector<16xf32>,
        %get3A_728 = arith.constant 528 : index
        %get3A_729 = tpu.vector_load %arg7[%get3A_728] {strides = array<i32>} : memref<1024xf32, #tpu.memory_space<vmem>>, vector<16xf32>,
        %swap3A_730 = arith.constant 512 : index
        %swap3A_731 = tpu.vector_load %arg7[%swap3A_730] {strides = array<i32>} : memref<1024xf32, #tpu.memory_space<vmem>>, vector<16xf32>,
        tpu.vector_store %arg7[%swap3A_730], %broadcast_in_dim3A_16 {strides = array<i32>} : memref<1024xf32, #tpu.memory_space<vmem>>, vector<16xf32>,
        %swap3A_732 = arith.constant 528 : index
        %swap3A_733 = tpu.vector_load %arg7[%swap3A_732] {strides = array<i32>} : memref<1024xf32, #tpu.memory_space<vmem>>, vector<16xf32>,
        tpu.vector_store %arg7[%swap3A_732], %broadcast_in_dim3A_16 {strides = array<i32>} : memref<1024xf32, #tpu.memory_space<vmem>>, vector<16xf32>,
        %get3A_734 = arith.constant 544 : index
        %get3A_735 = tpu.vector_load %arg7[%get3A_734] {strides = array<i32>} : memref<1024xf32, #tpu.memory_space<vmem>>, vector<16xf32>,
        %add3A_736 = arith.addf %get3A_727, %get3A_735 : vector<16xf32>
        %get3A_737 = arith.constant 560 : index
        %get3A_738 = tpu.vector_load %arg7[%get3A_737] {strides = array<i32>} : memref<1024xf32, #tpu.memory_space<vmem>>, vector<16xf32>,
        %add3A_739 = arith.addf %get3A_729, %get3A_738 : vector<16xf32>
        %swap3A_740 = arith.constant 544 : index
        %swap3A_741 = tpu.vector_load %arg7[%swap3A_740] {strides = array<i32>} : memref<1024xf32, #tpu.memory_space<vmem>>, vector<16xf32>,
        tpu.vector_store %arg7[%swap3A_740], %broadcast_in_dim3A_16 {strides = array<i32>} : memref<1024xf32, #tpu.memory_space<vmem>>, vector<16xf32>,
        %swap3A_742 = arith.constant 560 : index
        %swap3A_743 = tpu.vector_load %arg7[%swap3A_742] {strides = array<i32>} : memref<1024xf32, #tpu.memory_space<vmem>>, vector<16xf32>,
        tpu.vector_store %arg7[%swap3A_742], %broadcast_in_dim3A_16 {strides = array<i32>} : memref<1024xf32, #tpu.memory_space<vmem>>, vector<16xf32>,
        %get3A_744 = arith.constant 576 : index
        %get3A_745 = tpu.vector_load %arg7[%get3A_744] {strides = array<i32>} : memref<1024xf32, #tpu.memory_space<vmem>>, vector<16xf32>,
        %add3A_746 = arith.addf %add3A_736, %get3A_745 : vector<16xf32>
        %get3A_747 = arith.constant 592 : index
        %get3A_748 = tpu.vector_load %arg7[%get3A_747] {strides = array<i32>} : memref<1024xf32, #tpu.memory_space<vmem>>, vector<16xf32>,
        %add3A_749 = arith.addf %add3A_739, %get3A_748 : vector<16xf32>
        %swap3A_750 = arith.constant 576 : index
        %swap3A_751 = tpu.vector_load %arg7[%swap3A_750] {strides = array<i32>} : memref<1024xf32, #tpu.memory_space<vmem>>, vector<16xf32>,
        tpu.vector_store %arg7[%swap3A_750], %broadcast_in_dim3A_16 {strides = array<i32>} : memref<1024xf32, #tpu.memory_space<vmem>>, vector<16xf32>,
        %swap3A_752 = arith.constant 592 : index
        %swap3A_753 = tpu.vector_load %arg7[%swap3A_752] {strides = array<i32>} : memref<1024xf32, #tpu.memory_space<vmem>>, vector<16xf32>,
        tpu.vector_store %arg7[%swap3A_752], %broadcast_in_dim3A_16 {strides = array<i32>} : memref<1024xf32, #tpu.memory_space<vmem>>, vector<16xf32>,
        %get3A_754 = arith.constant 608 : index
        %get3A_755 = tpu.vector_load %arg7[%get3A_754] {strides = array<i32>} : memref<1024xf32, #tpu.memory_space<vmem>>, vector<16xf32>,
        %add3A_756 = arith.addf %add3A_746, %get3A_755 : vector<16xf32>
        %get3A_757 = arith.constant 624 : index
        %get3A_758 = tpu.vector_load %arg7[%get3A_757] {strides = array<i32>} : memref<1024xf32, #tpu.memory_space<vmem>>, vector<16xf32>,
        %add3A_759 = arith.addf %add3A_749, %get3A_758 : vector<16xf32>
        %swap3A_760 = arith.constant 608 : index
        %swap3A_761 = tpu.vector_load %arg7[%swap3A_760] {strides = array<i32>} : memref<1024xf32, #tpu.memory_space<vmem>>, vector<16xf32>,
        tpu.vector_store %arg7[%swap3A_760], %broadcast_in_dim3A_16 {strides = array<i32>} : memref<1024xf32, #tpu.memory_space<vmem>>, vector<16xf32>,
        %swap3A_762 = arith.constant 624 : index
        %swap3A_763 = tpu.vector_load %arg7[%swap3A_762] {strides = array<i32>} : memref<1024xf32, #tpu.memory_space<vmem>>, vector<16xf32>,
        tpu.vector_store %arg7[%swap3A_762], %broadcast_in_dim3A_16 {strides = array<i32>} : memref<1024xf32, #tpu.memory_space<vmem>>, vector<16xf32>,
        %get3A_764 = arith.constant 640 : index
        %get3A_765 = tpu.vector_load %arg7[%get3A_764] {strides = array<i32>} : memref<1024xf32, #tpu.memory_space<vmem>>, vector<16xf32>,
        %add3A_766 = arith.addf %add3A_756, %get3A_765 : vector<16xf32>
        %get3A_767 = arith.constant 656 : index
        %get3A_768 = tpu.vector_load %arg7[%get3A_767] {strides = array<i32>} : memref<1024xf32, #tpu.memory_space<vmem>>, vector<16xf32>,
        %add3A_769 = arith.addf %add3A_759, %get3A_768 : vector<16xf32>
        %swap3A_770 = arith.constant 640 : index
        %swap3A_771 = tpu.vector_load %arg7[%swap3A_770] {strides = array<i32>} : memref<1024xf32, #tpu.memory_space<vmem>>, vector<16xf32>,
        tpu.vector_store %arg7[%swap3A_770], %broadcast_in_dim3A_16 {strides = array<i32>} : memref<1024xf32, #tpu.memory_space<vmem>>, vector<16xf32>,
        %swap3A_772 = arith.constant 656 : index
        %swap3A_773 = tpu.vector_load %arg7[%swap3A_772] {strides = array<i32>} : memref<1024xf32, #tpu.memory_space<vmem>>, vector<16xf32>,
        tpu.vector_store %arg7[%swap3A_772], %broadcast_in_dim3A_16 {strides = array<i32>} : memref<1024xf32, #tpu.memory_space<vmem>>, vector<16xf32>,
        %get3A_774 = arith.constant 672 : index
        %get3A_775 = tpu.vector_load %arg7[%get3A_774] {strides = array<i32>} : memref<1024xf32, #tpu.memory_space<vmem>>, vector<16xf32>,
        %add3A_776 = arith.addf %add3A_766, %get3A_775 : vector<16xf32>
        %get3A_777 = arith.constant 688 : index
        %get3A_778 = tpu.vector_load %arg7[%get3A_777] {strides = array<i32>} : memref<1024xf32, #tpu.memory_space<vmem>>, vector<16xf32>,
        %add3A_779 = arith.addf %add3A_769, %get3A_778 : vector<16xf32>
        %swap3A_780 = arith.constant 672 : index
        %swap3A_781 = tpu.vector_load %arg7[%swap3A_780] {strides = array<i32>} : memref<1024xf32, #tpu.memory_space<vmem>>, vector<16xf32>,
        tpu.vector_store %arg7[%swap3A_780], %broadcast_in_dim3A_16 {strides = array<i32>} : memref<1024xf32, #tpu.memory_space<vmem>>, vector<16xf32>,
        %swap3A_782 = arith.constant 688 : index
        %swap3A_783 = tpu.vector_load %arg7[%swap3A_782] {strides = array<i32>} : memref<1024xf32, #tpu.memory_space<vmem>>, vector<16xf32>,
        tpu.vector_store %arg7[%swap3A_782], %broadcast_in_dim3A_16 {strides = array<i32>} : memref<1024xf32, #tpu.memory_space<vmem>>, vector<16xf32>,
        %get3A_784 = arith.constant 704 : index
        %get3A_785 = tpu.vector_load %arg7[%get3A_784] {strides = array<i32>} : memref<1024xf32, #tpu.memory_space<vmem>>, vector<16xf32>,
        %add3A_786 = arith.addf %add3A_776, %get3A_785 : vector<16xf32>
        %get3A_787 = arith.constant 720 : index
        %get3A_788 = tpu.vector_load %arg7[%get3A_787] {strides = array<i32>} : memref<1024xf32, #tpu.memory_space<vmem>>, vector<16xf32>,
        %add3A_789 = arith.addf %add3A_779, %get3A_788 : vector<16xf32>
        %swap3A_790 = arith.constant 704 : index
        %swap3A_791 = tpu.vector_load %arg7[%swap3A_790] {strides = array<i32>} : memref<1024xf32, #tpu.memory_space<vmem>>, vector<16xf32>,
        tpu.vector_store %arg7[%swap3A_790], %broadcast_in_dim3A_16 {strides = array<i32>} : memref<1024xf32, #tpu.memory_space<vmem>>, vector<16xf32>,
        %swap3A_792 = arith.constant 720 : index
        %swap3A_793 = tpu.vector_load %arg7[%swap3A_792] {strides = array<i32>} : memref<1024xf32, #tpu.memory_space<vmem>>, vector<16xf32>,
        tpu.vector_store %arg7[%swap3A_792], %broadcast_in_dim3A_16 {strides = array<i32>} : memref<1024xf32, #tpu.memory_space<vmem>>, vector<16xf32>,
        %get3A_794 = arith.constant 736 : index
        %get3A_795 = tpu.vector_load %arg7[%get3A_794] {strides = array<i32>} : memref<1024xf32, #tpu.memory_space<vmem>>, vector<16xf32>,
        %add3A_796 = arith.addf %add3A_786, %get3A_795 : vector<16xf32>
        %get3A_797 = arith.constant 752 : index
        %get3A_798 = tpu.vector_load %arg7[%get3A_797] {strides = array<i32>} : memref<1024xf32, #tpu.memory_space<vmem>>, vector<16xf32>,
        %add3A_799 = arith.addf %add3A_789, %get3A_798 : vector<16xf32>
        %swap3A_800 = arith.constant 736 : index
        %swap3A_801 = tpu.vector_load %arg7[%swap3A_800] {strides = array<i32>} : memref<1024xf32, #tpu.memory_space<vmem>>, vector<16xf32>,
        tpu.vector_store %arg7[%swap3A_800], %broadcast_in_dim3A_16 {strides = array<i32>} : memref<1024xf32, #tpu.memory_space<vmem>>, vector<16xf32>,
        %swap3A_802 = arith.constant 752 : index
        %swap3A_803 = tpu.vector_load %arg7[%swap3A_802] {strides = array<i32>} : memref<1024xf32, #tpu.memory_space<vmem>>, vector<16xf32>,
        tpu.vector_store %arg7[%swap3A_802], %broadcast_in_dim3A_16 {strides = array<i32>} : memref<1024xf32, #tpu.memory_space<vmem>>, vector<16xf32>,
        %get3A_804 = arith.constant 768 : index
        %get3A_805 = tpu.vector_load %arg7[%get3A_804] {strides = array<i32>} : memref<1024xf32, #tpu.memory_space<vmem>>, vector<16xf32>,
        %add3A_806 = arith.addf %add3A_796, %get3A_805 : vector<16xf32>
        %get3A_807 = arith.constant 784 : index
        %get3A_808 = tpu.vector_load %arg7[%get3A_807] {strides = array<i32>} : memref<1024xf32, #tpu.memory_space<vmem>>, vector<16xf32>,
        %add3A_809 = arith.addf %add3A_799, %get3A_808 : vector<16xf32>
        %swap3A_810 = arith.constant 768 : index
        %swap3A_811 = tpu.vector_load %arg7[%swap3A_810] {strides = array<i32>} : memref<1024xf32, #tpu.memory_space<vmem>>, vector<16xf32>,
        tpu.vector_store %arg7[%swap3A_810], %broadcast_in_dim3A_16 {strides = array<i32>} : memref<1024xf32, #tpu.memory_space<vmem>>, vector<16xf32>,
        %swap3A_812 = arith.constant 784 : index
        %swap3A_813 = tpu.vector_load %arg7[%swap3A_812] {strides = array<i32>} : memref<1024xf32, #tpu.memory_space<vmem>>, vector<16xf32>,
        tpu.vector_store %arg7[%swap3A_812], %broadcast_in_dim3A_16 {strides = array<i32>} : memref<1024xf32, #tpu.memory_space<vmem>>, vector<16xf32>,
        %get3A_814 = arith.constant 800 : index
        %get3A_815 = tpu.vector_load %arg7[%get3A_814] {strides = array<i32>} : memref<1024xf32, #tpu.memory_space<vmem>>, vector<16xf32>,
        %add3A_816 = arith.addf %add3A_806, %get3A_815 : vector<16xf32>
        %get3A_817 = arith.constant 816 : index
        %get3A_818 = tpu.vector_load %arg7[%get3A_817] {strides = array<i32>} : memref<1024xf32, #tpu.memory_space<vmem>>, vector<16xf32>,
        %add3A_819 = arith.addf %add3A_809, %get3A_818 : vector<16xf32>
        %swap3A_820 = arith.constant 800 : index
        %swap3A_821 = tpu.vector_load %arg7[%swap3A_820] {strides = array<i32>} : memref<1024xf32, #tpu.memory_space<vmem>>, vector<16xf32>,
        tpu.vector_store %arg7[%swap3A_820], %broadcast_in_dim3A_16 {strides = array<i32>} : memref<1024xf32, #tpu.memory_space<vmem>>, vector<16xf32>,
        %swap3A_822 = arith.constant 816 : index
        %swap3A_823 = tpu.vector_load %arg7[%swap3A_822] {strides = array<i32>} : memref<1024xf32, #tpu.memory_space<vmem>>, vector<16xf32>,
        tpu.vector_store %arg7[%swap3A_822], %broadcast_in_dim3A_16 {strides = array<i32>} : memref<1024xf32, #tpu.memory_space<vmem>>, vector<16xf32>,
        %get3A_824 = arith.constant 832 : index
        %get3A_825 = tpu.vector_load %arg7[%get3A_824] {strides = array<i32>} : memref<1024xf32, #tpu.memory_space<vmem>>, vector<16xf32>,
        %add3A_826 = arith.addf %add3A_816, %get3A_825 : vector<16xf32>
        %get3A_827 = arith.constant 848 : index
        %get3A_828 = tpu.vector_load %arg7[%get3A_827] {strides = array<i32>} : memref<1024xf32, #tpu.memory_space<vmem>>, vector<16xf32>,
        %add3A_829 = arith.addf %add3A_819, %get3A_828 : vector<16xf32>
        %swap3A_830 = arith.constant 832 : index
        %swap3A_831 = tpu.vector_load %arg7[%swap3A_830] {strides = array<i32>} : memref<1024xf32, #tpu.memory_space<vmem>>, vector<16xf32>,
        tpu.vector_store %arg7[%swap3A_830], %broadcast_in_dim3A_16 {strides = array<i32>} : memref<1024xf32, #tpu.memory_space<vmem>>, vector<16xf32>,
        %swap3A_832 = arith.constant 848 : index
        %swap3A_833 = tpu.vector_load %arg7[%swap3A_832] {strides = array<i32>} : memref<1024xf32, #tpu.memory_space<vmem>>, vector<16xf32>,
        tpu.vector_store %arg7[%swap3A_832], %broadcast_in_dim3A_16 {strides = array<i32>} : memref<1024xf32, #tpu.memory_space<vmem>>, vector<16xf32>,
        %get3A_834 = arith.constant 864 : index
        %get3A_835 = tpu.vector_load %arg7[%get3A_834] {strides = array<i32>} : memref<1024xf32, #tpu.memory_space<vmem>>, vector<16xf32>,
        %add3A_836 = arith.addf %add3A_826, %get3A_835 : vector<16xf32>
        %get3A_837 = arith.constant 880 : index
        %get3A_838 = tpu.vector_load %arg7[%get3A_837] {strides = array<i32>} : memref<1024xf32, #tpu.memory_space<vmem>>, vector<16xf32>,
        %add3A_839 = arith.addf %add3A_829, %get3A_838 : vector<16xf32>
        %swap3A_840 = arith.constant 864 : index
        %swap3A_841 = tpu.vector_load %arg7[%swap3A_840] {strides = array<i32>} : memref<1024xf32, #tpu.memory_space<vmem>>, vector<16xf32>,
        tpu.vector_store %arg7[%swap3A_840], %broadcast_in_dim3A_16 {strides = array<i32>} : memref<1024xf32, #tpu.memory_space<vmem>>, vector<16xf32>,
        %swap3A_842 = arith.constant 880 : index
        %swap3A_843 = tpu.vector_load %arg7[%swap3A_842] {strides = array<i32>} : memref<1024xf32, #tpu.memory_space<vmem>>, vector<16xf32>,
        tpu.vector_store %arg7[%swap3A_842], %broadcast_in_dim3A_16 {strides = array<i32>} : memref<1024xf32, #tpu.memory_space<vmem>>, vector<16xf32>,
        %get3A_844 = arith.constant 896 : index
        %get3A_845 = tpu.vector_load %arg7[%get3A_844] {strides = array<i32>} : memref<1024xf32, #tpu.memory_space<vmem>>, vector<16xf32>,
        %add3A_846 = arith.addf %add3A_836, %get3A_845 : vector<16xf32>
        %get3A_847 = arith.constant 912 : index
        %get3A_848 = tpu.vector_load %arg7[%get3A_847] {strides = array<i32>} : memref<1024xf32, #tpu.memory_space<vmem>>, vector<16xf32>,
        %add3A_849 = arith.addf %add3A_839, %get3A_848 : vector<16xf32>
        %swap3A_850 = arith.constant 896 : index
        %swap3A_851 = tpu.vector_load %arg7[%swap3A_850] {strides = array<i32>} : memref<1024xf32, #tpu.memory_space<vmem>>, vector<16xf32>,
        tpu.vector_store %arg7[%swap3A_850], %broadcast_in_dim3A_16 {strides = array<i32>} : memref<1024xf32, #tpu.memory_space<vmem>>, vector<16xf32>,
        %swap3A_852 = arith.constant 912 : index
        %swap3A_853 = tpu.vector_load %arg7[%swap3A_852] {strides = array<i32>} : memref<1024xf32, #tpu.memory_space<vmem>>, vector<16xf32>,
        tpu.vector_store %arg7[%swap3A_852], %broadcast_in_dim3A_16 {strides = array<i32>} : memref<1024xf32, #tpu.memory_space<vmem>>, vector<16xf32>,
        %get3A_854 = arith.constant 928 : index
        %get3A_855 = tpu.vector_load %arg7[%get3A_854] {strides = array<i32>} : memref<1024xf32, #tpu.memory_space<vmem>>, vector<16xf32>,
        %add3A_856 = arith.addf %add3A_846, %get3A_855 : vector<16xf32>
        %get3A_857 = arith.constant 944 : index
        %get3A_858 = tpu.vector_load %arg7[%get3A_857] {strides = array<i32>} : memref<1024xf32, #tpu.memory_space<vmem>>, vector<16xf32>,
        %add3A_859 = arith.addf %add3A_849, %get3A_858 : vector<16xf32>
        %swap3A_860 = arith.constant 928 : index
        %swap3A_861 = tpu.vector_load %arg7[%swap3A_860] {strides = array<i32>} : memref<1024xf32, #tpu.memory_space<vmem>>, vector<16xf32>,
        tpu.vector_store %arg7[%swap3A_860], %broadcast_in_dim3A_16 {strides = array<i32>} : memref<1024xf32, #tpu.memory_space<vmem>>, vector<16xf32>,
        %swap3A_862 = arith.constant 944 : index
        %swap3A_863 = tpu.vector_load %arg7[%swap3A_862] {strides = array<i32>} : memref<1024xf32, #tpu.memory_space<vmem>>, vector<16xf32>,
        tpu.vector_store %arg7[%swap3A_862], %broadcast_in_dim3A_16 {strides = array<i32>} : memref<1024xf32, #tpu.memory_space<vmem>>, vector<16xf32>,
        %get3A_864 = arith.constant 960 : index
        %get3A_865 = tpu.vector_load %arg7[%get3A_864] {strides = array<i32>} : memref<1024xf32, #tpu.memory_space<vmem>>, vector<16xf32>,
        %add3A_866 = arith.addf %add3A_856, %get3A_865 : vector<16xf32>
        %get3A_867 = arith.constant 976 : index
        %get3A_868 = tpu.vector_load %arg7[%get3A_867] {strides = array<i32>} : memref<1024xf32, #tpu.memory_space<vmem>>, vector<16xf32>,
        %add3A_869 = arith.addf %add3A_859, %get3A_868 : vector<16xf32>
        %swap3A_870 = arith.constant 960 : index
        %swap3A_871 = tpu.vector_load %arg7[%swap3A_870] {strides = array<i32>} : memref<1024xf32, #tpu.memory_space<vmem>>, vector<16xf32>,
        tpu.vector_store %arg7[%swap3A_870], %broadcast_in_dim3A_16 {strides = array<i32>} : memref<1024xf32, #tpu.memory_space<vmem>>, vector<16xf32>,
        %swap3A_872 = arith.constant 976 : index
        %swap3A_873 = tpu.vector_load %arg7[%swap3A_872] {strides = array<i32>} : memref<1024xf32, #tpu.memory_space<vmem>>, vector<16xf32>,
        tpu.vector_store %arg7[%swap3A_872], %broadcast_in_dim3A_16 {strides = array<i32>} : memref<1024xf32, #tpu.memory_space<vmem>>, vector<16xf32>,
        %get3A_874 = arith.constant 992 : index
        %get3A_875 = tpu.vector_load %arg7[%get3A_874] {strides = array<i32>} : memref<1024xf32, #tpu.memory_space<vmem>>, vector<16xf32>,
        %add3A_876 = arith.addf %add3A_866, %get3A_875 : vector<16xf32>
        %get3A_877 = arith.constant 1008 : index
        %get3A_878 = tpu.vector_load %arg7[%get3A_877] {strides = array<i32>} : memref<1024xf32, #tpu.memory_space<vmem>>, vector<16xf32>,
        %add3A_879 = arith.addf %add3A_869, %get3A_878 : vector<16xf32>
        %swap3A_880 = arith.constant 992 : index
        %swap3A_881 = tpu.vector_load %arg7[%swap3A_880] {strides = array<i32>} : memref<1024xf32, #tpu.memory_space<vmem>>, vector<16xf32>,
        tpu.vector_store %arg7[%swap3A_880], %broadcast_in_dim3A_16 {strides = array<i32>} : memref<1024xf32, #tpu.memory_space<vmem>>, vector<16xf32>,
        %swap3A_882 = arith.constant 1008 : index
        %swap3A_883 = tpu.vector_load %arg7[%swap3A_882] {strides = array<i32>} : memref<1024xf32, #tpu.memory_space<vmem>>, vector<16xf32>,
        tpu.vector_store %arg7[%swap3A_882], %broadcast_in_dim3A_16 {strides = array<i32>} : memref<1024xf32, #tpu.memory_space<vmem>>, vector<16xf32>,
        %swap3A_884 = arith.constant 1 : i32
        %swap3A_885 = arith.index_cast %swap3A_884 : i32 to index
        %swap3A_886 = arith.index_cast %add3A_558 : i32 to index
        %swap3A_887 = arith.constant 0 : index
        %swap3A_888 = tpu.vector_load %arg8[%swap3A_885, %swap3A_886, %swap3A_887] {strides = array<i32>} : memref<2x32x32xf32, #tpu.memory_space<vmem>>, vector<16xf32>,
        tpu.vector_store %arg8[%swap3A_885, %swap3A_886, %swap3A_887], %add3A_876 {strides = array<i32>} : memref<2x32x32xf32, #tpu.memory_space<vmem>>, vector<16xf32>,
        %swap3A_889 = arith.constant 1 : i32
        %swap3A_890 = arith.index_cast %swap3A_889 : i32 to index
        %swap3A_891 = arith.index_cast %add3A_558 : i32 to index
        %swap3A_892 = arith.constant 16 : index
        %swap3A_893 = tpu.vector_load %arg8[%swap3A_890, %swap3A_891, %swap3A_892] {strides = array<i32>} : memref<2x32x32xf32, #tpu.memory_space<vmem>>, vector<16xf32>,
        tpu.vector_store %arg8[%swap3A_890, %swap3A_891, %swap3A_892], %add3A_879 {strides = array<i32>} : memref<2x32x32xf32, #tpu.memory_space<vmem>>, vector<16xf32>,
        %scan3A_894 = arith.constant 0 : i32
        scf.yield %scan3A_894 : i32
      }
      %scan3A_545 = arith.constant 8 : i32
      %eq3A_546 = arith.constant 3 : i32
      %eq3A_547 = arith.cmpi eq, %sub3A_535, %eq3A_546 : i32
      %convert_element_type3A_548 = arith.extui %eq3A_547 : i1 to i32
      %cond3A_549 = arith.constant 0 : i32
      %cond3A_550 = arith.cmpi ne, %convert_element_type3A_548, %cond3A_549 : i32
      scf.if %cond3A_550 {
        "tpu.region"() ({
          %run_scoped3A = tpu.sem_alloc : memref<!tpu.dma_semaphore, #tpu.memory_space<semaphore_mem>>
          %dma_start3A_552 = arith.constant 0 : i32
          %dma_start3A_553 = arith.constant 0 : i32
          %dma_start3A_554 = arith.constant 0 : i32
          %dma_start3A_555 = tpu.memref_slice %arg4[%add3A_538, %dma_start3A_552, %dma_start3A_553, %dma_start3A_554] : memref<64x2x32x32xf32, #tpu.memory_space<hbm>> -> memref<1x2x32x32xf32, #tpu.memory_space<hbm>>
          %dma_start3A_556 = tpu.memref_squeeze %dma_start3A_555 : memref<1x2x32x32xf32, #tpu.memory_space<hbm>> -> memref<2x32x32xf32, #tpu.memory_space<hbm>>
          %dma_start3A_557 = arith.constant 0 : i32
          %dma_start3A_558 = arith.constant 0 : i32
          %dma_start3A_559 = arith.constant 0 : i32
          %dma_start3A_560 = tpu.memref_slice %arg4[%add3A_538, %dma_start3A_557, %dma_start3A_558, %dma_start3A_559] : memref<64x2x32x32xf32, #tpu.memory_space<hbm>> -> memref<1x2x32x32xf32, #tpu.memory_space<hbm>>
          %dma_start3A_561 = tpu.memref_squeeze %dma_start3A_560 : memref<1x2x32x32xf32, #tpu.memory_space<hbm>> -> memref<2x32x32xf32, #tpu.memory_space<hbm>>
          tpu.enqueue_dma source(%arg8 : memref<2x32x32xf32, #tpu.memory_space<vmem>>) target(%dma_start3A_561 : memref<2x32x32xf32, #tpu.memory_space<hbm>>) target_semaphore(%run_scoped3A : memref<!tpu.dma_semaphore, #tpu.memory_space<semaphore_mem>>)
          %dma_wait3A_562 = arith.constant 0 : i32
          %dma_wait3A_563 = arith.constant 0 : i32
          %dma_wait3A_564 = arith.constant 0 : i32
          %dma_wait3A_565 = tpu.memref_slice %arg4[%add3A_538, %dma_wait3A_562, %dma_wait3A_563, %dma_wait3A_564] : memref<64x2x32x32xf32, #tpu.memory_space<hbm>> -> memref<1x2x32x32xf32, #tpu.memory_space<hbm>>
          %dma_wait3A_566 = tpu.memref_squeeze %dma_wait3A_565 : memref<1x2x32x32xf32, #tpu.memory_space<hbm>> -> memref<2x32x32xf32, #tpu.memory_space<hbm>>
          %dma_wait3A_567 = arith.constant 0 : i32
          %dma_wait3A_568 = arith.constant 0 : i32
          %dma_wait3A_569 = arith.constant 0 : i32
          %dma_wait3A_570 = tpu.memref_slice %arg4[%add3A_538, %dma_wait3A_567, %dma_wait3A_568, %dma_wait3A_569] : memref<64x2x32x32xf32, #tpu.memory_space<hbm>> -> memref<1x2x32x32xf32, #tpu.memory_space<hbm>>
          %dma_wait3A_571 = tpu.memref_squeeze %dma_wait3A_570 : memref<1x2x32x32xf32, #tpu.memory_space<hbm>> -> memref<2x32x32xf32, #tpu.memory_space<hbm>>
          tpu.wait_dma2 semaphore(%run_scoped3A : memref<!tpu.dma_semaphore, #tpu.memory_space<semaphore_mem>>) src(%arg8 : memref<2x32x32xf32, #tpu.memory_space<vmem>>) dst(%dma_wait3A_571 : memref<2x32x32xf32, #tpu.memory_space<hbm>>)
          tpu.yield
        }) : () -> ()
      } else {
      }
      %scan3A_551 = arith.constant 0 : i32
      scf.yield %scan3A_551 : i32
    }
    %scan3A_207 = arith.constant 4 : i32
    return
  }
}

</mosaic_0001>

<sc_bundles>
// kernel: kernel.3.cloned.1.call-start
scs
__scs_entry_jumppad:
0x0: {  	(pc) =	sbr.rel $0x88, $3  }
0x1: {  	(tag) =	ssettag $0x0;
	lr =	simm.s32 $0x1  }
0x2: {  	[smem:$0x3F9F] =	sst lr;
	_ =	strace $0xD0000000  }
0x3: {  	_ = 	snop  }
0x4: {  	_ = 	snop  }
0x5: {  	_ = 	snop  }
0x6: {  	_ = 	snop  }
0x7: {  	_ = 	snop  }
__scs_overlays_trampoline_lowered:
0x8: {  	[smem:$0x3FAE] =	sst s0  }
0x9: {  	[smem:$0x3FAF] =	sst s1  }
0xa: {  	[smem:$0x3FB0] =	sst s2  }
0xb: {  	[smem:$0x3FB1] =	sst s3  }
0xc: {  	[smem:$0x3FB2] =	sst s4  }
0xd: {  	[smem:$0x3FB3] =	sst s5  }
0xe: {  	[smem:$0x3FB4] =	sst s6  }
0xf: {  	[smem:$0x3FB5] =	sst s7  }
0x10: {  	[smem:$0x3FB6] =	sst s8  }
0x11: {  	[smem:$0x3FB7] =	sst s9;
	s0 =	simm.s32 @!p0 $0x0  }
0x12: {  	s1 =	sld [smem:$0x3F9D];
	s0 =	simm.s32 @p0 $0x1  }
0x13: {  	[smem:$0x3FB8] =	sst s0;
	s0 =	simm.s32 @!p1 $0x0  }
0x14: {  	s2 =	sld [smem:$0x3F9C];
	s0 =	simm.s32 @p1 $0x1  }
0x15: {  	[smem:$0x3FB9] =	sst s0;
	s0 =	simm.s32 @!p2 $0x0  }
0x16: {  	s3 =	sld [smem:$0x3FDB];
	s0 =	simm.s32 @p2 $0x1  }
0x17: {  	s4 =	simm.s32 $0x1BF5;
	[smem:$0x3FBB] =	sst s0  }
0x18: {  	s0 =	sld [smem:$0x3F9E];
	_ =	swait.ge [sflag:s4], $0x0  }
0x19: {  	s7 =	sld [smem:$0x3F9F]  }
0x1a: {  	s8 =	sadd.s32 $0xFFFFE003, lr  }
0x1b: {  	s9 =	sadd.s32 $0xFFFFFEF7, lr;
	s5 =	simm.s32 $0xFFFFFFFF;
	p2 =	slt.u32 s8, $0xFFFFF086  }
0x1c: {  	p1 =	slt.u32 s9, $0xF7A;
	s5 =	simm.s32 @!p2 $0x0  }
0x1d: {  	s5 =	simm.s32 @p1 $0x1;
	p0 =	seq.s32 s7, s2  }
0x1e: {  	s7 =	smul.u32 @!p0 $0xF7A, s2;
	p2 =	seq.s32 @!p0 s5, $0x0  }
0x1f: {  	s9 =	smul.u32 $0xF7A, s1;
	s8 =	simm.s32 @!p0 $0x1BF5;
	p2 =	por !p2, p0  }
0x20: {  	[sflag:s8] =	ssyncset.s32 @!p0 $0xFFFFF086;
	s6 =	sadd.s32 @!p0 s3, s7;
	s7 =	simm.s32 @!p0 $0x108  }
0x21: {  	s3 =	sadd.s32 s3, s9;
	s6 =	sadd.s32 @!p0 $0x88, s6;
	s7 =	simm.s32 @p2 $0x1082  }
0x22: {  	[simem:s7], [sflag:s8] =	dma.local @!p0 [hbm:s6], $0xF7A  }
0x23: {  	s9 =	sor.u32 $0xD0000000, s2;
	s6 =	simm.s32 $0x108;
	_ =	swait.ge @!p0 [sflag:s8], $0x0  }
0x24: {  	s3 =	sadd.s32 $0x88, s3;
	s6 =	simm.s32 @!p1 $0x1082;
	[sflag:s4] =	ssyncset.s32 $0xFFFFF086  }
0x25: {  	[simem:s6], [sflag:s4] =	dma.local [hbm:s3], $0xF7A  }
0x26: {  	[smem:$0x3F9F] =	sst s1;
	(tag) =	ssettag s2;
	_ =	strace s9  }
0x27: {  	s1 =	sld [smem:$0x3FAF]  }
0x28: {  	s2 =	sld [smem:$0x3FB0]  }
0x29: {  	s4 =	sld [smem:$0x3FB2]  }
0x2a: {  	p0 =	seq.s32 s5, $0x0;
	s5 =	sld [smem:$0x3FB3]  }
0x2b: {  	s6 =	sld [smem:$0x3FB4]  }
0x2c: {  	s7 =	sld [smem:$0x3FB5]  }
0x2d: {  	s3 =	simm.s32 $0x108;
	s8 =	sld [smem:$0x3FB6]  }
0x2e: {  	s3 =	simm.s32 @!p0 $0x1082;
	s9 =	sld [smem:$0x3FB7]  }
0x2f: {  	lr =	sadd.s32 s0, s3;
	s0 =	sld [smem:$0x3FAE]  }
0x30: {  	s3 =	sld [smem:$0x3FB1]  }
0x31: {  	[smem:$0x3FBA] =	sst s10  }
0x32: {  	s10 =	sld [smem:$0x3FB8];
	_ =	sdelay $0x3  }
0x33: {  	p0 =	seq.s32 s10, $0x1;
	s10 =	sld [smem:$0x3FBA];
	_ =	sdelay $0x3  }
0x34: {  	[smem:$0x3FBA] =	sst s10  }
0x35: {  	s10 =	sld [smem:$0x3FB9];
	_ =	sdelay $0x3  }
0x36: {  	p1 =	seq.s32 s10, $0x1;
	s10 =	sld [smem:$0x3FBA];
	_ =	sdelay $0x3  }
0x37: {  	[smem:$0x3FBA] =	sst s10  }
0x38: {  	s10 =	sld [smem:$0x3FBB]  }
0x39: {  	_ = 	snop;
	(pc) =	sbr.ind lr, $3  }
0x3a: {  	_ = 	snop  }
0x3b: {  	_ = 	snop  }
0x3c: {  	p2 =	seq.s32 s10, $0x1;
	s10 =	sld [smem:$0x3FBA]  }
0x3d: {  	_ =	shalt  }
0x3e: {  	_ =	shalt  }
0x3f: {  	_ =	shalt  }
0x40: {  	_ =	shalt  }
0x41: {  	_ =	shalt  }
0x42: {  	_ =	shalt  }
0x43: {  	_ =	shalt  }
0x44: {  	_ =	shalt  }
0x45: {  	_ =	shalt  }
0x46: {  	_ =	shalt  }
0x47: {  	_ =	shalt  }
0x48: {  	_ =	shalt  }
0x49: {  	_ =	shalt  }
0x4a: {  	_ =	shalt  }
0x4b: {  	_ =	shalt  }
0x4c: {  	_ =	shalt  }
0x4d: {  	_ =	shalt  }
0x4e: {  	_ =	shalt  }
0x4f: {  	_ =	shalt  }
0x50: {  	_ =	shalt  }
0x51: {  	_ =	shalt  }
0x52: {  	_ =	shalt  }
0x53: {  	_ =	shalt  }
0x54: {  	_ =	shalt  }
0x55: {  	_ =	shalt  }
0x56: {  	_ =	shalt  }
0x57: {  	_ =	shalt  }
0x58: {  	_ =	shalt  }
0x59: {  	_ =	shalt  }
0x5a: {  	_ =	shalt  }
0x5b: {  	_ =	shalt  }
0x5c: {  	_ =	shalt  }
0x5d: {  	_ =	shalt  }
0x5e: {  	_ =	shalt  }
0x5f: {  	_ =	shalt  }
0x60: {  	_ =	shalt  }
0x61: {  	_ =	shalt  }
0x62: {  	_ =	shalt  }
0x63: {  	_ =	shalt  }
0x64: {  	_ =	shalt  }
0x65: {  	_ =	shalt  }
0x66: {  	_ =	shalt  }
0x67: {  	_ =	shalt  }
0x68: {  	_ =	shalt  }
0x69: {  	_ =	shalt  }
0x6a: {  	_ =	shalt  }
0x6b: {  	_ =	shalt  }
0x6c: {  	_ =	shalt  }
0x6d: {  	_ =	shalt  }
0x6e: {  	_ =	shalt  }
0x6f: {  	_ =	shalt  }
0x70: {  	_ =	shalt  }
0x71: {  	_ =	shalt  }
0x72: {  	_ =	shalt  }
0x73: {  	_ =	shalt  }
0x74: {  	_ =	shalt  }
0x75: {  	_ =	shalt  }
0x76: {  	_ =	shalt  }
0x77: {  	_ =	shalt  }
0x78: {  	_ =	shalt  }
0x79: {  	_ =	shalt  }
0x7a: {  	_ =	shalt  }
0x7b: {  	_ =	shalt  }
0x7c: {  	_ =	shalt  }
0x7d: {  	_ =	shalt  }
0x7e: {  	_ =	shalt  }
0x7f: {  	_ =	shalt  }
0x80: {  	_ =	shalt  }
0x81: {  	_ =	shalt  }
0x82: {  	_ =	shalt  }
0x83: {  	_ =	shalt  }
0x84: {  	_ =	shalt  }
0x85: {  	_ =	shalt  }
0x86: {  	_ =	shalt  }
0x87: {  	_ =	shalt  }
.Lfunc_end0:
.L_simem_size_0:
called_computation_lowered:
.L_overlay_start_0:
0x88: {  	s2 =	sld [smem:$0x3FD9]  }
0x89: {  	s3 =	sld [smem:$0x3FFE];
	_ =	sdelay $0x1  }
0x8a: {  	s1 =	srdreg.scid  }
0x8b: {  	s0 =	sand.u32 $0x1, s1  }
0x8c: {  	s17 =	sshll.u32 s0, $0xA;
	s2 =	sadd.s32 s3, s2  }
0x8d: {  	s2 =	sadd.s32 s2, s17  }
0x8e: {  	[smem:$0x3FC6] =	sst s2  }
0x8f: {  	_ = 	snop  }
0x90: {  	s2 =	sld [smem:$0x3FC9];
	(tm) =	ssettm $0x1  }
0x91: {  	s18 =	sld [smem:$0x3FFB];
	_ =	sdelay $0x3  }
0x92: {  	_ =	strace s18  }
0x93: {  	s3 =	sld [smem:$0x3FFC];
	_ =	sdelay $0x3  }
0x94: {  	_ =	strace s3  }
0x95: {  	s3 =	sld [smem:$0x3FFD];
	_ =	sdelay $0x3  }
0x96: {  	_ =	strace s3  }
0x97: {  	_ =	strace $0x8FFFFFFF  }
0x98: {  	s19 =	sld [smem:$0x3FDB];
	_ =	sdelay $0x1  }
0x99: {  	s4 =	simm.s32 $_scs_section_size  }
0x9a: {  	s5 =	simm.s32 $_size__tile_overlayer_lowered;
	s6 =	simm.s32 $_tile_overlayer_lowered  }
0x9b: {  	s22 =	simm.s32 $0x1BFF;
	s21 =	sshll.u32 s6, $0x1;
	s3 =	sadd.s32 s4, s19  }
0x9c: {  	s7 =	simm.s32 $0x0;
	s20 =	sshll.u32 s5, $0x1;
	s5 =	sadd.s32 s21, s3  }
0x9d: {  	[timem:s7], [sflag:s22] =	dma.local [hbm:s5], s20  }
0x9e: {  	_ =	swait.ge [sflag:s22], s20  }
0x9f: {  	s4 =	ssub.s32 $0x0, s20;
	[sflag:s22] =	ssyncset.done $0x0  }
0xa0: {  	[sflag:s22] =	ssyncadd.s32 s4;
	_ =	sdelay $0x1  }
0xa1: {  	s23 =	simm.s32 $0x1B8B  }
0xa2: {  	_ =	swait.ge [sflag:s23], $0x1  }
0xa3: {  	[sflag:s23] =	ssyncset.done $0x0  }
0xa4: {  	s25 =	simm.s32 $0x1B8E;
	s24 =	sld [smem:$0x3FFE];
	[sflag:s23] =	ssyncadd.s32 $0xFFFFFFFF  }
0xa5: {  	s26 =	simm.s32 $execute0_lowered;
	[smem:$0x3FD2] =	sst s25  }
0xa6: {  	s5 =	sshll.u32 s26, $0x1;
	_ =	strace $0x80000046;
	[dreg:$0x1] =	wrdreg $0xFFFFFFFF  }
0xa7: {  	s28 =	simm.s32 $_size_execute0_lowered;
	s3 =	sadd.s32 s3, s5;
	[dreg:$0x0] =	wrdreg $0x0  }
0xa8: {  	s5 =	sshll.u32 s28, $0x1;
	[dreg:$0x2] =	wrdreg s3  }
0xa9: {  	[dreg:$0x3] =	wrdreg s5  }
0xaa: {  	[dreg:$0x4] =	wrdreg $0xC0  }
0xab: {  	_ =	task [dreg:s7], $0x5FFFF  }
0xac: {  	[dreg:$0x1] =	wrdreg $0xFFFFFFFF  }
0xad: {  	[dreg:$0x0] =	wrdreg $0x60  }
0xae: {  	[dreg:$0x2] =	wrdreg s2  }
0xaf: {  	[dreg:$0x3] =	wrdreg s24  }
0xb0: {  	[dreg:$0x4] =	wrdreg $0x9  }
0xb1: {  	_ =	task.clear_ibuf [dreg:s7], $0x5FFFF;
	_ =	strace $0x90000046  }
0xb2: {  	s29 =	simm.s32 $0x9;
	_ =	strace $0x80000048  }
0xb3: {  	_ =	swait.ge [sflag:s29], $0x1  }
0xb4: {  	[sflag:s29] =	ssyncadd.s32 $0xFFFFFFFF  }
0xb5: {  	_ =	strace $0x90000048  }
0xb6: {  	_ =	sfence  }
0xb7: {  	s30 =	sld [smem:$0x0];
	_ =	sdelay $0x2  }
0xb8: {  	s31 =	sshll.u32 s1, $0xD;
	s1 =	sshrl.u32 s1, $0x2  }
0xb9: {  	s3 =	sand.u32 $0x4000, s31;
	s1 =	sadd.s32 s1, s30  }
0xba: {  	s0 =	sor.u32 s3, s0;
	s1 =	sshll.u32 s1, $0x11  }
0xbb: {  	s0 =	sor.u32 s1, s0  }
0xbc: {  	s0 =	sadd.s32 $0x8F2B, s0  }
0xbd: {  	[sflag:s0] =	ssyncadd.remote.s32 $0x1  }
0xbe: {  	_ =	sfence.sel $0xFFFF  }
0xbf: {  	[dreg:$0x0] =	wrdreg $0xFFFFFFFF;
	(pc) =	sbr.abs _section_cstart, $3  }
0xc0: {  	[dreg:$0x1] =	wrdreg $0xFFFFFFFF  }
0xc1: {  	_ =	task.clear_ibuf [dreg:s7], $0x2FFFF;
	_ =	strace $0x9FFFFFFF  }
0xc2: {  	(tm) =	ssettm $0x7FFFFFFF  }
0xc3: {  	_ =	shalt  }
tec
execute0_lowered:
.L_overlay_start_1:
0x0: {  	(tag) =	ssettag $0x1  }
0x1: {  	s1 =	rddreg [dreg:$0x0]  }
0x2: {  	s6 =	rddreg [dreg:$0x1]  }
0x3: {  	s0 =	rddreg [dreg:$0x2];
	s3 =	simm.s32 $0x0;
	s4 =	srdreg.scid  }
0x4: {  	s2 =	stileid.u32;
	s11 =	simm.s32 $0x10000;
	s12 =	simm.s32 $0x4000  }
0x5: {  	s13 =	simm.s32 $0x14000;
	s14 =	simm.s32 $0x8000;
	s15 =	simm.s32 $0xC000  }
0x6: {  	s16 =	simm.s32 $0x1;
	s17 =	simm.s32 $0x18000;
	s18 =	simm.s32 $0x2  }
0x7: {  	s19 =	simm.s32 $0x0;
	[smem:$0x7FF] =	sst s3;
	s5 =	sand.u32 $0x1, s4  }
0x8: {  	s7 =	sshll.u32 s2, $0x2;
	s4 =	sadd.s32 $0x400, s6;
	s8 =	sshll.u32 s5, $0x1  }
0x9: {  	v0 =	vlaneseq.u32;
	s6 =	sadd.s32 $0x80400, s6;
	s9 =	ssub.s32 $0x2, s5;
	s5 =	sor.u32 s8, s7  }
0xa: {  	v2 =	vmul.u32 $0x20, v0;
	_ =	strace $0x80000047;
	s30 =	sshrl.u32 s9, $0x1;
	s8 =	sshll.u32 s5, $0xE  }
0xb: {  	s10 =	ssub.s32 s9, s30;
	s31 =	sshll.u32 s5, $0xD;
	s7 =	sadd.s32 s1, s8  }
0xc: {  	v0 =	vimm.f32 $0.0e+00;
	v1 =	vor.u32 $0xB5000000, v2;
	v2 =	vor.u32 $0xB5000200, v2;
	s8 =	sadd.s32 s4, s31;
	s10 =	smax.u32 s10, $0x1;
	s9 =	sadd.s32 $0x2000, s7  }
.LBB2_1:
0xd: {  	[tilespmem:$0x18000] =	vst v0  }
0xe: {  	[tilespmem:$0x18010] =	vst v0  }
0xf: {  	[tilespmem:$0x18020] =	vst v0  }
0x10: {  	[tilespmem:$0x18030] =	vst v0  }
0x11: {  	[tilespmem:$0x18040] =	vst v0  }
0x12: {  	[tilespmem:$0x18050] =	vst v0  }
0x13: {  	[tilespmem:$0x18060] =	vst v0  }
0x14: {  	[tilespmem:$0x18070] =	vst v0  }
0x15: {  	[tilespmem:$0x18080] =	vst v0  }
0x16: {  	[tilespmem:$0x18090] =	vst v0  }
0x17: {  	[tilespmem:$0x180A0] =	vst v0  }
0x18: {  	[tilespmem:$0x180B0] =	vst v0  }
0x19: {  	[tilespmem:$0x180C0] =	vst v0  }
0x1a: {  	[tilespmem:$0x180D0] =	vst v0  }
0x1b: {  	[tilespmem:$0x180E0] =	vst v0  }
0x1c: {  	[tilespmem:$0x180F0] =	vst v0  }
0x1d: {  	[tilespmem:$0x18100] =	vst v0  }
0x1e: {  	[tilespmem:$0x18110] =	vst v0  }
0x1f: {  	[tilespmem:$0x18120] =	vst v0  }
0x20: {  	[tilespmem:$0x18130] =	vst v0  }
0x21: {  	[tilespmem:$0x18140] =	vst v0  }
0x22: {  	[tilespmem:$0x18150] =	vst v0  }
0x23: {  	[tilespmem:$0x18160] =	vst v0  }
0x24: {  	[tilespmem:$0x18170] =	vst v0  }
0x25: {  	[tilespmem:$0x18180] =	vst v0  }
0x26: {  	[tilespmem:$0x18190] =	vst v0  }
0x27: {  	[tilespmem:$0x181A0] =	vst v0  }
0x28: {  	[tilespmem:$0x181B0] =	vst v0  }
0x29: {  	[tilespmem:$0x181C0] =	vst v0  }
0x2a: {  	[tilespmem:$0x181D0] =	vst v0  }
0x2b: {  	[tilespmem:$0x181E0] =	vst v0  }
0x2c: {  	[tilespmem:$0x181F0] =	vst v0  }
0x2d: {  	[tilespmem:$0x18200] =	vst v0  }
0x2e: {  	[tilespmem:$0x18210] =	vst v0  }
0x2f: {  	[tilespmem:$0x18220] =	vst v0  }
0x30: {  	[tilespmem:$0x18230] =	vst v0  }
0x31: {  	[tilespmem:$0x18240] =	vst v0  }
0x32: {  	[tilespmem:$0x18250] =	vst v0  }
0x33: {  	[tilespmem:$0x18260] =	vst v0  }
0x34: {  	[tilespmem:$0x18270] =	vst v0  }
0x35: {  	[tilespmem:$0x18280] =	vst v0  }
0x36: {  	[tilespmem:$0x18290] =	vst v0  }
0x37: {  	[tilespmem:$0x182A0] =	vst v0  }
0x38: {  	[tilespmem:$0x182B0] =	vst v0  }
0x39: {  	[tilespmem:$0x182C0] =	vst v0  }
0x3a: {  	[tilespmem:$0x182D0] =	vst v0  }
0x3b: {  	[tilespmem:$0x182E0] =	vst v0  }
0x3c: {  	[tilespmem:$0x182F0] =	vst v0  }
0x3d: {  	[tilespmem:$0x18300] =	vst v0  }
0x3e: {  	[tilespmem:$0x18310] =	vst v0  }
0x3f: {  	[tilespmem:$0x18320] =	vst v0  }
0x40: {  	[tilespmem:$0x18330] =	vst v0  }
0x41: {  	[tilespmem:$0x18340] =	vst v0  }
0x42: {  	[tilespmem:$0x18350] =	vst v0  }
0x43: {  	[tilespmem:$0x18360] =	vst v0  }
0x44: {  	[tilespmem:$0x18370] =	vst v0  }
0x45: {  	[tilespmem:$0x18380] =	vst v0  }
0x46: {  	[tilespmem:$0x18390] =	vst v0  }
0x47: {  	[tilespmem:$0x183A0] =	vst v0  }
0x48: {  	[tilespmem:$0x183B0] =	vst v0  }
0x49: {  	[tilespmem:$0x183C0] =	vst v0  }
0x4a: {  	[tilespmem:$0x183D0] =	vst v0  }
0x4b: {  	[tilespmem:$0x183E0] =	vst v0  }
0x4c: {  	[tilespmem:$0x183F0] =	vst v0  }
0x4d: {  	[tilespmem:s11], [sflag:$0x1] =	stream.linear.gather [hbm4b:s8+s3], $0x4000, $0x38;
	[tilespmem:$0x1A400] =	vst v63  }
0x4e: {  	_ = 	snop  }
0x4f: {  	[tilespmem:s3], [sflag:$0x1] =	stream.linear.gather [hbm4b:s7+s3], $0x4000, $0x38;
	[tilespmem:$0x1A400] =	vst v63  }
0x50: {  	s20 =	simm.s32 $0x0  }
0x51: {  	[tilespmem:s12], [sflag:$0x1] =	stream.linear.gather [hbm4b:s9+s3], $0x4000, $0x38;
	[tilespmem:$0x1A400] =	vst v63  }
.LBB2_2:
0x52: {  	s22 =	sshrl.u32 s20, $0x1  }
0x53: {  	s21 =	sshllo.u32 s20, $0x1;
	s23 =	sshll.u32 s22, $0x2  }
0x54: {  	s22 =	sor.u32 s5, s22;
	s21 =	ssub.s32 s21, s23  }
0x55: {  	s29 =	sshll.u32 s22, $0x10;
	s24 =	sshll.u32 s21, $0xE  }
0x56: {  	s23 =	sadd.s32 s29, s24  }
0x57: {  	s30 =	sshll.u32 s22, $0x11;
	s23 =	sshrl.u32 s23, $0x3  }
0x58: {  	s24 =	sadd.s32 s30, s24;
	s25 =	sadd.s32 s4, s23;
	s23 =	simm.s32 $0x0  }
0x59: {  	[tilespmem:s13], [sflag:$0x2] =	stream.linear.gather [hbm4b:s25+s23], $0x4000, $0x38;
	[tilespmem:$0x1A400] =	vst v63  }
0x5a: {  	s25 =	sshrl.u32 s24, $0x3;
	s24 =	sadd.s32 $0x10000, s24  }
0x5b: {  	s25 =	sadd.s32 s1, s25;
	s24 =	sshrl.u32 s24, $0x3  }
0x5c: {  	[tilespmem:s14], [sflag:$0x2] =	stream.linear.gather [hbm4b:s25+s23], $0x4000, $0x38;
	[tilespmem:$0x1A400] =	vst v63  }
0x5d: {  	s24 =	sadd.s32 s1, s24  }
0x5e: {  	[tilespmem:s15], [sflag:$0x2] =	stream.linear.gather [hbm4b:s24+s23], $0x4000, $0x38;
	[tilespmem:$0x1A400] =	vst v63  }
0x5f: {  	_ =	swait.ge [sflag:s16], $0x4000  }
0x60: {  	[sflag:s16] =	ssyncset.done $0x0  }
0x61: {  	[sflag:s16] =	ssyncadd.s32 $0xFFFFC000  }
0x62: {  	_ =	swait.ge [sflag:s16], $0x4000  }
0x63: {  	[sflag:s16] =	ssyncset.done $0x0  }
0x64: {  	[sflag:s16] =	ssyncadd.s32 $0xFFFFC000  }
0x65: {  	_ =	swait.ge [sflag:s16], $0x4000  }
0x66: {  	s31 =	sshll.u32 s20, $0x4;
	s26 =	simm.s32 $0x0;
	[sflag:s16] =	ssyncset.done $0x0  }
0x67: {  	s25 =	sand.u32 $0x10, s31;
	s24 =	sshll.u32 s20, $0x1;
	[sflag:s16] =	ssyncadd.s32 $0xFFFFC000  }
.LBB2_3:
0x68: {  	s28 =	sshra.s32 s23, $0x2  }
0x69: {  	v3 =	vld [tilespmem:s28+$0x4020]  }
0x6a: {  	v4 =	vld [tilespmem:s28+$0x4030]  }
0x6b: {  	v5 =	vld [tilespmem:s28+$0x30]  }
0x6c: {  	v8 =	vld [tilespmem:s28+$0x70]  }
0x6d: {  	v9 =	vld [tilespmem:s28+$0x0]  }
0x6e: {  	v10 =	vld [tilespmem:s28+$0x4050]  }
0x6f: {  	v13 =	vld [tilespmem:s28+$0x4000]  }
0x70: {  	v14 =	vld [tilespmem:s28+$0x60]  }
0x71: {  	v6 =	vld [tilespmem:s28+$0x4010]  }
0x72: {  	v12 =	vld [tilespmem:s28+$0x50];
	v5 =	vmul.f32 $1.400000000e+01, v5;
	v8 =	vmul.f32 $1.400000000e+01, v8  }
0x73: {  	v15 =	vld [tilespmem:s28+$0x40];
	v3 =	vmul.f32 $1.400000000e+01, v3;
	v9 =	vmul.f32 $1.400000000e+01, v9  }
0x74: {  	v7 =	vld [tilespmem:s28+$0x4070];
	v18 =	vmul.f32 $1.400000000e+01, v10;
	v13 =	vmul.f32 $1.400000000e+01, v13;
	v5 =	vadd.f32 $1.350014020e+01, v5  }
0x75: {  	v10 =	vld [tilespmem:s28+$0x20];
	v14 =	vmul.f32 $1.400000000e+01, v14;
	v8 =	vadd.f32 $1.350014020e+01, v8;
	v16 =	vadd.f32 $1.350014020e+01, v3  }
0x76: {  	v11 =	vld [tilespmem:s28+$0x10];
	v6 =	vmul.f32 $1.400000000e+01, v6;
	v19 =	vadd.f32 $1.350014020e+01, v9;
	v13 =	vadd.f32 $1.350014020e+01, v13  }
0x77: {  	v21 =	vld [tilespmem:s28+$0x10070];
	v12 =	vmul.f32 $1.400000000e+01, v12;
	v14 =	vadd.f32 $1.350014020e+01, v14;
	v5 =	vadd.f32 $8.388608000e+06, v5  }
0x78: {  	v22 =	vld [tilespmem:s28+$0x4060];
	v15 =	vmul.f32 $1.400000000e+01, v15;
	v8 =	vadd.f32 $8.388608000e+06, v8;
	v19 =	vadd.f32 $8.388608000e+06, v19  }
0x79: {  	v3 =	vld [tilespmem:s28+$0x10040];
	v17 =	vadd.s32 v1, v5;
	v5 =	vadd.f32 $1.350014020e+01, v6;
	v6 =	vmul.f32 $1.400000000e+01, v7  }
0x7a: {  	v9 =	vld [tilespmem:s28+$0x10000];
	v23 =	vmul.f32 $1.400000000e+01, v10;
	v7 =	vadd.f32 $8.388608000e+06, v16;
	v16 =	vmul.f32 $1.400000000e+01, v4  }
0x7b: {  	v4 =	vld [tilespmem:s28+$0x10030];
	v25 =	vadd.s32 v1, v8;
	v27 =	vadd.s32 v1, v19;
	v6 =	vadd.f32 $1.350014020e+01, v6  }
0x7c: {  	v10 =	vld [tilespmem:s28+$0x10060];
	v19 =	vadd.f32 $8.388608000e+06, v14;
	v20 =	vadd.f32 $8.388608000e+06, v5;
	v5 =	vadd.s32 v2, v7  }
0x7d: {  	v8 =	vld [tilespmem:s28+$0x10020];
	v7 =	vmul.f32 $1.400000000e+01, v11;
	v11 =	vadd.f32 $1.350014020e+01, v12;
	v6 =	vadd.f32 $8.388608000e+06, v6  }
0x7e: {  	v22 =	vmul.f32 $1.400000000e+01, v22;
	v14 =	vld [tilespmem:s28+$0x4040];
	v12 =	vadd.f32 $1.350014020e+01, v16;
	v16 =	vadd.f32 $8.388608000e+06, v13  }
0x7f: {  	v15 =	vadd.f32 $1.350014020e+01, v15;
	v24 =	vadd.f32 $1.350014020e+01, v7;
	v7 =	vld [tilespmem:s28+$0x10050];
	v26 =	vadd.s32 v2, v6  }
0x80: {  	v18 =	vadd.f32 $1.350014020e+01, v18;
	v13 =	vadd.f32 $8.388608000e+06, v12;
	[tilespmem:v17+s17+$0x0] =	vst.idx.add.f32.msk $0xffff, v4;
	v17 =	vadd.s32 v2, v16  }
0x81: {  	v12 =	vld [tilespmem:s28+$0x10010];
	v6 =	vadd.s32 v2, v20;
	v24 =	vadd.f32 $8.388608000e+06, v24;
	v20 =	vadd.f32 $1.350014020e+01, v23  }
0x82: {  	v22 =	vadd.f32 $1.350014020e+01, v22;
	v15 =	vadd.f32 $8.388608000e+06, v15;
	[tilespmem:v25+s17+$0x0] =	vst.idx.add.f32.msk $0xffff, v21  }
0x83: {  	v16 =	vadd.s32 v1, v19;
	[tilespmem:v27+s17+$0x0] =	vst.idx.add.f32.msk $0xffff, v9;
	v20 =	vadd.f32 $8.388608000e+06, v20;
	v19 =	vadd.s32 v1, v24  }
0x84: {  	s29 =	sadd.s32 $0x1000, s23;
	v18 =	vadd.f32 $8.388608000e+06, v18;
	s28 =	simm.s32 $0x0;
	[tilespmem:v26+s17+$0x0] =	vst.idx.add.f32.msk $0xffff, v21;
	v21 =	vadd.f32 $8.388608000e+06, v22  }
.LBB2_4:
0x85: {  	s30 =	sshra.s32 s29, $0x2;
	s28 =	sadd.s32 $0x8, s28;
	[tilespmem:v17+s17+$0x0] =	vst.idx.add.f32.msk $0xffff, v9;
	v9 =	vadd.s32 v1, v20  }
0x86: {  	v17 =	vld [tilespmem:s30+$0x4020];
	p0 =	slt.u32 s28, $0x78;
	v20 =	vadd.s32 v2, v21  }
0x87: {  	v13 =	vadd.s32 v2, v13;
	v21 =	vld [tilespmem:s30+$0x4030]  }
0x88: {  	v11 =	vadd.f32 $8.388608000e+06, v11;
	[tilespmem:v19+s17+$0x0] =	vst.idx.add.f32.msk $0xffff, v12  }
0x89: {  	v14 =	vmul.f32 $1.400000000e+01, v14;
	v19 =	vld [tilespmem:s30+$0x30]  }
0x8a: {  	v15 =	vadd.s32 v1, v15;
	v11 =	vadd.s32 v1, v11;
	[tilespmem:v16+s17+$0x0] =	vst.idx.add.f32.msk $0xffff, v10  }
0x8b: {  	v14 =	vadd.f32 $1.350014020e+01, v14;
	v16 =	vadd.s32 v2, v18;
	[tilespmem:v20+s17+$0x0] =	vst.idx.add.f32.msk $0xffff, v10  }
0x8c: {  	[tilespmem:v9+s17+$0x0] =	vst.idx.add.f32.msk $0xffff, v8  }
0x8d: {  	v10 =	vadd.f32 $8.388608000e+06, v14;
	v9 =	vld [tilespmem:s30+$0x4010]  }
0x8e: {  	[tilespmem:v6+s17+$0x0] =	vst.idx.add.f32.msk $0xffff, v12  }
0x8f: {  	v6 =	vadd.s32 v2, v10;
	[tilespmem:v11+s17+$0x0] =	vst.idx.add.f32.msk $0xffff, v7  }
0x90: {  	[tilespmem:v16+s17+$0x0] =	vst.idx.add.f32.msk $0xffff, v7  }
0x91: {  	v7 =	vld [tilespmem:s30+$0x4070]  }
0x92: {  	[tilespmem:v15+s17+$0x0] =	vst.idx.add.f32.msk $0xffff, v3  }
0x93: {  	[tilespmem:v5+s17+$0x0] =	vst.idx.add.f32.msk $0xffff, v8  }
0x94: {  	[tilespmem:v6+s17+$0x0] =	vst.idx.add.f32.msk $0xffff, v3  }
0x95: {  	v3 =	vld [tilespmem:s30+$0x70]  }
0x96: {  	[tilespmem:v13+s17+$0x0] =	vst.idx.add.f32.msk $0xffff, v4  }
0x97: {  	v5 =	vmul.f32 $1.400000000e+01, v19;
	v4 =	vld [tilespmem:s30+$0x0]  }
0x98: {  	v6 =	vld [tilespmem:s30+$0x4050]  }
0x99: {  	v5 =	vadd.f32 $1.350014020e+01, v5;
	v8 =	vld [tilespmem:s30+$0x10]  }
0x9a: {  	v10 =	vld [tilespmem:s30+$0x50];
	v3 =	vmul.f32 $1.400000000e+01, v3  }
0x9b: {  	v12 =	vmul.f32 $1.400000000e+01, v17;
	v5 =	vadd.f32 $8.388608000e+06, v5;
	v11 =	vld [tilespmem:s30+$0x4000]  }
0x9c: {  	v9 =	vmul.f32 $1.400000000e+01, v9;
	v4 =	vmul.f32 $1.400000000e+01, v4;
	v13 =	vld [tilespmem:s30+$0x60];
	v14 =	vadd.f32 $1.350014020e+01, v3  }
0x9d: {  	v3 =	vadd.f32 $1.350014020e+01, v12;
	v12 =	vadd.s32 v1, v5;
	v15 =	vld [tilespmem:s30+$0x40];
	v16 =	vmul.f32 $1.400000000e+01, v6  }
0x9e: {  	v6 =	vmul.f32 $1.400000000e+01, v7;
	v17 =	vadd.f32 $1.350014020e+01, v4;
	v4 =	vadd.f32 $1.350014020e+01, v9;
	v18 =	vld [tilespmem:s30+$0x20]  }
0x9f: {  	v7 =	vmul.f32 $1.400000000e+01, v21;
	v5 =	vadd.f32 $8.388608000e+06, v3;
	v14 =	vadd.f32 $8.388608000e+06, v14;
	v3 =	vld [tilespmem:s30+$0x10040]  }
0xa0: {  	v10 =	vmul.f32 $1.400000000e+01, v10;
	v11 =	vmul.f32 $1.400000000e+01, v11;
	v19 =	vadd.f32 $8.388608000e+06, v4;
	v4 =	vld [tilespmem:s30+$0x10030]  }
0xa1: {  	v20 =	vadd.f32 $1.350014020e+01, v6;
	v5 =	vadd.s32 v2, v5;
	v9 =	vld [tilespmem:s30+$0x10000];
	v13 =	vmul.f32 $1.400000000e+01, v13  }
0xa2: {  	v8 =	vmul.f32 $1.400000000e+01, v8;
	v21 =	vadd.f32 $1.350014020e+01, v11;
	v6 =	vadd.s32 v2, v19;
	v22 =	vld [tilespmem:s30+$0x10070]  }
0xa3: {  	v17 =	vadd.f32 $8.388608000e+06, v17;
	v20 =	vadd.f32 $8.388608000e+06, v20;
	v18 =	vmul.f32 $1.400000000e+01, v18;
	v19 =	vld [tilespmem:s30+$0x4060]  }
0xa4: {  	v23 =	vadd.f32 $1.350014020e+01, v8;
	v8 =	vmul.f32 $1.400000000e+01, v15;
	v11 =	vadd.f32 $1.350014020e+01, v10;
	v10 =	vld [tilespmem:s30+$0x10060]  }
0xa5: {  	v24 =	vadd.s32 v1, v14;
	v15 =	vadd.f32 $1.350014020e+01, v7;
	[tilespmem:v12+s17+$0x0] =	vst.idx.add.f32.msk $0xffff, v4;
	v12 =	vadd.f32 $1.350014020e+01, v13  }
0xa6: {  	v25 =	vadd.s32 v2, v20;
	v14 =	vadd.f32 $8.388608000e+06, v21;
	v21 =	vadd.f32 $1.350014020e+01, v8;
	v7 =	vld [tilespmem:s30+$0x10050]  }
0xa7: {  	v26 =	vadd.s32 v1, v17;
	v13 =	vadd.f32 $8.388608000e+06, v15;
	v8 =	vld [tilespmem:s30+$0x10020];
	v20 =	vadd.f32 $8.388608000e+06, v12  }
.Ltmp0:
0xa8: {  	v23 =	vadd.f32 $8.388608000e+06, v23;
	v17 =	vadd.s32 v2, v14;
	v14 =	vld [tilespmem:s30+$0x4040];
	v19 =	vmul.f32 $1.400000000e+01, v19;
	(pc) =	sbr.rel @p0 .LBB2_4-.Ltmp0, $4  }
0xa9: {  	v18 =	vadd.f32 $1.350014020e+01, v18;
	v15 =	vadd.f32 $8.388608000e+06, v21;
	v12 =	vld [tilespmem:s30+$0x10010]  }
0xaa: {  	v21 =	vadd.f32 $1.350014020e+01, v16;
	v16 =	vadd.s32 v1, v20;
	v27 =	vadd.f32 $1.350014020e+01, v19;
	[tilespmem:v24+s17+$0x0] =	vst.idx.add.f32.msk $0xffff, v22  }
0xab: {  	v20 =	vadd.f32 $8.388608000e+06, v18;
	v19 =	vadd.s32 v1, v23;
	[tilespmem:v25+s17+$0x0] =	vst.idx.add.f32.msk $0xffff, v22  }
0xac: {  	s29 =	sadd.s32 $0x1000, s29;
	v18 =	vadd.f32 $8.388608000e+06, v21;
	[tilespmem:v26+s17+$0x0] =	vst.idx.add.f32.msk $0xffff, v9;
	v21 =	vadd.f32 $8.388608000e+06, v27  }
0xad: {  	_ =	sdelay $0x2  }
0xae: {  	v20 =	vadd.s32 v1, v20  }
0xaf: {  	v14 =	vmul.f32 $1.400000000e+01, v14;
	[tilespmem:v17+s17+$0x0] =	vst.idx.add.f32.msk $0xffff, v9;
	v15 =	vadd.s32 v1, v15  }
0xb0: {  	[tilespmem:v16+s17+$0x0] =	vst.idx.add.f32.msk $0xffff, v10;
	v60 =	vadd.s32 v2, v13  }
0xb1: {  	v11 =	vadd.f32 $8.388608000e+06, v11;
	v21 =	vadd.s32 v2, v21;
	[tilespmem:v19+s17+$0x0] =	vst.idx.add.f32.msk $0xffff, v12;
	v56 =	vadd.f32 $1.350014020e+01, v14  }
0xb2: {  	[tilespmem:v6+s17+$0x0] =	vst.idx.add.f32.msk $0xffff, v12  }
0xb3: {  	v55 =	vadd.s32 v1, v11;
	v58 =	vadd.f32 $8.388608000e+06, v56;
	[tilespmem:v20+s17+$0x0] =	vst.idx.add.f32.msk $0xffff, v8  }
0xb4: {  	v57 =	vadd.s32 v2, v18;
	[tilespmem:v15+s17+$0x0] =	vst.idx.add.f32.msk $0xffff, v3  }
0xb5: {  	[tilespmem:v60+s17+$0x0] =	vst.idx.add.f32.msk $0xffff, v4;
	v59 =	vadd.s32 v2, v58  }
0xb6: {  	[tilespmem:v21+s17+$0x0] =	vst.idx.add.f32.msk $0xffff, v10  }
0xb7: {  	[tilespmem:v5+s17+$0x0] =	vst.idx.add.f32.msk $0xffff, v8  }
0xb8: {  	[tilespmem:v55+s17+$0x0] =	vst.idx.add.f32.msk $0xffff, v7  }
0xb9: {  	[tilespmem:v57+s17+$0x0] =	vst.idx.add.f32.msk $0xffff, v7  }
0xba: {  	[tilespmem:v59+s17+$0x0] =	vst.idx.add.f32.msk $0xffff, v3  }
0xbb: {  	v3 =	vld [tilespmem:$0x18000]  }
0xbc: {  	v4 =	vld [tilespmem:$0x18010]  }
0xbd: {  	v5 =	vld [tilespmem:$0x18020]  }
0xbe: {  	v6 =	vld [tilespmem:$0x18030]  }
0xbf: {  	v7 =	vld [tilespmem:$0x18040]  }
0xc0: {  	[tilespmem:$0x18000] =	vst v0;
	v8 =	vld [tilespmem:$0x18050]  }
0xc1: {  	[tilespmem:$0x18010] =	vst v0;
	v9 =	vld [tilespmem:$0x18060]  }
0xc2: {  	[tilespmem:$0x18020] =	vst v0;
	v61 =	vld [tilespmem:$0x18070];
	v3 =	vadd.f32 v5, v3  }
0xc3: {  	[tilespmem:$0x18030] =	vst v0;
	v62 =	vld [tilespmem:$0x18080];
	v4 =	vadd.f32 v6, v4  }
0xc4: {  	[tilespmem:$0x18040] =	vst v0;
	v63 =	vld [tilespmem:$0x18090];
	v3 =	vadd.f32 v7, v3  }
0xc5: {  	[tilespmem:$0x18050] =	vst v0;
	v12 =	vld [tilespmem:$0x180A0];
	v4 =	vadd.f32 v8, v4  }
0xc6: {  	[tilespmem:$0x18060] =	vst v0;
	v13 =	vld [tilespmem:$0x180B0];
	v3 =	vadd.f32 v9, v3  }
0xc7: {  	[tilespmem:$0x18070] =	vst v0;
	v14 =	vld [tilespmem:$0x180C0];
	v4 =	vadd.f32 v61, v4  }
0xc8: {  	[tilespmem:$0x18080] =	vst v0;
	v15 =	vld [tilespmem:$0x180D0];
	v3 =	vadd.f32 v62, v3  }
0xc9: {  	[tilespmem:$0x18090] =	vst v0;
	v16 =	vld [tilespmem:$0x180E0];
	v4 =	vadd.f32 v63, v4  }
0xca: {  	[tilespmem:$0x180A0] =	vst v0;
	v17 =	vld [tilespmem:$0x180F0];
	v3 =	vadd.f32 v12, v3  }
0xcb: {  	[tilespmem:$0x180B0] =	vst v0;
	v18 =	vld [tilespmem:$0x18100];
	v4 =	vadd.f32 v13, v4  }
0xcc: {  	[tilespmem:$0x180C0] =	vst v0;
	v19 =	vld [tilespmem:$0x18110];
	v3 =	vadd.f32 v14, v3  }
0xcd: {  	[tilespmem:$0x180D0] =	vst v0;
	v20 =	vld [tilespmem:$0x18120];
	v4 =	vadd.f32 v15, v4  }
0xce: {  	[tilespmem:$0x180E0] =	vst v0;
	v21 =	vld [tilespmem:$0x18130];
	v3 =	vadd.f32 v16, v3  }
0xcf: {  	[tilespmem:$0x180F0] =	vst v0;
	v22 =	vld [tilespmem:$0x18140];
	v4 =	vadd.f32 v17, v4  }
0xd0: {  	[tilespmem:$0x18100] =	vst v0;
	v23 =	vld [tilespmem:$0x18150];
	v3 =	vadd.f32 v18, v3  }
0xd1: {  	[tilespmem:$0x18110] =	vst v0;
	v24 =	vld [tilespmem:$0x18160];
	v4 =	vadd.f32 v19, v4  }
0xd2: {  	[tilespmem:$0x18120] =	vst v0;
	v25 =	vld [tilespmem:$0x18170];
	v3 =	vadd.f32 v20, v3  }
0xd3: {  	[tilespmem:$0x18130] =	vst v0;
	v26 =	vld [tilespmem:$0x18180];
	v4 =	vadd.f32 v21, v4  }
0xd4: {  	[tilespmem:$0x18140] =	vst v0;
	v27 =	vld [tilespmem:$0x18190];
	v3 =	vadd.f32 v22, v3  }
0xd5: {  	[tilespmem:$0x18150] =	vst v0;
	v28 =	vld [tilespmem:$0x181A0];
	v4 =	vadd.f32 v23, v4  }
0xd6: {  	[tilespmem:$0x18160] =	vst v0;
	v29 =	vld [tilespmem:$0x181B0];
	v3 =	vadd.f32 v24, v3  }
0xd7: {  	[tilespmem:$0x18170] =	vst v0;
	v30 =	vld [tilespmem:$0x181C0];
	v4 =	vadd.f32 v25, v4  }
0xd8: {  	[tilespmem:$0x18180] =	vst v0;
	v31 =	vld [tilespmem:$0x181D0];
	v3 =	vadd.f32 v26, v3  }
0xd9: {  	[tilespmem:$0x18190] =	vst v0;
	v32 =	vld [tilespmem:$0x181E0];
	v4 =	vadd.f32 v27, v4  }
0xda: {  	[tilespmem:$0x181A0] =	vst v0;
	v33 =	vld [tilespmem:$0x181F0];
	v3 =	vadd.f32 v28, v3  }
0xdb: {  	[tilespmem:$0x181B0] =	vst v0;
	v4 =	vadd.f32 v29, v4  }
0xdc: {  	[tilespmem:$0x181C0] =	vst v0;
	v3 =	vadd.f32 v30, v3  }
0xdd: {  	s28 =	sadd.s32 s25, s26;
	[tilespmem:$0x181D0] =	vst v0;
	v4 =	vadd.f32 v31, v4  }
0xde: {  	s28 =	sshll.u32 s28, $0x7;
	[tilespmem:$0x181E0] =	vst v0;
	v3 =	vadd.f32 v32, v3  }
0xdf: {  	s28 =	sand.u32 $0x3FFFFF80, s28;
	[tilespmem:$0x181F0] =	vst v0;
	v4 =	vadd.f32 v33, v4  }
0xe0: {  	[tilespmem:s28+$0x18400] =	vst v3  }
0xe1: {  	[tilespmem:s28+$0x18410] =	vst v4  }
0xe2: {  	v3 =	vld [tilespmem:$0x18200]  }
0xe3: {  	v4 =	vld [tilespmem:$0x18210]  }
0xe4: {  	v34 =	vld [tilespmem:$0x18220]  }
0xe5: {  	v35 =	vld [tilespmem:$0x18230]  }
0xe6: {  	v36 =	vld [tilespmem:$0x18240]  }
0xe7: {  	[tilespmem:$0x18200] =	vst v0;
	v37 =	vld [tilespmem:$0x18250]  }
0xe8: {  	[tilespmem:$0x18210] =	vst v0;
	v38 =	vld [tilespmem:$0x18260]  }
0xe9: {  	[tilespmem:$0x18220] =	vst v0;
	v39 =	vld [tilespmem:$0x18270];
	v3 =	vadd.f32 v34, v3  }
0xea: {  	[tilespmem:$0x18230] =	vst v0;
	v40 =	vld [tilespmem:$0x18280];
	v4 =	vadd.f32 v35, v4  }
0xeb: {  	[tilespmem:$0x18240] =	vst v0;
	v41 =	vld [tilespmem:$0x18290];
	v3 =	vadd.f32 v36, v3  }
0xec: {  	[tilespmem:$0x18250] =	vst v0;
	v42 =	vld [tilespmem:$0x182A0];
	v4 =	vadd.f32 v37, v4  }
0xed: {  	[tilespmem:$0x18260] =	vst v0;
	v43 =	vld [tilespmem:$0x182B0];
	v3 =	vadd.f32 v38, v3  }
0xee: {  	[tilespmem:$0x18270] =	vst v0;
	v44 =	vld [tilespmem:$0x182C0];
	v4 =	vadd.f32 v39, v4  }
0xef: {  	[tilespmem:$0x18280] =	vst v0;
	v45 =	vld [tilespmem:$0x182D0];
	v3 =	vadd.f32 v40, v3  }
0xf0: {  	[tilespmem:$0x18290] =	vst v0;
	v46 =	vld [tilespmem:$0x182E0];
	v4 =	vadd.f32 v41, v4  }
0xf1: {  	[tilespmem:$0x182A0] =	vst v0;
	v47 =	vld [tilespmem:$0x182F0];
	v3 =	vadd.f32 v42, v3  }
0xf2: {  	[tilespmem:$0x182B0] =	vst v0;
	v48 =	vld [tilespmem:$0x18300];
	v4 =	vadd.f32 v43, v4  }
0xf3: {  	[tilespmem:$0x182C0] =	vst v0;
	v49 =	vld [tilespmem:$0x18310];
	v3 =	vadd.f32 v44, v3  }
0xf4: {  	[tilespmem:$0x182D0] =	vst v0;
	v50 =	vld [tilespmem:$0x18320];
	v4 =	vadd.f32 v45, v4  }
0xf5: {  	[tilespmem:$0x182E0] =	vst v0;
	v51 =	vld [tilespmem:$0x18330];
	v3 =	vadd.f32 v46, v3  }
0xf6: {  	[tilespmem:$0x182F0] =	vst v0;
	v52 =	vld [tilespmem:$0x18340];
	v4 =	vadd.f32 v47, v4  }
0xf7: {  	[tilespmem:$0x18300] =	vst v0;
	v53 =	vld [tilespmem:$0x18350];
	v3 =	vadd.f32 v48, v3  }
0xf8: {  	[tilespmem:$0x18310] =	vst v0;
	v54 =	vld [tilespmem:$0x18360];
	v4 =	vadd.f32 v49, v4  }
0xf9: {  	[tilespmem:$0x18320] =	vst v0;
	v55 =	vld [tilespmem:$0x18370];
	v3 =	vadd.f32 v50, v3  }
0xfa: {  	[tilespmem:$0x18330] =	vst v0;
	v56 =	vld [tilespmem:$0x18380];
	v4 =	vadd.f32 v51, v4  }
0xfb: {  	[tilespmem:$0x18340] =	vst v0;
	v57 =	vld [tilespmem:$0x18390];
	v3 =	vadd.f32 v52, v3  }
0xfc: {  	[tilespmem:$0x18350] =	vst v0;
	v58 =	vld [tilespmem:$0x183A0];
	v4 =	vadd.f32 v53, v4  }
0xfd: {  	[tilespmem:$0x18360] =	vst v0;
	v59 =	vld [tilespmem:$0x183B0];
	v3 =	vadd.f32 v54, v3  }
0xfe: {  	[tilespmem:$0x18370] =	vst v0;
	v60 =	vld [tilespmem:$0x183C0];
	v4 =	vadd.f32 v55, v4  }
0xff: {  	[tilespmem:$0x18380] =	vst v0;
	v61 =	vld [tilespmem:$0x183D0];
	v3 =	vadd.f32 v56, v3  }
0x100: {  	[tilespmem:$0x18390] =	vst v0;
	v62 =	vld [tilespmem:$0x183E0];
	v4 =	vadd.f32 v57, v4  }
0x101: {  	[tilespmem:$0x183A0] =	vst v0;
	v63 =	vld [tilespmem:$0x183F0];
	v3 =	vadd.f32 v58, v3  }
0x102: {  	s26 =	sadd.s32 $0x1, s26;
	[tilespmem:$0x183B0] =	vst v0;
	v4 =	vadd.f32 v59, v4  }
0x103: {  	p0 =	sne.s32 s26, $0x8;
	[tilespmem:$0x183C0] =	vst v0;
	v3 =	vadd.f32 v60, v3  }
.Ltmp1:
0x104: {  	[tilespmem:$0x183D0] =	vst v0;
	v4 =	vadd.f32 v61, v4;
	(pc) =	sbr.rel @p0 .LBB2_3-.Ltmp1, $4  }
0x105: {  	[tilespmem:$0x183E0] =	vst v0;
	v3 =	vadd.f32 v62, v3  }
0x106: {  	[tilespmem:$0x183F0] =	vst v0;
	v4 =	vadd.f32 v63, v4  }
0x107: {  	[tilespmem:s28+$0x19400] =	vst v3  }
0x108: {  	s23 =	sadd.s32 $0x200, s23;
	[tilespmem:s28+$0x19410] =	vst v4  }
0x109: {  	p0 =	seq.s32 s20, $0x3  }
0x10a: {  	s23 =	sadd.s32 @!p0 $0x2, s24  }
0x10b: {  	s24 =	sshrl.u32 @!p0 s23, $0x2  }
0x10c: {  	s23 =	sshll.u32 @!p0 s23, $0xE;
	s25 =	sadd.s32 @!p0 s5, s24;
	s24 =	sshll.u32 @!p0 s24, $0x10  }
0x10d: {  	s26 =	sshll.u32 @!p0 s25, $0x10;
	s23 =	ssub.s32 @!p0 s23, s24  }
0x10e: {  	s24 =	sadd.s32 @!p0 s23, s26  }
0x10f: {  	s24 =	sshrl.u32 @!p0 s24, $0x3  }
0x110: {  	s28 =	simm.s32 @!p0 $0x10000;
	s26 =	simm.s32 @!p0 $0x0;
	s24 =	sadd.s32 @!p0 s4, s24  }
0x111: {  	[tilespmem:s28], [sflag:$0x1] =	stream.linear.gather @!p0 [hbm4b:s24+s26], $0x4000, $0x38;
	[tilespmem:$0x1A400] =	vst v63  }
0x112: {  	s24 =	sshll.u32 @!p0 s25, $0x11  }
0x113: {  	s23 =	sadd.s32 @!p0 s23, s24  }
0x114: {  	s24 =	sshrl.u32 @!p0 s23, $0x3;
	s23 =	sadd.s32 @!p0 $0x10000, s23  }
0x115: {  	s24 =	sadd.s32 @!p0 s1, s24;
	s23 =	sshrl.u32 @!p0 s23, $0x3  }
0x116: {  	[tilespmem:s26], [sflag:$0x1] =	stream.linear.gather @!p0 [hbm4b:s24+s26], $0x4000, $0x38;
	[tilespmem:$0x1A400] =	vst v63  }
0x117: {  	s23 =	sadd.s32 @!p0 s1, s23;
	s24 =	simm.s32 @!p0 $0x4000  }
0x118: {  	[tilespmem:s24], [sflag:$0x1] =	stream.linear.gather @!p0 [hbm4b:s23+s26], $0x4000, $0x38;
	[tilespmem:$0x1A400] =	vst v63  }
0x119: {  	_ =	swait.ge [sflag:s18], $0x4000  }
0x11a: {  	[sflag:s18] =	ssyncset.done $0x0  }
0x11b: {  	[sflag:s18] =	ssyncadd.s32 $0xFFFFC000  }
0x11c: {  	_ =	swait.ge [sflag:s18], $0x4000  }
0x11d: {  	[sflag:s18] =	ssyncset.done $0x0  }
0x11e: {  	s30 =	sshll.u32 s21, $0xC;
	[sflag:s18] =	ssyncadd.s32 $0xFFFFC000  }
0x11f: {  	s23 =	sshra.s32 s30, $0x2;
	_ =	swait.ge [sflag:s18], $0x4000  }
0x120: {  	s31 =	sadd.s32 $0x18400, s23;
	[sflag:s18] =	ssyncset.done $0x0  }
0x121: {  	s24 =	simm.s32 $0x0;
	s23 =	simm.s32 $0x0;
	v3 =	vmov s31;
	[sflag:s18] =	ssyncadd.s32 $0xFFFFC000  }
.LBB2_7:
0x122: {  	s25 =	sshra.s32 s23, $0x2  }
0x123: {  	v4 =	vld [tilespmem:s25+$0xC020]  }
0x124: {  	v5 =	vld [tilespmem:s25+$0xC030]  }
0x125: {  	v6 =	vld [tilespmem:s25+$0x8030]  }
0x126: {  	v9 =	vld [tilespmem:s25+$0x8070]  }
0x127: {  	v10 =	vld [tilespmem:s25+$0x8000]  }
0x128: {  	v11 =	vld [tilespmem:s25+$0xC050]  }
0x129: {  	v14 =	vld [tilespmem:s25+$0xC000]  }
0x12a: {  	v15 =	vld [tilespmem:s25+$0x8060]  }
0x12b: {  	v7 =	vld [tilespmem:s25+$0xC010]  }
0x12c: {  	v13 =	vld [tilespmem:s25+$0x8050];
	v6 =	vmul.f32 $1.400000000e+01, v6;
	v9 =	vmul.f32 $1.400000000e+01, v9  }
0x12d: {  	v16 =	vld [tilespmem:s25+$0x8040];
	v4 =	vmul.f32 $1.400000000e+01, v4;
	v10 =	vmul.f32 $1.400000000e+01, v10  }
0x12e: {  	v8 =	vld [tilespmem:s25+$0xC070];
	v19 =	vmul.f32 $1.400000000e+01, v11;
	v14 =	vmul.f32 $1.400000000e+01, v14;
	v6 =	vadd.f32 $1.350014020e+01, v6  }
0x12f: {  	v11 =	vld [tilespmem:s25+$0x8020];
	v15 =	vmul.f32 $1.400000000e+01, v15;
	v9 =	vadd.f32 $1.350014020e+01, v9;
	v17 =	vadd.f32 $1.350014020e+01, v4  }
0x130: {  	v12 =	vld [tilespmem:s25+$0x8010];
	v7 =	vmul.f32 $1.400000000e+01, v7;
	v20 =	vadd.f32 $1.350014020e+01, v10;
	v14 =	vadd.f32 $1.350014020e+01, v14  }
0x131: {  	v22 =	vld [tilespmem:s25+$0x14070];
	v13 =	vmul.f32 $1.400000000e+01, v13;
	v15 =	vadd.f32 $1.350014020e+01, v15;
	v6 =	vadd.f32 $8.388608000e+06, v6  }
0x132: {  	v23 =	vld [tilespmem:s25+$0xC060];
	v16 =	vmul.f32 $1.400000000e+01, v16;
	v9 =	vadd.f32 $8.388608000e+06, v9;
	v20 =	vadd.f32 $8.388608000e+06, v20  }
0x133: {  	v4 =	vld [tilespmem:s25+$0x14040];
	v18 =	vadd.s32 v1, v6;
	v6 =	vadd.f32 $1.350014020e+01, v7;
	v7 =	vmul.f32 $1.400000000e+01, v8  }
0x134: {  	v10 =	vld [tilespmem:s25+$0x14000];
	v24 =	vmul.f32 $1.400000000e+01, v11;
	v8 =	vadd.f32 $8.388608000e+06, v17;
	v17 =	vmul.f32 $1.400000000e+01, v5  }
0x135: {  	v5 =	vld [tilespmem:s25+$0x14030];
	v26 =	vadd.s32 v1, v9;
	v28 =	vadd.s32 v1, v20;
	v7 =	vadd.f32 $1.350014020e+01, v7  }
0x136: {  	v11 =	vld [tilespmem:s25+$0x14060];
	v20 =	vadd.f32 $8.388608000e+06, v15;
	v21 =	vadd.f32 $8.388608000e+06, v6;
	v6 =	vadd.s32 v2, v8  }
0x137: {  	v9 =	vld [tilespmem:s25+$0x14020];
	v8 =	vmul.f32 $1.400000000e+01, v12;
	v12 =	vadd.f32 $1.350014020e+01, v13;
	v7 =	vadd.f32 $8.388608000e+06, v7  }
0x138: {  	v23 =	vmul.f32 $1.400000000e+01, v23;
	v15 =	vld [tilespmem:s25+$0xC040];
	v13 =	vadd.f32 $1.350014020e+01, v17;
	v17 =	vadd.f32 $8.388608000e+06, v14  }
0x139: {  	v16 =	vadd.f32 $1.350014020e+01, v16;
	v25 =	vadd.f32 $1.350014020e+01, v8;
	v8 =	vld [tilespmem:s25+$0x14050];
	v27 =	vadd.s32 v2, v7  }
0x13a: {  	v19 =	vadd.f32 $1.350014020e+01, v19;
	v14 =	vadd.f32 $8.388608000e+06, v13;
	[tilespmem:v18+s17+$0x0] =	vst.idx.add.f32.msk $0xffff, v5;
	v18 =	vadd.s32 v2, v17  }
0x13b: {  	v13 =	vld [tilespmem:s25+$0x14010];
	v7 =	vadd.s32 v2, v21;
	v25 =	vadd.f32 $8.388608000e+06, v25;
	v21 =	vadd.f32 $1.350014020e+01, v24  }
0x13c: {  	v23 =	vadd.f32 $1.350014020e+01, v23;
	v16 =	vadd.f32 $8.388608000e+06, v16;
	[tilespmem:v26+s17+$0x0] =	vst.idx.add.f32.msk $0xffff, v22  }
0x13d: {  	v17 =	vadd.s32 v1, v20;
	[tilespmem:v28+s17+$0x0] =	vst.idx.add.f32.msk $0xffff, v10;
	v21 =	vadd.f32 $8.388608000e+06, v21;
	v20 =	vadd.s32 v1, v25  }
0x13e: {  	s26 =	sadd.s32 $0x1000, s23;
	v19 =	vadd.f32 $8.388608000e+06, v19;
	s25 =	simm.s32 $0x0;
	[tilespmem:v27+s17+$0x0] =	vst.idx.add.f32.msk $0xffff, v22;
	v22 =	vadd.f32 $8.388608000e+06, v23  }
.LBB2_8:
0x13f: {  	s28 =	sshra.s32 s26, $0x2;
	s25 =	sadd.s32 $0x8, s25;
	[tilespmem:v18+s17+$0x0] =	vst.idx.add.f32.msk $0xffff, v10;
	v10 =	vadd.s32 v1, v21  }
0x140: {  	v18 =	vld [tilespmem:s28+$0xC020];
	p0 =	slt.u32 s25, $0x78;
	v21 =	vadd.s32 v2, v22  }
0x141: {  	v14 =	vadd.s32 v2, v14;
	v22 =	vld [tilespmem:s28+$0xC030]  }
0x142: {  	v12 =	vadd.f32 $8.388608000e+06, v12;
	[tilespmem:v20+s17+$0x0] =	vst.idx.add.f32.msk $0xffff, v13  }
0x143: {  	v15 =	vmul.f32 $1.400000000e+01, v15;
	v20 =	vld [tilespmem:s28+$0x8030]  }
0x144: {  	v16 =	vadd.s32 v1, v16;
	v12 =	vadd.s32 v1, v12;
	[tilespmem:v17+s17+$0x0] =	vst.idx.add.f32.msk $0xffff, v11  }
0x145: {  	v15 =	vadd.f32 $1.350014020e+01, v15;
	v17 =	vadd.s32 v2, v19;
	[tilespmem:v21+s17+$0x0] =	vst.idx.add.f32.msk $0xffff, v11  }
0x146: {  	[tilespmem:v10+s17+$0x0] =	vst.idx.add.f32.msk $0xffff, v9  }
0x147: {  	v11 =	vadd.f32 $8.388608000e+06, v15;
	v10 =	vld [tilespmem:s28+$0xC010]  }
0x148: {  	[tilespmem:v7+s17+$0x0] =	vst.idx.add.f32.msk $0xffff, v13  }
0x149: {  	v7 =	vadd.s32 v2, v11;
	[tilespmem:v12+s17+$0x0] =	vst.idx.add.f32.msk $0xffff, v8  }
0x14a: {  	[tilespmem:v17+s17+$0x0] =	vst.idx.add.f32.msk $0xffff, v8  }
0x14b: {  	v8 =	vld [tilespmem:s28+$0xC070]  }
0x14c: {  	[tilespmem:v16+s17+$0x0] =	vst.idx.add.f32.msk $0xffff, v4  }
0x14d: {  	[tilespmem:v6+s17+$0x0] =	vst.idx.add.f32.msk $0xffff, v9  }
0x14e: {  	[tilespmem:v7+s17+$0x0] =	vst.idx.add.f32.msk $0xffff, v4  }
0x14f: {  	v4 =	vld [tilespmem:s28+$0x8070]  }
0x150: {  	[tilespmem:v14+s17+$0x0] =	vst.idx.add.f32.msk $0xffff, v5  }
0x151: {  	v6 =	vmul.f32 $1.400000000e+01, v20;
	v5 =	vld [tilespmem:s28+$0x8000]  }
0x152: {  	v7 =	vld [tilespmem:s28+$0xC050]  }
0x153: {  	v6 =	vadd.f32 $1.350014020e+01, v6;
	v9 =	vld [tilespmem:s28+$0x8010]  }
0x154: {  	v11 =	vld [tilespmem:s28+$0x8050];
	v4 =	vmul.f32 $1.400000000e+01, v4  }
0x155: {  	v13 =	vmul.f32 $1.400000000e+01, v18;
	v6 =	vadd.f32 $8.388608000e+06, v6;
	v12 =	vld [tilespmem:s28+$0xC000]  }
0x156: {  	v10 =	vmul.f32 $1.400000000e+01, v10;
	v5 =	vmul.f32 $1.400000000e+01, v5;
	v14 =	vld [tilespmem:s28+$0x8060];
	v15 =	vadd.f32 $1.350014020e+01, v4  }
0x157: {  	v4 =	vadd.f32 $1.350014020e+01, v13;
	v13 =	vadd.s32 v1, v6;
	v16 =	vld [tilespmem:s28+$0x8040];
	v17 =	vmul.f32 $1.400000000e+01, v7  }
0x158: {  	v7 =	vmul.f32 $1.400000000e+01, v8;
	v18 =	vadd.f32 $1.350014020e+01, v5;
	v5 =	vadd.f32 $1.350014020e+01, v10;
	v19 =	vld [tilespmem:s28+$0x8020]  }
0x159: {  	v8 =	vmul.f32 $1.400000000e+01, v22;
	v6 =	vadd.f32 $8.388608000e+06, v4;
	v15 =	vadd.f32 $8.388608000e+06, v15;
	v4 =	vld [tilespmem:s28+$0x14040]  }
0x15a: {  	v11 =	vmul.f32 $1.400000000e+01, v11;
	v12 =	vmul.f32 $1.400000000e+01, v12;
	v20 =	vadd.f32 $8.388608000e+06, v5;
	v5 =	vld [tilespmem:s28+$0x14030]  }
0x15b: {  	v21 =	vadd.f32 $1.350014020e+01, v7;
	v6 =	vadd.s32 v2, v6;
	v10 =	vld [tilespmem:s28+$0x14000];
	v14 =	vmul.f32 $1.400000000e+01, v14  }
0x15c: {  	v9 =	vmul.f32 $1.400000000e+01, v9;
	v22 =	vadd.f32 $1.350014020e+01, v12;
	v7 =	vadd.s32 v2, v20;
	v23 =	vld [tilespmem:s28+$0x14070]  }
0x15d: {  	v18 =	vadd.f32 $8.388608000e+06, v18;
	v21 =	vadd.f32 $8.388608000e+06, v21;
	v19 =	vmul.f32 $1.400000000e+01, v19;
	v20 =	vld [tilespmem:s28+$0xC060]  }
0x15e: {  	v24 =	vadd.f32 $1.350014020e+01, v9;
	v9 =	vmul.f32 $1.400000000e+01, v16;
	v12 =	vadd.f32 $1.350014020e+01, v11;
	v11 =	vld [tilespmem:s28+$0x14060]  }
0x15f: {  	v25 =	vadd.s32 v1, v15;
	v16 =	vadd.f32 $1.350014020e+01, v8;
	[tilespmem:v13+s17+$0x0] =	vst.idx.add.f32.msk $0xffff, v5;
	v13 =	vadd.f32 $1.350014020e+01, v14  }
0x160: {  	v26 =	vadd.s32 v2, v21;
	v15 =	vadd.f32 $8.388608000e+06, v22;
	v22 =	vadd.f32 $1.350014020e+01, v9;
	v8 =	vld [tilespmem:s28+$0x14050]  }
0x161: {  	v27 =	vadd.s32 v1, v18;
	v14 =	vadd.f32 $8.388608000e+06, v16;
	v9 =	vld [tilespmem:s28+$0x14020];
	v21 =	vadd.f32 $8.388608000e+06, v13  }
.Ltmp2:
0x162: {  	v24 =	vadd.f32 $8.388608000e+06, v24;
	v18 =	vadd.s32 v2, v15;
	v15 =	vld [tilespmem:s28+$0xC040];
	v20 =	vmul.f32 $1.400000000e+01, v20;
	(pc) =	sbr.rel @p0 .LBB2_8-.Ltmp2, $4  }
0x163: {  	v19 =	vadd.f32 $1.350014020e+01, v19;
	v16 =	vadd.f32 $8.388608000e+06, v22;
	v13 =	vld [tilespmem:s28+$0x14010]  }
0x164: {  	v22 =	vadd.f32 $1.350014020e+01, v17;
	v17 =	vadd.s32 v1, v21;
	v28 =	vadd.f32 $1.350014020e+01, v20;
	[tilespmem:v25+s17+$0x0] =	vst.idx.add.f32.msk $0xffff, v23  }
0x165: {  	v21 =	vadd.f32 $8.388608000e+06, v19;
	v20 =	vadd.s32 v1, v24;
	[tilespmem:v26+s17+$0x0] =	vst.idx.add.f32.msk $0xffff, v23  }
0x166: {  	s26 =	sadd.s32 $0x1000, s26;
	v19 =	vadd.f32 $8.388608000e+06, v22;
	[tilespmem:v27+s17+$0x0] =	vst.idx.add.f32.msk $0xffff, v10;
	v22 =	vadd.f32 $8.388608000e+06, v28  }
0x167: {  	_ =	sdelay $0x2  }
0x168: {  	v21 =	vadd.s32 v1, v21  }
0x169: {  	v15 =	vmul.f32 $1.400000000e+01, v15;
	[tilespmem:v18+s17+$0x0] =	vst.idx.add.f32.msk $0xffff, v10;
	v16 =	vadd.s32 v1, v16  }
0x16a: {  	[tilespmem:v17+s17+$0x0] =	vst.idx.add.f32.msk $0xffff, v11;
	v60 =	vadd.s32 v2, v14  }
0x16b: {  	v12 =	vadd.f32 $8.388608000e+06, v12;
	v22 =	vadd.s32 v2, v22;
	[tilespmem:v20+s17+$0x0] =	vst.idx.add.f32.msk $0xffff, v13;
	v56 =	vadd.f32 $1.350014020e+01, v15  }
0x16c: {  	[tilespmem:v7+s17+$0x0] =	vst.idx.add.f32.msk $0xffff, v13  }
0x16d: {  	v55 =	vadd.s32 v1, v12;
	v58 =	vadd.f32 $8.388608000e+06, v56;
	[tilespmem:v21+s17+$0x0] =	vst.idx.add.f32.msk $0xffff, v9  }
0x16e: {  	v57 =	vadd.s32 v2, v19;
	[tilespmem:v16+s17+$0x0] =	vst.idx.add.f32.msk $0xffff, v4  }
0x16f: {  	[tilespmem:v60+s17+$0x0] =	vst.idx.add.f32.msk $0xffff, v5;
	v59 =	vadd.s32 v2, v58  }
0x170: {  	[tilespmem:v22+s17+$0x0] =	vst.idx.add.f32.msk $0xffff, v11  }
0x171: {  	[tilespmem:v6+s17+$0x0] =	vst.idx.add.f32.msk $0xffff, v9  }
0x172: {  	[tilespmem:v55+s17+$0x0] =	vst.idx.add.f32.msk $0xffff, v8  }
0x173: {  	[tilespmem:v57+s17+$0x0] =	vst.idx.add.f32.msk $0xffff, v8  }
0x174: {  	[tilespmem:v59+s17+$0x0] =	vst.idx.add.f32.msk $0xffff, v4  }
0x175: {  	v4 =	vld [tilespmem:$0x18000]  }
0x176: {  	v5 =	vld [tilespmem:$0x18010]  }
0x177: {  	v6 =	vld [tilespmem:$0x18020]  }
0x178: {  	v7 =	vld [tilespmem:$0x18030]  }
0x179: {  	v8 =	vld [tilespmem:$0x18040]  }
0x17a: {  	[tilespmem:$0x18000] =	vst v0;
	v9 =	vld [tilespmem:$0x18050]  }
0x17b: {  	[tilespmem:$0x18010] =	vst v0;
	v10 =	vld [tilespmem:$0x18060]  }
0x17c: {  	[tilespmem:$0x18020] =	vst v0;
	v61 =	vld [tilespmem:$0x18070];
	v4 =	vadd.f32 v6, v4  }
0x17d: {  	[tilespmem:$0x18030] =	vst v0;
	v62 =	vld [tilespmem:$0x18080];
	v5 =	vadd.f32 v7, v5  }
0x17e: {  	[tilespmem:$0x18040] =	vst v0;
	v63 =	vld [tilespmem:$0x18090];
	v4 =	vadd.f32 v8, v4  }
0x17f: {  	[tilespmem:$0x18050] =	vst v0;
	v12 =	vld [tilespmem:$0x180A0];
	v5 =	vadd.f32 v9, v5  }
0x180: {  	[tilespmem:$0x18060] =	vst v0;
	v13 =	vld [tilespmem:$0x180B0];
	v4 =	vadd.f32 v10, v4  }
0x181: {  	[tilespmem:$0x18070] =	vst v0;
	v14 =	vld [tilespmem:$0x180C0];
	v5 =	vadd.f32 v61, v5  }
0x182: {  	[tilespmem:$0x18080] =	vst v0;
	v15 =	vld [tilespmem:$0x180D0];
	v4 =	vadd.f32 v62, v4  }
0x183: {  	[tilespmem:$0x18090] =	vst v0;
	v16 =	vld [tilespmem:$0x180E0];
	v5 =	vadd.f32 v63, v5  }
0x184: {  	[tilespmem:$0x180A0] =	vst v0;
	v17 =	vld [tilespmem:$0x180F0];
	v4 =	vadd.f32 v12, v4  }
0x185: {  	[tilespmem:$0x180B0] =	vst v0;
	v18 =	vld [tilespmem:$0x18100];
	v5 =	vadd.f32 v13, v5  }
0x186: {  	[tilespmem:$0x180C0] =	vst v0;
	v19 =	vld [tilespmem:$0x18110];
	v4 =	vadd.f32 v14, v4  }
0x187: {  	[tilespmem:$0x180D0] =	vst v0;
	v20 =	vld [tilespmem:$0x18120];
	v5 =	vadd.f32 v15, v5  }
0x188: {  	[tilespmem:$0x180E0] =	vst v0;
	v21 =	vld [tilespmem:$0x18130];
	v4 =	vadd.f32 v16, v4  }
0x189: {  	[tilespmem:$0x180F0] =	vst v0;
	v22 =	vld [tilespmem:$0x18140];
	v5 =	vadd.f32 v17, v5  }
0x18a: {  	[tilespmem:$0x18100] =	vst v0;
	v23 =	vld [tilespmem:$0x18150];
	v4 =	vadd.f32 v18, v4  }
0x18b: {  	[tilespmem:$0x18110] =	vst v0;
	v24 =	vld [tilespmem:$0x18160];
	v5 =	vadd.f32 v19, v5  }
0x18c: {  	[tilespmem:$0x18120] =	vst v0;
	v25 =	vld [tilespmem:$0x18170];
	v4 =	vadd.f32 v20, v4  }
0x18d: {  	[tilespmem:$0x18130] =	vst v0;
	v26 =	vld [tilespmem:$0x18180];
	v5 =	vadd.f32 v21, v5  }
0x18e: {  	[tilespmem:$0x18140] =	vst v0;
	v27 =	vld [tilespmem:$0x18190];
	v4 =	vadd.f32 v22, v4  }
0x18f: {  	[tilespmem:$0x18150] =	vst v0;
	v28 =	vld [tilespmem:$0x181A0];
	v5 =	vadd.f32 v23, v5  }
0x190: {  	[tilespmem:$0x18160] =	vst v0;
	v29 =	vld [tilespmem:$0x181B0];
	v4 =	vadd.f32 v24, v4  }
0x191: {  	[tilespmem:$0x18170] =	vst v0;
	v30 =	vld [tilespmem:$0x181C0];
	v5 =	vadd.f32 v25, v5  }
0x192: {  	[tilespmem:$0x18180] =	vst v0;
	v31 =	vld [tilespmem:$0x181D0];
	v4 =	vadd.f32 v26, v4  }
0x193: {  	[tilespmem:$0x18190] =	vst v0;
	v32 =	vld [tilespmem:$0x181E0];
	v5 =	vadd.f32 v27, v5  }
0x194: {  	[tilespmem:$0x181A0] =	vst v0;
	v33 =	vld [tilespmem:$0x181F0];
	v4 =	vadd.f32 v28, v4  }
0x195: {  	[tilespmem:$0x181B0] =	vst v0;
	v5 =	vadd.f32 v29, v5  }
0x196: {  	[tilespmem:$0x181C0] =	vst v0;
	v4 =	vadd.f32 v30, v4  }
0x197: {  	[tilespmem:$0x181D0] =	vst v0;
	v5 =	vadd.f32 v31, v5  }
0x198: {  	s25 =	sshll.u32 s24, $0x7;
	[tilespmem:$0x181E0] =	vst v0;
	v4 =	vadd.f32 v32, v4  }
0x199: {  	s25 =	sand.u32 $0x3FFFFF80, s25;
	[tilespmem:$0x181F0] =	vst v0;
	v5 =	vadd.f32 v33, v5  }
0x19a: {  	[tilespmem:v3+s25+$0x0 ss:$0x1] =	vst.idx.msk $0xffff, v4  }
0x19b: {  	[tilespmem:v3+s25+$0x10 ss:$0x1] =	vst.idx.msk $0xffff, v5  }
0x19c: {  	v4 =	vld [tilespmem:$0x18200]  }
0x19d: {  	v5 =	vld [tilespmem:$0x18210]  }
0x19e: {  	v34 =	vld [tilespmem:$0x18220]  }
0x19f: {  	v35 =	vld [tilespmem:$0x18230]  }
0x1a0: {  	v36 =	vld [tilespmem:$0x18240]  }
0x1a1: {  	[tilespmem:$0x18200] =	vst v0;
	v37 =	vld [tilespmem:$0x18250]  }
0x1a2: {  	[tilespmem:$0x18210] =	vst v0;
	v38 =	vld [tilespmem:$0x18260]  }
0x1a3: {  	[tilespmem:$0x18220] =	vst v0;
	v39 =	vld [tilespmem:$0x18270];
	v4 =	vadd.f32 v34, v4  }
0x1a4: {  	[tilespmem:$0x18230] =	vst v0;
	v40 =	vld [tilespmem:$0x18280];
	v5 =	vadd.f32 v35, v5  }
0x1a5: {  	[tilespmem:$0x18240] =	vst v0;
	v41 =	vld [tilespmem:$0x18290];
	v4 =	vadd.f32 v36, v4  }
0x1a6: {  	[tilespmem:$0x18250] =	vst v0;
	v42 =	vld [tilespmem:$0x182A0];
	v5 =	vadd.f32 v37, v5  }
0x1a7: {  	[tilespmem:$0x18260] =	vst v0;
	v43 =	vld [tilespmem:$0x182B0];
	v4 =	vadd.f32 v38, v4  }
0x1a8: {  	[tilespmem:$0x18270] =	vst v0;
	v44 =	vld [tilespmem:$0x182C0];
	v5 =	vadd.f32 v39, v5  }
0x1a9: {  	[tilespmem:$0x18280] =	vst v0;
	v45 =	vld [tilespmem:$0x182D0];
	v4 =	vadd.f32 v40, v4  }
0x1aa: {  	[tilespmem:$0x18290] =	vst v0;
	v46 =	vld [tilespmem:$0x182E0];
	v5 =	vadd.f32 v41, v5  }
0x1ab: {  	[tilespmem:$0x182A0] =	vst v0;
	v47 =	vld [tilespmem:$0x182F0];
	v4 =	vadd.f32 v42, v4  }
0x1ac: {  	[tilespmem:$0x182B0] =	vst v0;
	v48 =	vld [tilespmem:$0x18300];
	v5 =	vadd.f32 v43, v5  }
0x1ad: {  	[tilespmem:$0x182C0] =	vst v0;
	v49 =	vld [tilespmem:$0x18310];
	v4 =	vadd.f32 v44, v4  }
0x1ae: {  	[tilespmem:$0x182D0] =	vst v0;
	v50 =	vld [tilespmem:$0x18320];
	v5 =	vadd.f32 v45, v5  }
0x1af: {  	[tilespmem:$0x182E0] =	vst v0;
	v51 =	vld [tilespmem:$0x18330];
	v4 =	vadd.f32 v46, v4  }
0x1b0: {  	[tilespmem:$0x182F0] =	vst v0;
	v52 =	vld [tilespmem:$0x18340];
	v5 =	vadd.f32 v47, v5  }
0x1b1: {  	[tilespmem:$0x18300] =	vst v0;
	v53 =	vld [tilespmem:$0x18350];
	v4 =	vadd.f32 v48, v4  }
0x1b2: {  	[tilespmem:$0x18310] =	vst v0;
	v54 =	vld [tilespmem:$0x18360];
	v5 =	vadd.f32 v49, v5  }
0x1b3: {  	[tilespmem:$0x18320] =	vst v0;
	v55 =	vld [tilespmem:$0x18370];
	v4 =	vadd.f32 v50, v4  }
0x1b4: {  	[tilespmem:$0x18330] =	vst v0;
	v56 =	vld [tilespmem:$0x18380];
	v5 =	vadd.f32 v51, v5  }
0x1b5: {  	[tilespmem:$0x18340] =	vst v0;
	v57 =	vld [tilespmem:$0x18390];
	v4 =	vadd.f32 v52, v4  }
0x1b6: {  	[tilespmem:$0x18350] =	vst v0;
	v58 =	vld [tilespmem:$0x183A0];
	v5 =	vadd.f32 v53, v5  }
0x1b7: {  	[tilespmem:$0x18360] =	vst v0;
	v59 =	vld [tilespmem:$0x183B0];
	v4 =	vadd.f32 v54, v4  }
0x1b8: {  	[tilespmem:$0x18370] =	vst v0;
	v60 =	vld [tilespmem:$0x183C0];
	v5 =	vadd.f32 v55, v5  }
0x1b9: {  	[tilespmem:$0x18380] =	vst v0;
	v61 =	vld [tilespmem:$0x183D0];
	v4 =	vadd.f32 v56, v4  }
0x1ba: {  	[tilespmem:$0x18390] =	vst v0;
	v62 =	vld [tilespmem:$0x183E0];
	v5 =	vadd.f32 v57, v5  }
0x1bb: {  	[tilespmem:$0x183A0] =	vst v0;
	v63 =	vld [tilespmem:$0x183F0];
	v4 =	vadd.f32 v58, v4  }
0x1bc: {  	s24 =	sadd.s32 $0x1, s24;
	[tilespmem:$0x183B0] =	vst v0;
	v5 =	vadd.f32 v59, v5  }
0x1bd: {  	p0 =	sne.s32 s24, $0x8;
	[tilespmem:$0x183C0] =	vst v0;
	v4 =	vadd.f32 v60, v4  }
.Ltmp3:
0x1be: {  	[tilespmem:$0x183D0] =	vst v0;
	v5 =	vadd.f32 v61, v5;
	(pc) =	sbr.rel @p0 .LBB2_7-.Ltmp3, $4  }
0x1bf: {  	[tilespmem:$0x183E0] =	vst v0;
	v4 =	vadd.f32 v62, v4  }
0x1c0: {  	[tilespmem:$0x183F0] =	vst v0;
	v5 =	vadd.f32 v63, v5  }
0x1c1: {  	[tilespmem:v3+s25+$0x1000 ss:$0x1] =	vst.idx.msk $0xffff, v4  }
0x1c2: {  	s23 =	sadd.s32 $0x200, s23;
	[tilespmem:v3+s25+$0x1010 ss:$0x1] =	vst.idx.msk $0xffff, v5  }
0x1c3: {  	p0 =	sne.s32 s21, $0x3  }
0x1c4: {  	s20 =	sadd.s32 $0x1, s20;
	s21 =	sshll.u32 @!p0 s22, $0xA;
	s22 =	simm.s32 @!p0 $0x0  }
0x1c5: {  	s23 =	simm.s32 @!p0 $0x18400;
	p1 =	sne.s32 s20, $0x4;
	s21 =	sadd.s32 @!p0 s6, s21  }
0x1c6: {  	[hbm4b:s21+s22] =	stream.linear.scatter @!p0 [tilespmem:s23], [sflag:$0x3], $0x2000, $0x38;
	[tilespmem:$0x1A400] =	vst v63  }
.Ltmp4:
0x1c7: {  	_ = 	snop;
	(pc) =	sbr.rel @p1 .LBB2_2-.Ltmp4, $4  }
0x1c8: {  	s21 =	simm.s32 @!p0 $0x3  }
0x1c9: {  	_ =	swait.ge @!p0 [sflag:s21], $0x2000  }
0x1ca: {  	[sflag:s21] =	ssyncset.done @!p0 $0x0  }
0x1cb: {  	[sflag:s21] =	ssyncadd.s32 @!p0 $0xFFFFE000  }
0x1cc: {  	s19 =	sadd.s32 $0x1, s19  }
0x1cd: {  	p0 =	sne.s32 s19, s10  }
.Ltmp5:
0x1ce: {  	_ = 	snop;
	(pc) =	sbr.rel @p0 .LBB2_1-.Ltmp5, $1  }
0x1cf: {  	_ =	sdelay $0x3  }
0x1d0: {  	_ =	sfence.sel $0x180000  }
0x1d1: {  	[bflag:$0x0] =	sbarrier.arrive $0xFFFF  }
0x1d2: {  	p0 =	sne.s32 s2, $0x0;
	_ =	strace $0x90000047  }
0x1d3: {  	s0 =	sadd.s32 @!p0 $0x100000, s0;
	[bflag:$0x2] =	sbarrier.arrive $0xFFFF  }
0x1d4: {  	[sflag:s0] =	ssyncadd.tile.s32 @!p0 $0x1;
	_ =	shalt  }
.Lfunc_end2:
_tile_overlayer_lowered:
.L_overlay_start_2:
0x1d5: {  	(tag) =	ssettag $0x2  }
0x1d6: {  	s0 =	rddreg [dreg:$0x0];
	s2 =	stileid.u32  }
0x1d7: {  	s1 =	rddreg [dreg:$0x1];
	p0 =	sne.s32 s2, $0x0  }
0x1d8: {  	s3 =	rddreg [dreg:$0x2];
	[bflag:$0x3] =	sbarrier.arrive $0xFFFF;
	s2 =	simm.s32 @!p0 $0x1C03  }
0x1d9: {  	[timem:s3], [sflag:s2] =	dma.local @!p0 [hbm:s0], s1  }
0x1da: {  	s0 =	simm.s32 @!p0 $0x3  }
0x1db: {  	_ =	swait.ge @!p0 [sflag:s0], s1  }
0x1dc: {  	s1 =	ssub.s32 @!p0 $0x0, s1;
	[sflag:s0] =	ssyncset.done @!p0 $0x0  }
0x1dd: {  	[sflag:s0] =	ssyncadd.s32 @!p0 s1  }
0x1de: {  	[bflag:$0x3] =	sbarrier.arrive $0xFFFF  }
0x1df: {  	_ =	shalt  }

</sc_bundles>
